<compile_context>
chip_gen: v7x
topology: tpu7x:2x2x1
jax: 0.10.2.dev20260603
libtpu: 0.0.44.dev20260713+nightly
codegen_flags: <defaults>
</compile_context>

<pallas_src>
import functools

import jax
import jax.numpy as jnp
from jax import lax
from jax.experimental import pallas as pl
from jax.experimental.pallas import tpu as pltpu
from jax.experimental.pallas import tpu_sc as plsc

N = 10000
D = 128
E = 320000

NC = 2
NS = 16
CHUNK = 80
EPS = E // NS
ROWS_S = EPS // CHUNK
NHALF = 5120
ACC_ROWS = 5248
GARBAGE = NHALF
ZROWS_S = ACC_ROWS // NS
OUT_S = NHALF // NS
CW = 128

_mesh = plsc.VectorSubcoreMesh(core_axis_name="c", subcore_axis_name="s")


def _zero_chunks(total, step):
    out = []
    o = 0
    while o < total:
        ln = min(step, total - o)
        out.append((o, ln))
        o += ln
    return out


def _remap_dst(dst_v, c):
    base = c * NHALF
    for o in range(0, CHUNK, 16):
        v = dst_v[pl.ds(o, 16)] - base
        ok = (v >= 0) & (v < NHALF)
        dst_v[pl.ds(o, 16)] = jnp.where(ok, v, GARBAGE)


def _segment_sums(feat, src_flat, dst_flat, with_counts=False):
    out_type = [jax.ShapeDtypeStruct((NC, NHALF, D), jnp.float32)]
    scratch = [
        pltpu.VMEM((CHUNK,), jnp.int32),
        pltpu.VMEM((CHUNK,), jnp.int32),
        pltpu.VMEM((CHUNK, D), jnp.float32),
        pltpu.VMEM((CHUNK,), jnp.int32),
        pltpu.VMEM((CHUNK,), jnp.int32),
        pltpu.VMEM((CHUNK, D), jnp.float32),
        pltpu.VMEM_SHARED((ACC_ROWS, D), jnp.float32),
        pltpu.SemaphoreType.DMA,
        pltpu.SemaphoreType.DMA,
    ]
    if with_counts:
        out_type.append(jax.ShapeDtypeStruct((NC, NHALF, D), jnp.float32))
        scratch += [
            pltpu.VMEM((CHUNK, D), jnp.float32),
            pltpu.VMEM_SHARED((ACC_ROWS, D), jnp.float32),
        ]

    @functools.partial(
        pl.kernel,
        out_type=out_type,
        mesh=_mesh,
        scratch_types=scratch,
    )
    def k(feat_hbm, src_hbm, dst_hbm, *out_and_scratch):
        if with_counts:
            (sums_hbm, cnts_hbm,
             src0_v, dst0_v, rows0_v, src1_v, dst1_v, rows1_v,
             acc_sh, sem0, sem1, ones_v, cnt_sh) = out_and_scratch
        else:
            (sums_hbm,
             src0_v, dst0_v, rows0_v, src1_v, dst1_v, rows1_v,
             acc_sh, sem0, sem1) = out_and_scratch
        c = lax.axis_index("c")
        s = lax.axis_index("s")
        base_e = s * EPS

        zvec = jnp.zeros((16,), jnp.float32)

        @pl.loop(0, CHUNK)
        def _(r):
            @pl.loop(0, D, step=16)
            def _(cc):
                rows0_v[r, pl.ds(cc, 16)] = zvec

        zbase = s * ZROWS_S
        for off, ln in _zero_chunks(ZROWS_S, CHUNK):
            pltpu.sync_copy(rows0_v.at[pl.ds(0, ln)],
                            acc_sh.at[pl.ds(zbase + off, ln)])
            if with_counts:
                pltpu.sync_copy(rows0_v.at[pl.ds(0, ln)],
                                cnt_sh.at[pl.ds(zbase + off, ln)])
        if with_counts:
            ovec = jnp.full((16,), 1.0, jnp.float32)

            @pl.loop(0, CHUNK)
            def _(r):
                @pl.loop(0, D, step=16)
                def _(cc):
                    ones_v[r, pl.ds(cc, 16)] = ovec
        plsc.subcore_barrier()

        def load_idx(j, src_v, dst_v):
            e0 = base_e + j * CHUNK
            pltpu.sync_copy(src_hbm.at[pl.ds(e0, CHUNK)], src_v)
            pltpu.sync_copy(dst_hbm.at[pl.ds(e0, CHUNK)], dst_v)
            _remap_dst(dst_v, c)

        def fire(src_v, rows_v, sem):
            pltpu.async_copy(feat_hbm.at[src_v], rows_v, sem)

        def drain_scatter(src_v, rows_v, dst_v, sem):
            pltpu.make_async_copy(feat_hbm.at[src_v], rows_v, sem).wait()
            pltpu.sync_copy(rows_v, acc_sh.at[dst_v], add=True)
            if with_counts:
                pltpu.sync_copy(ones_v, cnt_sh.at[dst_v], add=True)

        load_idx(0, src0_v, dst0_v)
        fire(src0_v, rows0_v, sem0)

        @pl.loop(0, ROWS_S - 2, step=2)
        def _(i):
            load_idx(i + 1, src1_v, dst1_v)
            fire(src1_v, rows1_v, sem1)
            drain_scatter(src0_v, rows0_v, dst0_v, sem0)
            load_idx(i + 2, src0_v, dst0_v)
            fire(src0_v, rows0_v, sem0)
            drain_scatter(src1_v, rows1_v, dst1_v, sem1)

        load_idx(ROWS_S - 1, src1_v, dst1_v)
        fire(src1_v, rows1_v, sem1)
        drain_scatter(src0_v, rows0_v, dst0_v, sem0)
        drain_scatter(src1_v, rows1_v, dst1_v, sem1)

        plsc.subcore_barrier()
        obase = s * OUT_S
        pltpu.sync_copy(acc_sh.at[pl.ds(obase, OUT_S)],
                        sums_hbm.at[c].at[pl.ds(obase, OUT_S)])
        if with_counts:
            pltpu.sync_copy(cnt_sh.at[pl.ds(obase, OUT_S)],
                            cnts_hbm.at[c].at[pl.ds(obase, OUT_S)])

    res = k(feat, src_flat, dst_flat)
    if with_counts:
        sums, cnts = res
        return (sums.reshape(NC * NHALF, D), cnts.reshape(NC * NHALF, D))
    return res[0].reshape(NC * NHALF, D)


BN = 1000


def _tc_layer(sums, cnts, feat, Wl, bl, Wr, head=None):
    with_head = head is not None

    def body(*refs):
        if with_head:
            (sums_ref, cnt_ref, x_ref, wl_ref, bl_ref, wr_ref,
             wo_ref, bo_ref, o_ref) = refs
        else:
            (sums_ref, cnt_ref, x_ref, wl_ref, bl_ref, wr_ref,
             o_ref) = refs
        cnt = cnt_ref[:, 0:1]
        mean = sums_ref[...] / jnp.maximum(cnt, 1.0)
        h = (jnp.dot(mean, wl_ref[...], precision=lax.Precision.HIGHEST)
             + bl_ref[...]
             + jnp.dot(x_ref[...], wr_ref[...], precision=lax.Precision.HIGHEST))
        h = jnp.where(h >= 0, h, 0.01 * h)
        if with_head:
            o_ref[...] = (jnp.dot(h, wo_ref[...], precision=lax.Precision.HIGHEST)
                          + bo_ref[...])
        else:
            o_ref[...] = h

    in_specs = [
        pl.BlockSpec((BN, D), lambda i: (i, 0)),
        pl.BlockSpec((BN, CW), lambda i: (i, 0)),
        pl.BlockSpec((BN, D), lambda i: (i, 0)),
        pl.BlockSpec((D, D), lambda i: (0, 0)),
        pl.BlockSpec((1, D), lambda i: (0, 0)),
        pl.BlockSpec((D, D), lambda i: (0, 0)),
    ]
    args = [sums, cnts, feat, Wl, bl.reshape(1, D), Wr]
    if with_head:
        Wout, bout = head
        in_specs += [
            pl.BlockSpec((D, 1), lambda i: (0, 0)),
            pl.BlockSpec((1, 1), lambda i: (0, 0)),
        ]
        args += [Wout, bout.reshape(1, 1)]
        out_spec = pl.BlockSpec((BN, 1), lambda i: (i, 0))
        out_shape = jax.ShapeDtypeStruct((N, 1), jnp.float32)
    else:
        out_spec = pl.BlockSpec((BN, D), lambda i: (i, 0))
        out_shape = jax.ShapeDtypeStruct((N, D), jnp.float32)

    return pl.pallas_call(
        body,
        grid=(N // BN,),
        in_specs=in_specs,
        out_specs=out_spec,
        out_shape=out_shape,
    )(*args)


def kernel(x, edge_index, Wl1, bl1, Wr1, Wl2, bl2, Wr2, Wout, bout):
    src_flat = edge_index[0]
    dst_flat = edge_index[1]

    sums1, cnts = _segment_sums(x, src_flat, dst_flat, with_counts=True)
    h1 = _tc_layer(sums1, cnts, x, Wl1, bl1, Wr1)

    sums2 = _segment_sums(h1, src_flat, dst_flat)
    out = _tc_layer(sums2, cnts, h1, Wl2, bl2, Wr2, head=(Wout, bout))
    return out.reshape(N)

# --- scband reference (transcript-rebuilt; emitter-appended) ---
"""Pipeline reference for scband-lattice-gnn-87247965651265 (READ-ONLY COPY).

The authoritative reference and input builder live on the scoring server;
editing this copy changes nothing except your own understanding.
"""

import jax, jax.numpy as jnp
import numpy as np

N = 10000
E = 320000
D = 128
H = 128


def setup_inputs(seed: int = 0) -> dict:
    key = jax.random.key(seed)
    ks = jax.random.split(key, 12)
    x = jax.random.normal(ks[0], (N, D), dtype=jnp.float32)
    edge_index = jax.random.randint(ks[1], (2, E), 0, N, dtype=jnp.int32)
    s = 0.05
    Wl1 = jax.random.normal(ks[2], (D, H), dtype=jnp.float32) * s
    bl1 = jnp.zeros((H,), dtype=jnp.float32)
    Wr1 = jax.random.normal(ks[3], (D, H), dtype=jnp.float32) * s
    Wl2 = jax.random.normal(ks[4], (H, H), dtype=jnp.float32) * s
    bl2 = jnp.zeros((H,), dtype=jnp.float32)
    Wr2 = jax.random.normal(ks[5], (H, H), dtype=jnp.float32) * s
    Wout = jax.random.normal(ks[6], (H, 1), dtype=jnp.float32) * s
    bout = jnp.zeros((1,), dtype=jnp.float32)
    return {"x": x, "edge_index": edge_index, "Wl1": Wl1, "bl1": bl1, "Wr1": Wr1,
            "Wl2": Wl2, "bl2": bl2, "Wr2": Wr2, "Wout": Wout, "bout": bout}


def _sage_layer(x, edge_index, Wl, bl, Wr):
    # PyG SAGEConv: out = lin_l(mean_{j in N(i)} x_j) + lin_r(x_i)
    src = edge_index[0]
    dst = edge_index[1]
    msgs = jnp.take(x, src, axis=0)  # gather source-node features
    summed = jax.ops.segment_sum(msgs, dst, num_segments=x.shape[0])
    cnt = jax.ops.segment_sum(jnp.ones((edge_index.shape[1],), dtype=x.dtype), dst,
                              num_segments=x.shape[0])
    mean = summed / jnp.maximum(cnt, 1.0)[:, None]
    return mean @ Wl + bl + x @ Wr


def reference(x, edge_index, Wl1, bl1, Wr1, Wl2, bl2, Wr2, Wout, bout):
    h = jax.nn.leaky_relu(_sage_layer(x, edge_index, Wl1, bl1, Wr1), negative_slope=0.01)
    # dropout with p=0.0 is identity
    h = jax.nn.leaky_relu(_sage_layer(h, edge_index, Wl2, bl2, Wr2), negative_slope=0.01)
    out = h @ Wout + bout  # prediction head Linear(hidden, 1)
    return jnp.squeeze(out, axis=-1)

if __name__ == "__main__":
    import jax
    _d = setup_inputs()
    print(jax.jit(kernel)(*tuple(_d.values())))

</pallas_src>

<mosaic_0001>
#map = affine_map<(d0, d1) -> (0, 0)>
#map1 = affine_map<(d0, d1) -> (0)>
#map2 = affine_map<(d0, d1) -> (0, 0, 0)>
module attributes {stable_mosaic.version = 14 : i64} {
  func.func @k(%arg0: i32, %arg1: i32, %arg2: memref<10000x128xf32, #tpu.memory_space<hbm>>, %arg3: memref<320000xi32, #tpu.memory_space<hbm>>, %arg4: memref<320000xi32, #tpu.memory_space<hbm>>, %arg5: memref<2x5120x128xf32, #tpu.memory_space<hbm>>, %arg6: memref<80xi32, #tpu.memory_space<vmem>>, %arg7: memref<80xi32, #tpu.memory_space<vmem>>, %arg8: memref<80x128xf32, #tpu.memory_space<vmem>>, %arg9: memref<80xi32, #tpu.memory_space<vmem>>, %arg10: memref<80xi32, #tpu.memory_space<vmem>>, %arg11: memref<80x128xf32, #tpu.memory_space<vmem>>, %arg12: memref<5248x128xf32, #tpu.memory_space<vmem_shared>>, %arg13: memref<!tpu.dma_semaphore, #tpu.memory_space<semaphore_mem>>, %arg14: memref<!tpu.dma_semaphore, #tpu.memory_space<semaphore_mem>>) attributes {dimension_semantics = [#tpu.dimension_semantics<core_parallel>, #tpu.dimension_semantics<subcore_parallel>], iteration_bounds = array<i64: 2, 16>, scalar_prefetch = 0 : i64, scratch_operands = 9 : i64, tpu.core_type = #tpu.core_type<sc_vector_subcore>, window_params = [{transform_indices = #map}, {transform_indices = #map1}, {transform_indices = #map1}, {transform_indices = #map2}]} {
    %mul3A = arith.constant 20000 : i32
    %mul3A_0 = arith.muli %arg1, %mul3A : i32
    %broadcast_in_dim3A = arith.constant 0.000000e+00 : f32
    %broadcast_in_dim3A_1 = vector.broadcast %broadcast_in_dim3A : f32 to vector<16xf32>
    %scan3A = arith.constant 0 : i32
    %scan3A_2 = arith.constant 80 : i32
    %scan3A_3 = arith.addi %scan3A, %scan3A_2 : i32
    %scan3A_4 = arith.constant 1 : i32
    scf.for %scan3A_225 = %scan3A to %scan3A_3 step %scan3A_4  : i32 {
      %mul3A_226 = arith.constant 1 : i32
      %mul3A_227 = arith.muli %scan3A_225, %mul3A_226 : i32
      %add3A_228 = arith.constant 0 : i32
      %add3A_229 = arith.addi %add3A_228, %mul3A_227 : i32
      %scan3A_230 = arith.constant 0 : i32
      %scan3A_231 = arith.constant 8 : i32
      %scan3A_232 = arith.addi %scan3A_230, %scan3A_231 : i32
      %scan3A_233 = arith.constant 1 : i32
      scf.for %scan3A_235 = %scan3A_230 to %scan3A_232 step %scan3A_233  : i32 {
        %mul3A_236 = arith.constant 16 : i32
        %mul3A_237 = arith.muli %scan3A_235, %mul3A_236 : i32
        %add3A_238 = arith.constant 0 : i32
        %add3A_239 = arith.addi %add3A_238, %mul3A_237 : i32
        %swap3A_240 = arith.index_cast %add3A_229 : i32 to index
        %swap3A_241 = arith.index_cast %add3A_239 : i32 to index
        %swap3A_242 = tpu.vector_load %arg8[%swap3A_240, %swap3A_241] {strides = array<i32>} : memref<80x128xf32, #tpu.memory_space<vmem>>, vector<1x16xf32>,
        %swap3A_243 = vector.shape_cast %swap3A_242 : vector<1x16xf32> to vector<16xf32>
        %swap3A_244 = vector.shape_cast %broadcast_in_dim3A_1 : vector<16xf32> to vector<1x16xf32>
        tpu.vector_store %arg8[%swap3A_240, %swap3A_241], %swap3A_244 {strides = array<i32>} : memref<80x128xf32, #tpu.memory_space<vmem>>, vector<1x16xf32>,
      }
      %scan3A_234 = arith.constant 8 : i32
    }
    %scan3A_5 = arith.constant 80 : i32
    %mul3A_6 = arith.constant 328 : i32
    %mul3A_7 = arith.muli %arg1, %mul3A_6 : i32
    %add3A = arith.constant 0 : i32
    %add3A_8 = arith.addi %mul3A_7, %add3A : i32
    "tpu.region"() ({
      %run_scoped3A = tpu.sem_alloc : memref<!tpu.dma_semaphore, #tpu.memory_space<semaphore_mem>>
      %dma_start3A_225 = arith.constant 0 : i32
      %dma_start3A_226 = arith.constant 0 : i32
      %dma_start3A_227 = tpu.memref_slice %arg8[%dma_start3A_225, %dma_start3A_226] : memref<80x128xf32, #tpu.memory_space<vmem>> -> memref<80x128xf32, #tpu.memory_space<vmem>>
      %dma_start3A_228 = arith.constant 0 : i32
      %dma_start3A_229 = tpu.memref_slice %arg12[%add3A_8, %dma_start3A_228] : memref<5248x128xf32, #tpu.memory_space<vmem_shared>> -> memref<80x128xf32, #tpu.memory_space<vmem_shared>>
      %dma_start3A_230 = arith.constant 0 : i32
      %dma_start3A_231 = tpu.memref_slice %arg12[%add3A_8, %dma_start3A_230] : memref<5248x128xf32, #tpu.memory_space<vmem_shared>> -> memref<80x128xf32, #tpu.memory_space<vmem_shared>>
      %dma_start3A_232 = arith.constant 0 : i32
      %dma_start3A_233 = arith.constant 0 : i32
      %dma_start3A_234 = tpu.memref_slice %arg8[%dma_start3A_232, %dma_start3A_233] : memref<80x128xf32, #tpu.memory_space<vmem>> -> memref<80x128xf32, #tpu.memory_space<vmem>>
      tpu.enqueue_dma source(%dma_start3A_234 : memref<80x128xf32, #tpu.memory_space<vmem>>) target(%dma_start3A_231 : memref<80x128xf32, #tpu.memory_space<vmem_shared>>) target_semaphore(%run_scoped3A : memref<!tpu.dma_semaphore, #tpu.memory_space<semaphore_mem>>)
      %dma_wait3A_235 = arith.constant 0 : i32
      %dma_wait3A_236 = arith.constant 0 : i32
      %dma_wait3A_237 = tpu.memref_slice %arg8[%dma_wait3A_235, %dma_wait3A_236] : memref<80x128xf32, #tpu.memory_space<vmem>> -> memref<80x128xf32, #tpu.memory_space<vmem>>
      %dma_wait3A_238 = arith.constant 0 : i32
      %dma_wait3A_239 = tpu.memref_slice %arg12[%add3A_8, %dma_wait3A_238] : memref<5248x128xf32, #tpu.memory_space<vmem_shared>> -> memref<80x128xf32, #tpu.memory_space<vmem_shared>>
      %dma_wait3A_240 = arith.constant 0 : i32
      %dma_wait3A_241 = tpu.memref_slice %arg12[%add3A_8, %dma_wait3A_240] : memref<5248x128xf32, #tpu.memory_space<vmem_shared>> -> memref<80x128xf32, #tpu.memory_space<vmem_shared>>
      %dma_wait3A_242 = arith.constant 0 : i32
      %dma_wait3A_243 = arith.constant 0 : i32
      %dma_wait3A_244 = tpu.memref_slice %arg8[%dma_wait3A_242, %dma_wait3A_243] : memref<80x128xf32, #tpu.memory_space<vmem>> -> memref<80x128xf32, #tpu.memory_space<vmem>>
      tpu.wait_dma2 semaphore(%run_scoped3A : memref<!tpu.dma_semaphore, #tpu.memory_space<semaphore_mem>>) src(%dma_wait3A_244 : memref<80x128xf32, #tpu.memory_space<vmem>>) dst(%dma_wait3A_241 : memref<80x128xf32, #tpu.memory_space<vmem_shared>>)
      tpu.yield
    }) : () -> ()
    %add3A_9 = arith.constant 80 : i32
    %add3A_10 = arith.addi %mul3A_7, %add3A_9 : i32
    "tpu.region"() ({
      %run_scoped3A = tpu.sem_alloc : memref<!tpu.dma_semaphore, #tpu.memory_space<semaphore_mem>>
      %dma_start3A_225 = arith.constant 0 : i32
      %dma_start3A_226 = arith.constant 0 : i32
      %dma_start3A_227 = tpu.memref_slice %arg8[%dma_start3A_225, %dma_start3A_226] : memref<80x128xf32, #tpu.memory_space<vmem>> -> memref<80x128xf32, #tpu.memory_space<vmem>>
      %dma_start3A_228 = arith.constant 0 : i32
      %dma_start3A_229 = tpu.memref_slice %arg12[%add3A_10, %dma_start3A_228] : memref<5248x128xf32, #tpu.memory_space<vmem_shared>> -> memref<80x128xf32, #tpu.memory_space<vmem_shared>>
      %dma_start3A_230 = arith.constant 0 : i32
      %dma_start3A_231 = tpu.memref_slice %arg12[%add3A_10, %dma_start3A_230] : memref<5248x128xf32, #tpu.memory_space<vmem_shared>> -> memref<80x128xf32, #tpu.memory_space<vmem_shared>>
      %dma_start3A_232 = arith.constant 0 : i32
      %dma_start3A_233 = arith.constant 0 : i32
      %dma_start3A_234 = tpu.memref_slice %arg8[%dma_start3A_232, %dma_start3A_233] : memref<80x128xf32, #tpu.memory_space<vmem>> -> memref<80x128xf32, #tpu.memory_space<vmem>>
      tpu.enqueue_dma source(%dma_start3A_234 : memref<80x128xf32, #tpu.memory_space<vmem>>) target(%dma_start3A_231 : memref<80x128xf32, #tpu.memory_space<vmem_shared>>) target_semaphore(%run_scoped3A : memref<!tpu.dma_semaphore, #tpu.memory_space<semaphore_mem>>)
      %dma_wait3A_235 = arith.constant 0 : i32
      %dma_wait3A_236 = arith.constant 0 : i32
      %dma_wait3A_237 = tpu.memref_slice %arg8[%dma_wait3A_235, %dma_wait3A_236] : memref<80x128xf32, #tpu.memory_space<vmem>> -> memref<80x128xf32, #tpu.memory_space<vmem>>
      %dma_wait3A_238 = arith.constant 0 : i32
      %dma_wait3A_239 = tpu.memref_slice %arg12[%add3A_10, %dma_wait3A_238] : memref<5248x128xf32, #tpu.memory_space<vmem_shared>> -> memref<80x128xf32, #tpu.memory_space<vmem_shared>>
      %dma_wait3A_240 = arith.constant 0 : i32
      %dma_wait3A_241 = tpu.memref_slice %arg12[%add3A_10, %dma_wait3A_240] : memref<5248x128xf32, #tpu.memory_space<vmem_shared>> -> memref<80x128xf32, #tpu.memory_space<vmem_shared>>
      %dma_wait3A_242 = arith.constant 0 : i32
      %dma_wait3A_243 = arith.constant 0 : i32
      %dma_wait3A_244 = tpu.memref_slice %arg8[%dma_wait3A_242, %dma_wait3A_243] : memref<80x128xf32, #tpu.memory_space<vmem>> -> memref<80x128xf32, #tpu.memory_space<vmem>>
      tpu.wait_dma2 semaphore(%run_scoped3A : memref<!tpu.dma_semaphore, #tpu.memory_space<semaphore_mem>>) src(%dma_wait3A_244 : memref<80x128xf32, #tpu.memory_space<vmem>>) dst(%dma_wait3A_241 : memref<80x128xf32, #tpu.memory_space<vmem_shared>>)
      tpu.yield
    }) : () -> ()
    %add3A_11 = arith.constant 160 : i32
    %add3A_12 = arith.addi %mul3A_7, %add3A_11 : i32
    "tpu.region"() ({
      %run_scoped3A = tpu.sem_alloc : memref<!tpu.dma_semaphore, #tpu.memory_space<semaphore_mem>>
      %dma_start3A_225 = arith.constant 0 : i32
      %dma_start3A_226 = arith.constant 0 : i32
      %dma_start3A_227 = tpu.memref_slice %arg8[%dma_start3A_225, %dma_start3A_226] : memref<80x128xf32, #tpu.memory_space<vmem>> -> memref<80x128xf32, #tpu.memory_space<vmem>>
      %dma_start3A_228 = arith.constant 0 : i32
      %dma_start3A_229 = tpu.memref_slice %arg12[%add3A_12, %dma_start3A_228] : memref<5248x128xf32, #tpu.memory_space<vmem_shared>> -> memref<80x128xf32, #tpu.memory_space<vmem_shared>>
      %dma_start3A_230 = arith.constant 0 : i32
      %dma_start3A_231 = tpu.memref_slice %arg12[%add3A_12, %dma_start3A_230] : memref<5248x128xf32, #tpu.memory_space<vmem_shared>> -> memref<80x128xf32, #tpu.memory_space<vmem_shared>>
      %dma_start3A_232 = arith.constant 0 : i32
      %dma_start3A_233 = arith.constant 0 : i32
      %dma_start3A_234 = tpu.memref_slice %arg8[%dma_start3A_232, %dma_start3A_233] : memref<80x128xf32, #tpu.memory_space<vmem>> -> memref<80x128xf32, #tpu.memory_space<vmem>>
      tpu.enqueue_dma source(%dma_start3A_234 : memref<80x128xf32, #tpu.memory_space<vmem>>) target(%dma_start3A_231 : memref<80x128xf32, #tpu.memory_space<vmem_shared>>) target_semaphore(%run_scoped3A : memref<!tpu.dma_semaphore, #tpu.memory_space<semaphore_mem>>)
      %dma_wait3A_235 = arith.constant 0 : i32
      %dma_wait3A_236 = arith.constant 0 : i32
      %dma_wait3A_237 = tpu.memref_slice %arg8[%dma_wait3A_235, %dma_wait3A_236] : memref<80x128xf32, #tpu.memory_space<vmem>> -> memref<80x128xf32, #tpu.memory_space<vmem>>
      %dma_wait3A_238 = arith.constant 0 : i32
      %dma_wait3A_239 = tpu.memref_slice %arg12[%add3A_12, %dma_wait3A_238] : memref<5248x128xf32, #tpu.memory_space<vmem_shared>> -> memref<80x128xf32, #tpu.memory_space<vmem_shared>>
      %dma_wait3A_240 = arith.constant 0 : i32
      %dma_wait3A_241 = tpu.memref_slice %arg12[%add3A_12, %dma_wait3A_240] : memref<5248x128xf32, #tpu.memory_space<vmem_shared>> -> memref<80x128xf32, #tpu.memory_space<vmem_shared>>
      %dma_wait3A_242 = arith.constant 0 : i32
      %dma_wait3A_243 = arith.constant 0 : i32
      %dma_wait3A_244 = tpu.memref_slice %arg8[%dma_wait3A_242, %dma_wait3A_243] : memref<80x128xf32, #tpu.memory_space<vmem>> -> memref<80x128xf32, #tpu.memory_space<vmem>>
      tpu.wait_dma2 semaphore(%run_scoped3A : memref<!tpu.dma_semaphore, #tpu.memory_space<semaphore_mem>>) src(%dma_wait3A_244 : memref<80x128xf32, #tpu.memory_space<vmem>>) dst(%dma_wait3A_241 : memref<80x128xf32, #tpu.memory_space<vmem_shared>>)
      tpu.yield
    }) : () -> ()
    %add3A_13 = arith.constant 240 : i32
    %add3A_14 = arith.addi %mul3A_7, %add3A_13 : i32
    "tpu.region"() ({
      %run_scoped3A = tpu.sem_alloc : memref<!tpu.dma_semaphore, #tpu.memory_space<semaphore_mem>>
      %dma_start3A_225 = arith.constant 0 : i32
      %dma_start3A_226 = arith.constant 0 : i32
      %dma_start3A_227 = tpu.memref_slice %arg8[%dma_start3A_225, %dma_start3A_226] : memref<80x128xf32, #tpu.memory_space<vmem>> -> memref<80x128xf32, #tpu.memory_space<vmem>>
      %dma_start3A_228 = arith.constant 0 : i32
      %dma_start3A_229 = tpu.memref_slice %arg12[%add3A_14, %dma_start3A_228] : memref<5248x128xf32, #tpu.memory_space<vmem_shared>> -> memref<80x128xf32, #tpu.memory_space<vmem_shared>>
      %dma_start3A_230 = arith.constant 0 : i32
      %dma_start3A_231 = tpu.memref_slice %arg12[%add3A_14, %dma_start3A_230] : memref<5248x128xf32, #tpu.memory_space<vmem_shared>> -> memref<80x128xf32, #tpu.memory_space<vmem_shared>>
      %dma_start3A_232 = arith.constant 0 : i32
      %dma_start3A_233 = arith.constant 0 : i32
      %dma_start3A_234 = tpu.memref_slice %arg8[%dma_start3A_232, %dma_start3A_233] : memref<80x128xf32, #tpu.memory_space<vmem>> -> memref<80x128xf32, #tpu.memory_space<vmem>>
      tpu.enqueue_dma source(%dma_start3A_234 : memref<80x128xf32, #tpu.memory_space<vmem>>) target(%dma_start3A_231 : memref<80x128xf32, #tpu.memory_space<vmem_shared>>) target_semaphore(%run_scoped3A : memref<!tpu.dma_semaphore, #tpu.memory_space<semaphore_mem>>)
      %dma_wait3A_235 = arith.constant 0 : i32
      %dma_wait3A_236 = arith.constant 0 : i32
      %dma_wait3A_237 = tpu.memref_slice %arg8[%dma_wait3A_235, %dma_wait3A_236] : memref<80x128xf32, #tpu.memory_space<vmem>> -> memref<80x128xf32, #tpu.memory_space<vmem>>
      %dma_wait3A_238 = arith.constant 0 : i32
      %dma_wait3A_239 = tpu.memref_slice %arg12[%add3A_14, %dma_wait3A_238] : memref<5248x128xf32, #tpu.memory_space<vmem_shared>> -> memref<80x128xf32, #tpu.memory_space<vmem_shared>>
      %dma_wait3A_240 = arith.constant 0 : i32
      %dma_wait3A_241 = tpu.memref_slice %arg12[%add3A_14, %dma_wait3A_240] : memref<5248x128xf32, #tpu.memory_space<vmem_shared>> -> memref<80x128xf32, #tpu.memory_space<vmem_shared>>
      %dma_wait3A_242 = arith.constant 0 : i32
      %dma_wait3A_243 = arith.constant 0 : i32
      %dma_wait3A_244 = tpu.memref_slice %arg8[%dma_wait3A_242, %dma_wait3A_243] : memref<80x128xf32, #tpu.memory_space<vmem>> -> memref<80x128xf32, #tpu.memory_space<vmem>>
      tpu.wait_dma2 semaphore(%run_scoped3A : memref<!tpu.dma_semaphore, #tpu.memory_space<semaphore_mem>>) src(%dma_wait3A_244 : memref<80x128xf32, #tpu.memory_space<vmem>>) dst(%dma_wait3A_241 : memref<80x128xf32, #tpu.memory_space<vmem_shared>>)
      tpu.yield
    }) : () -> ()
    %add3A_15 = arith.constant 320 : i32
    %add3A_16 = arith.addi %mul3A_7, %add3A_15 : i32
    "tpu.region"() ({
      %run_scoped3A = tpu.sem_alloc : memref<!tpu.dma_semaphore, #tpu.memory_space<semaphore_mem>>
      %dma_start3A_225 = arith.constant 0 : i32
      %dma_start3A_226 = arith.constant 0 : i32
      %dma_start3A_227 = tpu.memref_slice %arg8[%dma_start3A_225, %dma_start3A_226] : memref<80x128xf32, #tpu.memory_space<vmem>> -> memref<8x128xf32, #tpu.memory_space<vmem>>
      %dma_start3A_228 = arith.constant 0 : i32
      %dma_start3A_229 = tpu.memref_slice %arg12[%add3A_16, %dma_start3A_228] : memref<5248x128xf32, #tpu.memory_space<vmem_shared>> -> memref<8x128xf32, #tpu.memory_space<vmem_shared>>
      %dma_start3A_230 = arith.constant 0 : i32
      %dma_start3A_231 = tpu.memref_slice %arg12[%add3A_16, %dma_start3A_230] : memref<5248x128xf32, #tpu.memory_space<vmem_shared>> -> memref<8x128xf32, #tpu.memory_space<vmem_shared>>
      %dma_start3A_232 = arith.constant 0 : i32
      %dma_start3A_233 = arith.constant 0 : i32
      %dma_start3A_234 = tpu.memref_slice %arg8[%dma_start3A_232, %dma_start3A_233] : memref<80x128xf32, #tpu.memory_space<vmem>> -> memref<8x128xf32, #tpu.memory_space<vmem>>
      tpu.enqueue_dma source(%dma_start3A_234 : memref<8x128xf32, #tpu.memory_space<vmem>>) target(%dma_start3A_231 : memref<8x128xf32, #tpu.memory_space<vmem_shared>>) target_semaphore(%run_scoped3A : memref<!tpu.dma_semaphore, #tpu.memory_space<semaphore_mem>>)
      %dma_wait3A_235 = arith.constant 0 : i32
      %dma_wait3A_236 = arith.constant 0 : i32
      %dma_wait3A_237 = tpu.memref_slice %arg8[%dma_wait3A_235, %dma_wait3A_236] : memref<80x128xf32, #tpu.memory_space<vmem>> -> memref<8x128xf32, #tpu.memory_space<vmem>>
      %dma_wait3A_238 = arith.constant 0 : i32
      %dma_wait3A_239 = tpu.memref_slice %arg12[%add3A_16, %dma_wait3A_238] : memref<5248x128xf32, #tpu.memory_space<vmem_shared>> -> memref<8x128xf32, #tpu.memory_space<vmem_shared>>
      %dma_wait3A_240 = arith.constant 0 : i32
      %dma_wait3A_241 = tpu.memref_slice %arg12[%add3A_16, %dma_wait3A_240] : memref<5248x128xf32, #tpu.memory_space<vmem_shared>> -> memref<8x128xf32, #tpu.memory_space<vmem_shared>>
      %dma_wait3A_242 = arith.constant 0 : i32
      %dma_wait3A_243 = arith.constant 0 : i32
      %dma_wait3A_244 = tpu.memref_slice %arg8[%dma_wait3A_242, %dma_wait3A_243] : memref<80x128xf32, #tpu.memory_space<vmem>> -> memref<8x128xf32, #tpu.memory_space<vmem>>
      tpu.wait_dma2 semaphore(%run_scoped3A : memref<!tpu.dma_semaphore, #tpu.memory_space<semaphore_mem>>) src(%dma_wait3A_244 : memref<8x128xf32, #tpu.memory_space<vmem>>) dst(%dma_wait3A_241 : memref<8x128xf32, #tpu.memory_space<vmem_shared>>)
      tpu.yield
    }) : () -> ()
    %barrier3A = arith.constant 0 : index
    tpu.barrier barrier_id(%barrier3A)
    %add3A_17 = arith.constant 0 : i32
    %add3A_18 = arith.addi %mul3A_0, %add3A_17 : i32
    "tpu.region"() ({
      %run_scoped3A = tpu.sem_alloc : memref<!tpu.dma_semaphore, #tpu.memory_space<semaphore_mem>>
      %dma_start3A_225 = tpu.memref_slice %arg3[%add3A_18] : memref<320000xi32, #tpu.memory_space<hbm>> -> memref<80xi32, #tpu.memory_space<hbm>>
      %dma_start3A_226 = tpu.memref_slice %arg3[%add3A_18] : memref<320000xi32, #tpu.memory_space<hbm>> -> memref<80xi32, #tpu.memory_space<hbm>>
      tpu.enqueue_dma source(%dma_start3A_226 : memref<80xi32, #tpu.memory_space<hbm>>) target(%arg6 : memref<80xi32, #tpu.memory_space<vmem>>) target_semaphore(%run_scoped3A : memref<!tpu.dma_semaphore, #tpu.memory_space<semaphore_mem>>)
      %dma_wait3A_227 = tpu.memref_slice %arg3[%add3A_18] : memref<320000xi32, #tpu.memory_space<hbm>> -> memref<80xi32, #tpu.memory_space<hbm>>
      %dma_wait3A_228 = tpu.memref_slice %arg3[%add3A_18] : memref<320000xi32, #tpu.memory_space<hbm>> -> memref<80xi32, #tpu.memory_space<hbm>>
      tpu.wait_dma2 semaphore(%run_scoped3A : memref<!tpu.dma_semaphore, #tpu.memory_space<semaphore_mem>>) src(%dma_wait3A_228 : memref<80xi32, #tpu.memory_space<hbm>>) dst(%arg6 : memref<80xi32, #tpu.memory_space<vmem>>)
      tpu.yield
    }) : () -> ()
    "tpu.region"() ({
      %run_scoped3A = tpu.sem_alloc : memref<!tpu.dma_semaphore, #tpu.memory_space<semaphore_mem>>
      %dma_start3A_225 = tpu.memref_slice %arg4[%add3A_18] : memref<320000xi32, #tpu.memory_space<hbm>> -> memref<80xi32, #tpu.memory_space<hbm>>
      %dma_start3A_226 = tpu.memref_slice %arg4[%add3A_18] : memref<320000xi32, #tpu.memory_space<hbm>> -> memref<80xi32, #tpu.memory_space<hbm>>
      tpu.enqueue_dma source(%dma_start3A_226 : memref<80xi32, #tpu.memory_space<hbm>>) target(%arg7 : memref<80xi32, #tpu.memory_space<vmem>>) target_semaphore(%run_scoped3A : memref<!tpu.dma_semaphore, #tpu.memory_space<semaphore_mem>>)
      %dma_wait3A_227 = tpu.memref_slice %arg4[%add3A_18] : memref<320000xi32, #tpu.memory_space<hbm>> -> memref<80xi32, #tpu.memory_space<hbm>>
      %dma_wait3A_228 = tpu.memref_slice %arg4[%add3A_18] : memref<320000xi32, #tpu.memory_space<hbm>> -> memref<80xi32, #tpu.memory_space<hbm>>
      tpu.wait_dma2 semaphore(%run_scoped3A : memref<!tpu.dma_semaphore, #tpu.memory_space<semaphore_mem>>) src(%dma_wait3A_228 : memref<80xi32, #tpu.memory_space<hbm>>) dst(%arg7 : memref<80xi32, #tpu.memory_space<vmem>>)
      tpu.yield
    }) : () -> ()
    %mul3A_19 = arith.constant 5120 : i32
    %mul3A_20 = arith.muli %arg0, %mul3A_19 : i32
    %get3A = arith.constant 0 : index
    %get3A_21 = tpu.vector_load %arg7[%get3A] {strides = array<i32>} : memref<80xi32, #tpu.memory_space<vmem>>, vector<16xi32>,
    %get3A_22 = vector.shape_cast %get3A_21 : vector<16xi32> to vector<16xi32>
    %sub3A = vector.broadcast %mul3A_20 : i32 to vector<16xi32>
    %sub3A_23 = arith.subi %get3A_22, %sub3A : vector<16xi32>
    %ge3A = arith.constant 0 : i32
    %ge3A_24 = vector.broadcast %ge3A : i32 to vector<16xi32>
    %ge3A_25 = arith.cmpi sge, %sub3A_23, %ge3A_24 : vector<16xi32>
    %lt3A = arith.constant 5120 : i32
    %lt3A_26 = vector.broadcast %lt3A : i32 to vector<16xi32>
    %lt3A_27 = arith.cmpi slt, %sub3A_23, %lt3A_26 : vector<16xi32>
    %and3A = arith.andi %ge3A_25, %lt3A_27 : vector<16xi1>
    %jit3A = arith.constant 5120 : i32
    %broadcast_in_dim3A_28 = vector.broadcast %jit3A : i32 to vector<16xi32>
    %select_n3A = arith.select %and3A, %sub3A_23, %broadcast_in_dim3A_28 : vector<16xi1>, vector<16xi32>
    %swap3A = arith.constant 0 : index
    %swap3A_29 = tpu.vector_load %arg7[%swap3A] {strides = array<i32>} : memref<80xi32, #tpu.memory_space<vmem>>, vector<16xi32>,
    %swap3A_30 = vector.shape_cast %swap3A_29 : vector<16xi32> to vector<16xi32>
    %swap3A_31 = vector.shape_cast %select_n3A : vector<16xi32> to vector<16xi32>
    tpu.vector_store %arg7[%swap3A], %swap3A_31 {strides = array<i32>} : memref<80xi32, #tpu.memory_space<vmem>>, vector<16xi32>,
    %get3A_32 = arith.constant 16 : index
    %get3A_33 = tpu.vector_load %arg7[%get3A_32] {strides = array<i32>} : memref<80xi32, #tpu.memory_space<vmem>>, vector<16xi32>,
    %get3A_34 = vector.shape_cast %get3A_33 : vector<16xi32> to vector<16xi32>
    %sub3A_35 = vector.broadcast %mul3A_20 : i32 to vector<16xi32>
    %sub3A_36 = arith.subi %get3A_34, %sub3A_35 : vector<16xi32>
    %ge3A_37 = arith.constant 0 : i32
    %ge3A_38 = vector.broadcast %ge3A_37 : i32 to vector<16xi32>
    %ge3A_39 = arith.cmpi sge, %sub3A_36, %ge3A_38 : vector<16xi32>
    %lt3A_40 = arith.constant 5120 : i32
    %lt3A_41 = vector.broadcast %lt3A_40 : i32 to vector<16xi32>
    %lt3A_42 = arith.cmpi slt, %sub3A_36, %lt3A_41 : vector<16xi32>
    %and3A_43 = arith.andi %ge3A_39, %lt3A_42 : vector<16xi1>
    %jit3A_44 = arith.constant 5120 : i32
    %broadcast_in_dim3A_45 = vector.broadcast %jit3A_44 : i32 to vector<16xi32>
    %select_n3A_46 = arith.select %and3A_43, %sub3A_36, %broadcast_in_dim3A_45 : vector<16xi1>, vector<16xi32>
    %swap3A_47 = arith.constant 16 : index
    %swap3A_48 = tpu.vector_load %arg7[%swap3A_47] {strides = array<i32>} : memref<80xi32, #tpu.memory_space<vmem>>, vector<16xi32>,
    %swap3A_49 = vector.shape_cast %swap3A_48 : vector<16xi32> to vector<16xi32>
    %swap3A_50 = vector.shape_cast %select_n3A_46 : vector<16xi32> to vector<16xi32>
    tpu.vector_store %arg7[%swap3A_47], %swap3A_50 {strides = array<i32>} : memref<80xi32, #tpu.memory_space<vmem>>, vector<16xi32>,
    %get3A_51 = arith.constant 32 : index
    %get3A_52 = tpu.vector_load %arg7[%get3A_51] {strides = array<i32>} : memref<80xi32, #tpu.memory_space<vmem>>, vector<16xi32>,
    %get3A_53 = vector.shape_cast %get3A_52 : vector<16xi32> to vector<16xi32>
    %sub3A_54 = vector.broadcast %mul3A_20 : i32 to vector<16xi32>
    %sub3A_55 = arith.subi %get3A_53, %sub3A_54 : vector<16xi32>
    %ge3A_56 = arith.constant 0 : i32
    %ge3A_57 = vector.broadcast %ge3A_56 : i32 to vector<16xi32>
    %ge3A_58 = arith.cmpi sge, %sub3A_55, %ge3A_57 : vector<16xi32>
    %lt3A_59 = arith.constant 5120 : i32
    %lt3A_60 = vector.broadcast %lt3A_59 : i32 to vector<16xi32>
    %lt3A_61 = arith.cmpi slt, %sub3A_55, %lt3A_60 : vector<16xi32>
    %and3A_62 = arith.andi %ge3A_58, %lt3A_61 : vector<16xi1>
    %jit3A_63 = arith.constant 5120 : i32
    %broadcast_in_dim3A_64 = vector.broadcast %jit3A_63 : i32 to vector<16xi32>
    %select_n3A_65 = arith.select %and3A_62, %sub3A_55, %broadcast_in_dim3A_64 : vector<16xi1>, vector<16xi32>
    %swap3A_66 = arith.constant 32 : index
    %swap3A_67 = tpu.vector_load %arg7[%swap3A_66] {strides = array<i32>} : memref<80xi32, #tpu.memory_space<vmem>>, vector<16xi32>,
    %swap3A_68 = vector.shape_cast %swap3A_67 : vector<16xi32> to vector<16xi32>
    %swap3A_69 = vector.shape_cast %select_n3A_65 : vector<16xi32> to vector<16xi32>
    tpu.vector_store %arg7[%swap3A_66], %swap3A_69 {strides = array<i32>} : memref<80xi32, #tpu.memory_space<vmem>>, vector<16xi32>,
    %get3A_70 = arith.constant 48 : index
    %get3A_71 = tpu.vector_load %arg7[%get3A_70] {strides = array<i32>} : memref<80xi32, #tpu.memory_space<vmem>>, vector<16xi32>,
    %get3A_72 = vector.shape_cast %get3A_71 : vector<16xi32> to vector<16xi32>
    %sub3A_73 = vector.broadcast %mul3A_20 : i32 to vector<16xi32>
    %sub3A_74 = arith.subi %get3A_72, %sub3A_73 : vector<16xi32>
    %ge3A_75 = arith.constant 0 : i32
    %ge3A_76 = vector.broadcast %ge3A_75 : i32 to vector<16xi32>
    %ge3A_77 = arith.cmpi sge, %sub3A_74, %ge3A_76 : vector<16xi32>
    %lt3A_78 = arith.constant 5120 : i32
    %lt3A_79 = vector.broadcast %lt3A_78 : i32 to vector<16xi32>
    %lt3A_80 = arith.cmpi slt, %sub3A_74, %lt3A_79 : vector<16xi32>
    %and3A_81 = arith.andi %ge3A_77, %lt3A_80 : vector<16xi1>
    %jit3A_82 = arith.constant 5120 : i32
    %broadcast_in_dim3A_83 = vector.broadcast %jit3A_82 : i32 to vector<16xi32>
    %select_n3A_84 = arith.select %and3A_81, %sub3A_74, %broadcast_in_dim3A_83 : vector<16xi1>, vector<16xi32>
    %swap3A_85 = arith.constant 48 : index
    %swap3A_86 = tpu.vector_load %arg7[%swap3A_85] {strides = array<i32>} : memref<80xi32, #tpu.memory_space<vmem>>, vector<16xi32>,
    %swap3A_87 = vector.shape_cast %swap3A_86 : vector<16xi32> to vector<16xi32>
    %swap3A_88 = vector.shape_cast %select_n3A_84 : vector<16xi32> to vector<16xi32>
    tpu.vector_store %arg7[%swap3A_85], %swap3A_88 {strides = array<i32>} : memref<80xi32, #tpu.memory_space<vmem>>, vector<16xi32>,
    %get3A_89 = arith.constant 64 : index
    %get3A_90 = tpu.vector_load %arg7[%get3A_89] {strides = array<i32>} : memref<80xi32, #tpu.memory_space<vmem>>, vector<16xi32>,
    %get3A_91 = vector.shape_cast %get3A_90 : vector<16xi32> to vector<16xi32>
    %sub3A_92 = vector.broadcast %mul3A_20 : i32 to vector<16xi32>
    %sub3A_93 = arith.subi %get3A_91, %sub3A_92 : vector<16xi32>
    %ge3A_94 = arith.constant 0 : i32
    %ge3A_95 = vector.broadcast %ge3A_94 : i32 to vector<16xi32>
    %ge3A_96 = arith.cmpi sge, %sub3A_93, %ge3A_95 : vector<16xi32>
    %lt3A_97 = arith.constant 5120 : i32
    %lt3A_98 = vector.broadcast %lt3A_97 : i32 to vector<16xi32>
    %lt3A_99 = arith.cmpi slt, %sub3A_93, %lt3A_98 : vector<16xi32>
    %and3A_100 = arith.andi %ge3A_96, %lt3A_99 : vector<16xi1>
    %jit3A_101 = arith.constant 5120 : i32
    %broadcast_in_dim3A_102 = vector.broadcast %jit3A_101 : i32 to vector<16xi32>
    %select_n3A_103 = arith.select %and3A_100, %sub3A_93, %broadcast_in_dim3A_102 : vector<16xi1>, vector<16xi32>
    %swap3A_104 = arith.constant 64 : index
    %swap3A_105 = tpu.vector_load %arg7[%swap3A_104] {strides = array<i32>} : memref<80xi32, #tpu.memory_space<vmem>>, vector<16xi32>,
    %swap3A_106 = vector.shape_cast %swap3A_105 : vector<16xi32> to vector<16xi32>
    %swap3A_107 = vector.shape_cast %select_n3A_103 : vector<16xi32> to vector<16xi32>
    tpu.vector_store %arg7[%swap3A_104], %swap3A_107 {strides = array<i32>} : memref<80xi32, #tpu.memory_space<vmem>>, vector<16xi32>,
    %dma_start3A = arith.constant 0 : i32
    %dma_start3A_108 = arith.constant 0 : i32
    %dma_start3A_109 = tpu.memref_slice %arg2[%dma_start3A, %dma_start3A_108] : memref<10000x128xf32, #tpu.memory_space<hbm>> -> memref<10000x128xf32, #tpu.memory_space<hbm>>
    tpu.enqueue_indirect_dma source(%dma_start3A_109 : memref<10000x128xf32, #tpu.memory_space<hbm>>) target(%arg8 : memref<80x128xf32, #tpu.memory_space<vmem>>) offsets(%arg6 : memref<80xi32, #tpu.memory_space<vmem>>) semaphore(%arg13 : memref<!tpu.dma_semaphore, #tpu.memory_space<semaphore_mem>>)
    %scan3A_110 = arith.constant 0 : i32
    %scan3A_111 = arith.constant 124 : i32
    %scan3A_112 = arith.addi %scan3A_110, %scan3A_111 : i32
    %scan3A_113 = arith.constant 1 : i32
    scf.for %scan3A_225 = %scan3A_110 to %scan3A_112 step %scan3A_113  : i32 {
      %mul3A_226 = arith.constant 2 : i32
      %mul3A_227 = arith.muli %scan3A_225, %mul3A_226 : i32
      %add3A_228 = arith.constant 0 : i32
      %add3A_229 = arith.addi %add3A_228, %mul3A_227 : i32
      %add3A_230 = arith.constant 1 : i32
      %add3A_231 = arith.addi %add3A_229, %add3A_230 : i32
      %mul3A_232 = arith.constant 80 : i32
      %mul3A_233 = arith.muli %add3A_231, %mul3A_232 : i32
      %add3A_234 = arith.addi %mul3A_0, %mul3A_233 : i32
      "tpu.region"() ({
        %run_scoped3A = tpu.sem_alloc : memref<!tpu.dma_semaphore, #tpu.memory_space<semaphore_mem>>
        %dma_start3A_446 = tpu.memref_slice %arg3[%add3A_234] : memref<320000xi32, #tpu.memory_space<hbm>> -> memref<80xi32, #tpu.memory_space<hbm>>
        %dma_start3A_447 = tpu.memref_slice %arg3[%add3A_234] : memref<320000xi32, #tpu.memory_space<hbm>> -> memref<80xi32, #tpu.memory_space<hbm>>
        tpu.enqueue_dma source(%dma_start3A_447 : memref<80xi32, #tpu.memory_space<hbm>>) target(%arg9 : memref<80xi32, #tpu.memory_space<vmem>>) target_semaphore(%run_scoped3A : memref<!tpu.dma_semaphore, #tpu.memory_space<semaphore_mem>>)
        %dma_wait3A_448 = tpu.memref_slice %arg3[%add3A_234] : memref<320000xi32, #tpu.memory_space<hbm>> -> memref<80xi32, #tpu.memory_space<hbm>>
        %dma_wait3A_449 = tpu.memref_slice %arg3[%add3A_234] : memref<320000xi32, #tpu.memory_space<hbm>> -> memref<80xi32, #tpu.memory_space<hbm>>
        tpu.wait_dma2 semaphore(%run_scoped3A : memref<!tpu.dma_semaphore, #tpu.memory_space<semaphore_mem>>) src(%dma_wait3A_449 : memref<80xi32, #tpu.memory_space<hbm>>) dst(%arg9 : memref<80xi32, #tpu.memory_space<vmem>>)
        tpu.yield
      }) : () -> ()
      "tpu.region"() ({
        %run_scoped3A = tpu.sem_alloc : memref<!tpu.dma_semaphore, #tpu.memory_space<semaphore_mem>>
        %dma_start3A_446 = tpu.memref_slice %arg4[%add3A_234] : memref<320000xi32, #tpu.memory_space<hbm>> -> memref<80xi32, #tpu.memory_space<hbm>>
        %dma_start3A_447 = tpu.memref_slice %arg4[%add3A_234] : memref<320000xi32, #tpu.memory_space<hbm>> -> memref<80xi32, #tpu.memory_space<hbm>>
        tpu.enqueue_dma source(%dma_start3A_447 : memref<80xi32, #tpu.memory_space<hbm>>) target(%arg10 : memref<80xi32, #tpu.memory_space<vmem>>) target_semaphore(%run_scoped3A : memref<!tpu.dma_semaphore, #tpu.memory_space<semaphore_mem>>)
        %dma_wait3A_448 = tpu.memref_slice %arg4[%add3A_234] : memref<320000xi32, #tpu.memory_space<hbm>> -> memref<80xi32, #tpu.memory_space<hbm>>
        %dma_wait3A_449 = tpu.memref_slice %arg4[%add3A_234] : memref<320000xi32, #tpu.memory_space<hbm>> -> memref<80xi32, #tpu.memory_space<hbm>>
        tpu.wait_dma2 semaphore(%run_scoped3A : memref<!tpu.dma_semaphore, #tpu.memory_space<semaphore_mem>>) src(%dma_wait3A_449 : memref<80xi32, #tpu.memory_space<hbm>>) dst(%arg10 : memref<80xi32, #tpu.memory_space<vmem>>)
        tpu.yield
      }) : () -> ()
      %mul3A_235 = arith.constant 5120 : i32
      %mul3A_236 = arith.muli %arg0, %mul3A_235 : i32
      %get3A_237 = arith.constant 0 : index
      %get3A_238 = tpu.vector_load %arg10[%get3A_237] {strides = array<i32>} : memref<80xi32, #tpu.memory_space<vmem>>, vector<16xi32>,
      %get3A_239 = vector.shape_cast %get3A_238 : vector<16xi32> to vector<16xi32>
      %sub3A_240 = vector.broadcast %mul3A_236 : i32 to vector<16xi32>
      %sub3A_241 = arith.subi %get3A_239, %sub3A_240 : vector<16xi32>
      %ge3A_242 = arith.constant 0 : i32
      %ge3A_243 = vector.broadcast %ge3A_242 : i32 to vector<16xi32>
      %ge3A_244 = arith.cmpi sge, %sub3A_241, %ge3A_243 : vector<16xi32>
      %lt3A_245 = arith.constant 5120 : i32
      %lt3A_246 = vector.broadcast %lt3A_245 : i32 to vector<16xi32>
      %lt3A_247 = arith.cmpi slt, %sub3A_241, %lt3A_246 : vector<16xi32>
      %and3A_248 = arith.andi %ge3A_244, %lt3A_247 : vector<16xi1>
      %jit3A_249 = arith.constant 5120 : i32
      %broadcast_in_dim3A_250 = vector.broadcast %jit3A_249 : i32 to vector<16xi32>
      %select_n3A_251 = arith.select %and3A_248, %sub3A_241, %broadcast_in_dim3A_250 : vector<16xi1>, vector<16xi32>
      %swap3A_252 = arith.constant 0 : index
      %swap3A_253 = tpu.vector_load %arg10[%swap3A_252] {strides = array<i32>} : memref<80xi32, #tpu.memory_space<vmem>>, vector<16xi32>,
      %swap3A_254 = vector.shape_cast %swap3A_253 : vector<16xi32> to vector<16xi32>
      %swap3A_255 = vector.shape_cast %select_n3A_251 : vector<16xi32> to vector<16xi32>
      tpu.vector_store %arg10[%swap3A_252], %swap3A_255 {strides = array<i32>} : memref<80xi32, #tpu.memory_space<vmem>>, vector<16xi32>,
      %get3A_256 = arith.constant 16 : index
      %get3A_257 = tpu.vector_load %arg10[%get3A_256] {strides = array<i32>} : memref<80xi32, #tpu.memory_space<vmem>>, vector<16xi32>,
      %get3A_258 = vector.shape_cast %get3A_257 : vector<16xi32> to vector<16xi32>
      %sub3A_259 = vector.broadcast %mul3A_236 : i32 to vector<16xi32>
      %sub3A_260 = arith.subi %get3A_258, %sub3A_259 : vector<16xi32>
      %ge3A_261 = arith.constant 0 : i32
      %ge3A_262 = vector.broadcast %ge3A_261 : i32 to vector<16xi32>
      %ge3A_263 = arith.cmpi sge, %sub3A_260, %ge3A_262 : vector<16xi32>
      %lt3A_264 = arith.constant 5120 : i32
      %lt3A_265 = vector.broadcast %lt3A_264 : i32 to vector<16xi32>
      %lt3A_266 = arith.cmpi slt, %sub3A_260, %lt3A_265 : vector<16xi32>
      %and3A_267 = arith.andi %ge3A_263, %lt3A_266 : vector<16xi1>
      %jit3A_268 = arith.constant 5120 : i32
      %broadcast_in_dim3A_269 = vector.broadcast %jit3A_268 : i32 to vector<16xi32>
      %select_n3A_270 = arith.select %and3A_267, %sub3A_260, %broadcast_in_dim3A_269 : vector<16xi1>, vector<16xi32>
      %swap3A_271 = arith.constant 16 : index
      %swap3A_272 = tpu.vector_load %arg10[%swap3A_271] {strides = array<i32>} : memref<80xi32, #tpu.memory_space<vmem>>, vector<16xi32>,
      %swap3A_273 = vector.shape_cast %swap3A_272 : vector<16xi32> to vector<16xi32>
      %swap3A_274 = vector.shape_cast %select_n3A_270 : vector<16xi32> to vector<16xi32>
      tpu.vector_store %arg10[%swap3A_271], %swap3A_274 {strides = array<i32>} : memref<80xi32, #tpu.memory_space<vmem>>, vector<16xi32>,
      %get3A_275 = arith.constant 32 : index
      %get3A_276 = tpu.vector_load %arg10[%get3A_275] {strides = array<i32>} : memref<80xi32, #tpu.memory_space<vmem>>, vector<16xi32>,
      %get3A_277 = vector.shape_cast %get3A_276 : vector<16xi32> to vector<16xi32>
      %sub3A_278 = vector.broadcast %mul3A_236 : i32 to vector<16xi32>
      %sub3A_279 = arith.subi %get3A_277, %sub3A_278 : vector<16xi32>
      %ge3A_280 = arith.constant 0 : i32
      %ge3A_281 = vector.broadcast %ge3A_280 : i32 to vector<16xi32>
      %ge3A_282 = arith.cmpi sge, %sub3A_279, %ge3A_281 : vector<16xi32>
      %lt3A_283 = arith.constant 5120 : i32
      %lt3A_284 = vector.broadcast %lt3A_283 : i32 to vector<16xi32>
      %lt3A_285 = arith.cmpi slt, %sub3A_279, %lt3A_284 : vector<16xi32>
      %and3A_286 = arith.andi %ge3A_282, %lt3A_285 : vector<16xi1>
      %jit3A_287 = arith.constant 5120 : i32
      %broadcast_in_dim3A_288 = vector.broadcast %jit3A_287 : i32 to vector<16xi32>
      %select_n3A_289 = arith.select %and3A_286, %sub3A_279, %broadcast_in_dim3A_288 : vector<16xi1>, vector<16xi32>
      %swap3A_290 = arith.constant 32 : index
      %swap3A_291 = tpu.vector_load %arg10[%swap3A_290] {strides = array<i32>} : memref<80xi32, #tpu.memory_space<vmem>>, vector<16xi32>,
      %swap3A_292 = vector.shape_cast %swap3A_291 : vector<16xi32> to vector<16xi32>
      %swap3A_293 = vector.shape_cast %select_n3A_289 : vector<16xi32> to vector<16xi32>
      tpu.vector_store %arg10[%swap3A_290], %swap3A_293 {strides = array<i32>} : memref<80xi32, #tpu.memory_space<vmem>>, vector<16xi32>,
      %get3A_294 = arith.constant 48 : index
      %get3A_295 = tpu.vector_load %arg10[%get3A_294] {strides = array<i32>} : memref<80xi32, #tpu.memory_space<vmem>>, vector<16xi32>,
      %get3A_296 = vector.shape_cast %get3A_295 : vector<16xi32> to vector<16xi32>
      %sub3A_297 = vector.broadcast %mul3A_236 : i32 to vector<16xi32>
      %sub3A_298 = arith.subi %get3A_296, %sub3A_297 : vector<16xi32>
      %ge3A_299 = arith.constant 0 : i32
      %ge3A_300 = vector.broadcast %ge3A_299 : i32 to vector<16xi32>
      %ge3A_301 = arith.cmpi sge, %sub3A_298, %ge3A_300 : vector<16xi32>
      %lt3A_302 = arith.constant 5120 : i32
      %lt3A_303 = vector.broadcast %lt3A_302 : i32 to vector<16xi32>
      %lt3A_304 = arith.cmpi slt, %sub3A_298, %lt3A_303 : vector<16xi32>
      %and3A_305 = arith.andi %ge3A_301, %lt3A_304 : vector<16xi1>
      %jit3A_306 = arith.constant 5120 : i32
      %broadcast_in_dim3A_307 = vector.broadcast %jit3A_306 : i32 to vector<16xi32>
      %select_n3A_308 = arith.select %and3A_305, %sub3A_298, %broadcast_in_dim3A_307 : vector<16xi1>, vector<16xi32>
      %swap3A_309 = arith.constant 48 : index
      %swap3A_310 = tpu.vector_load %arg10[%swap3A_309] {strides = array<i32>} : memref<80xi32, #tpu.memory_space<vmem>>, vector<16xi32>,
      %swap3A_311 = vector.shape_cast %swap3A_310 : vector<16xi32> to vector<16xi32>
      %swap3A_312 = vector.shape_cast %select_n3A_308 : vector<16xi32> to vector<16xi32>
      tpu.vector_store %arg10[%swap3A_309], %swap3A_312 {strides = array<i32>} : memref<80xi32, #tpu.memory_space<vmem>>, vector<16xi32>,
      %get3A_313 = arith.constant 64 : index
      %get3A_314 = tpu.vector_load %arg10[%get3A_313] {strides = array<i32>} : memref<80xi32, #tpu.memory_space<vmem>>, vector<16xi32>,
      %get3A_315 = vector.shape_cast %get3A_314 : vector<16xi32> to vector<16xi32>
      %sub3A_316 = vector.broadcast %mul3A_236 : i32 to vector<16xi32>
      %sub3A_317 = arith.subi %get3A_315, %sub3A_316 : vector<16xi32>
      %ge3A_318 = arith.constant 0 : i32
      %ge3A_319 = vector.broadcast %ge3A_318 : i32 to vector<16xi32>
      %ge3A_320 = arith.cmpi sge, %sub3A_317, %ge3A_319 : vector<16xi32>
      %lt3A_321 = arith.constant 5120 : i32
      %lt3A_322 = vector.broadcast %lt3A_321 : i32 to vector<16xi32>
      %lt3A_323 = arith.cmpi slt, %sub3A_317, %lt3A_322 : vector<16xi32>
      %and3A_324 = arith.andi %ge3A_320, %lt3A_323 : vector<16xi1>
      %jit3A_325 = arith.constant 5120 : i32
      %broadcast_in_dim3A_326 = vector.broadcast %jit3A_325 : i32 to vector<16xi32>
      %select_n3A_327 = arith.select %and3A_324, %sub3A_317, %broadcast_in_dim3A_326 : vector<16xi1>, vector<16xi32>
      %swap3A_328 = arith.constant 64 : index
      %swap3A_329 = tpu.vector_load %arg10[%swap3A_328] {strides = array<i32>} : memref<80xi32, #tpu.memory_space<vmem>>, vector<16xi32>,
      %swap3A_330 = vector.shape_cast %swap3A_329 : vector<16xi32> to vector<16xi32>
      %swap3A_331 = vector.shape_cast %select_n3A_327 : vector<16xi32> to vector<16xi32>
      tpu.vector_store %arg10[%swap3A_328], %swap3A_331 {strides = array<i32>} : memref<80xi32, #tpu.memory_space<vmem>>, vector<16xi32>,
      %dma_start3A_332 = arith.constant 0 : i32
      %dma_start3A_333 = arith.constant 0 : i32
      %dma_start3A_334 = tpu.memref_slice %arg2[%dma_start3A_332, %dma_start3A_333] : memref<10000x128xf32, #tpu.memory_space<hbm>> -> memref<10000x128xf32, #tpu.memory_space<hbm>>
      tpu.enqueue_indirect_dma source(%dma_start3A_334 : memref<10000x128xf32, #tpu.memory_space<hbm>>) target(%arg11 : memref<80x128xf32, #tpu.memory_space<vmem>>) offsets(%arg9 : memref<80xi32, #tpu.memory_space<vmem>>) semaphore(%arg14 : memref<!tpu.dma_semaphore, #tpu.memory_space<semaphore_mem>>)
      %dma_wait3A_335 = arith.constant 0 : i32
      %dma_wait3A_336 = arith.constant 0 : i32
      %dma_wait3A_337 = tpu.memref_slice %arg2[%dma_wait3A_335, %dma_wait3A_336] : memref<10000x128xf32, #tpu.memory_space<hbm>> -> memref<10000x128xf32, #tpu.memory_space<hbm>>
      tpu.wait_indirect_dma semaphore(%arg13 : memref<!tpu.dma_semaphore, #tpu.memory_space<semaphore_mem>>) src(%dma_wait3A_337 : memref<10000x128xf32, #tpu.memory_space<hbm>>) dst(%arg8 : memref<80x128xf32, #tpu.memory_space<vmem>>)
      "tpu.region"() ({
        %run_scoped3A = tpu.sem_alloc : memref<!tpu.dma_semaphore, #tpu.memory_space<semaphore_mem>>
        %dma_start3A_446 = arith.constant 0 : i32
        %dma_start3A_447 = arith.constant 0 : i32
        %dma_start3A_448 = tpu.memref_slice %arg12[%dma_start3A_446, %dma_start3A_447] : memref<5248x128xf32, #tpu.memory_space<vmem_shared>> -> memref<5248x128xf32, #tpu.memory_space<vmem_shared>>
        tpu.enqueue_indirect_dma source(%arg8 : memref<80x128xf32, #tpu.memory_space<vmem>>) target(%dma_start3A_448 : memref<5248x128xf32, #tpu.memory_space<vmem_shared>>) offsets(%arg7 : memref<80xi32, #tpu.memory_space<vmem>>) semaphore(%run_scoped3A : memref<!tpu.dma_semaphore, #tpu.memory_space<semaphore_mem>>) {add = true}
        %dma_wait3A_449 = arith.constant 0 : i32
        %dma_wait3A_450 = arith.constant 0 : i32
        %dma_wait3A_451 = tpu.memref_slice %arg12[%dma_wait3A_449, %dma_wait3A_450] : memref<5248x128xf32, #tpu.memory_space<vmem_shared>> -> memref<5248x128xf32, #tpu.memory_space<vmem_shared>>
        tpu.wait_indirect_dma semaphore(%run_scoped3A : memref<!tpu.dma_semaphore, #tpu.memory_space<semaphore_mem>>) src(%arg8 : memref<80x128xf32, #tpu.memory_space<vmem>>) dst(%dma_wait3A_451 : memref<5248x128xf32, #tpu.memory_space<vmem_shared>>)
        tpu.yield
      }) : () -> ()
      %add3A_338 = arith.constant 2 : i32
      %add3A_339 = arith.addi %add3A_229, %add3A_338 : i32
      %mul3A_340 = arith.constant 80 : i32
      %mul3A_341 = arith.muli %add3A_339, %mul3A_340 : i32
      %add3A_342 = arith.addi %mul3A_0, %mul3A_341 : i32
      "tpu.region"() ({
        %run_scoped3A = tpu.sem_alloc : memref<!tpu.dma_semaphore, #tpu.memory_space<semaphore_mem>>
        %dma_start3A_446 = tpu.memref_slice %arg3[%add3A_342] : memref<320000xi32, #tpu.memory_space<hbm>> -> memref<80xi32, #tpu.memory_space<hbm>>
        %dma_start3A_447 = tpu.memref_slice %arg3[%add3A_342] : memref<320000xi32, #tpu.memory_space<hbm>> -> memref<80xi32, #tpu.memory_space<hbm>>
        tpu.enqueue_dma source(%dma_start3A_447 : memref<80xi32, #tpu.memory_space<hbm>>) target(%arg6 : memref<80xi32, #tpu.memory_space<vmem>>) target_semaphore(%run_scoped3A : memref<!tpu.dma_semaphore, #tpu.memory_space<semaphore_mem>>)
        %dma_wait3A_448 = tpu.memref_slice %arg3[%add3A_342] : memref<320000xi32, #tpu.memory_space<hbm>> -> memref<80xi32, #tpu.memory_space<hbm>>
        %dma_wait3A_449 = tpu.memref_slice %arg3[%add3A_342] : memref<320000xi32, #tpu.memory_space<hbm>> -> memref<80xi32, #tpu.memory_space<hbm>>
        tpu.wait_dma2 semaphore(%run_scoped3A : memref<!tpu.dma_semaphore, #tpu.memory_space<semaphore_mem>>) src(%dma_wait3A_449 : memref<80xi32, #tpu.memory_space<hbm>>) dst(%arg6 : memref<80xi32, #tpu.memory_space<vmem>>)
        tpu.yield
      }) : () -> ()
      "tpu.region"() ({
        %run_scoped3A = tpu.sem_alloc : memref<!tpu.dma_semaphore, #tpu.memory_space<semaphore_mem>>
        %dma_start3A_446 = tpu.memref_slice %arg4[%add3A_342] : memref<320000xi32, #tpu.memory_space<hbm>> -> memref<80xi32, #tpu.memory_space<hbm>>
        %dma_start3A_447 = tpu.memref_slice %arg4[%add3A_342] : memref<320000xi32, #tpu.memory_space<hbm>> -> memref<80xi32, #tpu.memory_space<hbm>>
        tpu.enqueue_dma source(%dma_start3A_447 : memref<80xi32, #tpu.memory_space<hbm>>) target(%arg7 : memref<80xi32, #tpu.memory_space<vmem>>) target_semaphore(%run_scoped3A : memref<!tpu.dma_semaphore, #tpu.memory_space<semaphore_mem>>)
        %dma_wait3A_448 = tpu.memref_slice %arg4[%add3A_342] : memref<320000xi32, #tpu.memory_space<hbm>> -> memref<80xi32, #tpu.memory_space<hbm>>
        %dma_wait3A_449 = tpu.memref_slice %arg4[%add3A_342] : memref<320000xi32, #tpu.memory_space<hbm>> -> memref<80xi32, #tpu.memory_space<hbm>>
        tpu.wait_dma2 semaphore(%run_scoped3A : memref<!tpu.dma_semaphore, #tpu.memory_space<semaphore_mem>>) src(%dma_wait3A_449 : memref<80xi32, #tpu.memory_space<hbm>>) dst(%arg7 : memref<80xi32, #tpu.memory_space<vmem>>)
        tpu.yield
      }) : () -> ()
      %mul3A_343 = arith.constant 5120 : i32
      %mul3A_344 = arith.muli %arg0, %mul3A_343 : i32
      %get3A_345 = arith.constant 0 : index
      %get3A_346 = tpu.vector_load %arg7[%get3A_345] {strides = array<i32>} : memref<80xi32, #tpu.memory_space<vmem>>, vector<16xi32>,
      %get3A_347 = vector.shape_cast %get3A_346 : vector<16xi32> to vector<16xi32>
      %sub3A_348 = vector.broadcast %mul3A_344 : i32 to vector<16xi32>
      %sub3A_349 = arith.subi %get3A_347, %sub3A_348 : vector<16xi32>
      %ge3A_350 = arith.constant 0 : i32
      %ge3A_351 = vector.broadcast %ge3A_350 : i32 to vector<16xi32>
      %ge3A_352 = arith.cmpi sge, %sub3A_349, %ge3A_351 : vector<16xi32>
      %lt3A_353 = arith.constant 5120 : i32
      %lt3A_354 = vector.broadcast %lt3A_353 : i32 to vector<16xi32>
      %lt3A_355 = arith.cmpi slt, %sub3A_349, %lt3A_354 : vector<16xi32>
      %and3A_356 = arith.andi %ge3A_352, %lt3A_355 : vector<16xi1>
      %jit3A_357 = arith.constant 5120 : i32
      %broadcast_in_dim3A_358 = vector.broadcast %jit3A_357 : i32 to vector<16xi32>
      %select_n3A_359 = arith.select %and3A_356, %sub3A_349, %broadcast_in_dim3A_358 : vector<16xi1>, vector<16xi32>
      %swap3A_360 = arith.constant 0 : index
      %swap3A_361 = tpu.vector_load %arg7[%swap3A_360] {strides = array<i32>} : memref<80xi32, #tpu.memory_space<vmem>>, vector<16xi32>,
      %swap3A_362 = vector.shape_cast %swap3A_361 : vector<16xi32> to vector<16xi32>
      %swap3A_363 = vector.shape_cast %select_n3A_359 : vector<16xi32> to vector<16xi32>
      tpu.vector_store %arg7[%swap3A_360], %swap3A_363 {strides = array<i32>} : memref<80xi32, #tpu.memory_space<vmem>>, vector<16xi32>,
      %get3A_364 = arith.constant 16 : index
      %get3A_365 = tpu.vector_load %arg7[%get3A_364] {strides = array<i32>} : memref<80xi32, #tpu.memory_space<vmem>>, vector<16xi32>,
      %get3A_366 = vector.shape_cast %get3A_365 : vector<16xi32> to vector<16xi32>
      %sub3A_367 = vector.broadcast %mul3A_344 : i32 to vector<16xi32>
      %sub3A_368 = arith.subi %get3A_366, %sub3A_367 : vector<16xi32>
      %ge3A_369 = arith.constant 0 : i32
      %ge3A_370 = vector.broadcast %ge3A_369 : i32 to vector<16xi32>
      %ge3A_371 = arith.cmpi sge, %sub3A_368, %ge3A_370 : vector<16xi32>
      %lt3A_372 = arith.constant 5120 : i32
      %lt3A_373 = vector.broadcast %lt3A_372 : i32 to vector<16xi32>
      %lt3A_374 = arith.cmpi slt, %sub3A_368, %lt3A_373 : vector<16xi32>
      %and3A_375 = arith.andi %ge3A_371, %lt3A_374 : vector<16xi1>
      %jit3A_376 = arith.constant 5120 : i32
      %broadcast_in_dim3A_377 = vector.broadcast %jit3A_376 : i32 to vector<16xi32>
      %select_n3A_378 = arith.select %and3A_375, %sub3A_368, %broadcast_in_dim3A_377 : vector<16xi1>, vector<16xi32>
      %swap3A_379 = arith.constant 16 : index
      %swap3A_380 = tpu.vector_load %arg7[%swap3A_379] {strides = array<i32>} : memref<80xi32, #tpu.memory_space<vmem>>, vector<16xi32>,
      %swap3A_381 = vector.shape_cast %swap3A_380 : vector<16xi32> to vector<16xi32>
      %swap3A_382 = vector.shape_cast %select_n3A_378 : vector<16xi32> to vector<16xi32>
      tpu.vector_store %arg7[%swap3A_379], %swap3A_382 {strides = array<i32>} : memref<80xi32, #tpu.memory_space<vmem>>, vector<16xi32>,
      %get3A_383 = arith.constant 32 : index
      %get3A_384 = tpu.vector_load %arg7[%get3A_383] {strides = array<i32>} : memref<80xi32, #tpu.memory_space<vmem>>, vector<16xi32>,
      %get3A_385 = vector.shape_cast %get3A_384 : vector<16xi32> to vector<16xi32>
      %sub3A_386 = vector.broadcast %mul3A_344 : i32 to vector<16xi32>
      %sub3A_387 = arith.subi %get3A_385, %sub3A_386 : vector<16xi32>
      %ge3A_388 = arith.constant 0 : i32
      %ge3A_389 = vector.broadcast %ge3A_388 : i32 to vector<16xi32>
      %ge3A_390 = arith.cmpi sge, %sub3A_387, %ge3A_389 : vector<16xi32>
      %lt3A_391 = arith.constant 5120 : i32
      %lt3A_392 = vector.broadcast %lt3A_391 : i32 to vector<16xi32>
      %lt3A_393 = arith.cmpi slt, %sub3A_387, %lt3A_392 : vector<16xi32>
      %and3A_394 = arith.andi %ge3A_390, %lt3A_393 : vector<16xi1>
      %jit3A_395 = arith.constant 5120 : i32
      %broadcast_in_dim3A_396 = vector.broadcast %jit3A_395 : i32 to vector<16xi32>
      %select_n3A_397 = arith.select %and3A_394, %sub3A_387, %broadcast_in_dim3A_396 : vector<16xi1>, vector<16xi32>
      %swap3A_398 = arith.constant 32 : index
      %swap3A_399 = tpu.vector_load %arg7[%swap3A_398] {strides = array<i32>} : memref<80xi32, #tpu.memory_space<vmem>>, vector<16xi32>,
      %swap3A_400 = vector.shape_cast %swap3A_399 : vector<16xi32> to vector<16xi32>
      %swap3A_401 = vector.shape_cast %select_n3A_397 : vector<16xi32> to vector<16xi32>
      tpu.vector_store %arg7[%swap3A_398], %swap3A_401 {strides = array<i32>} : memref<80xi32, #tpu.memory_space<vmem>>, vector<16xi32>,
      %get3A_402 = arith.constant 48 : index
      %get3A_403 = tpu.vector_load %arg7[%get3A_402] {strides = array<i32>} : memref<80xi32, #tpu.memory_space<vmem>>, vector<16xi32>,
      %get3A_404 = vector.shape_cast %get3A_403 : vector<16xi32> to vector<16xi32>
      %sub3A_405 = vector.broadcast %mul3A_344 : i32 to vector<16xi32>
      %sub3A_406 = arith.subi %get3A_404, %sub3A_405 : vector<16xi32>
      %ge3A_407 = arith.constant 0 : i32
      %ge3A_408 = vector.broadcast %ge3A_407 : i32 to vector<16xi32>
      %ge3A_409 = arith.cmpi sge, %sub3A_406, %ge3A_408 : vector<16xi32>
      %lt3A_410 = arith.constant 5120 : i32
      %lt3A_411 = vector.broadcast %lt3A_410 : i32 to vector<16xi32>
      %lt3A_412 = arith.cmpi slt, %sub3A_406, %lt3A_411 : vector<16xi32>
      %and3A_413 = arith.andi %ge3A_409, %lt3A_412 : vector<16xi1>
      %jit3A_414 = arith.constant 5120 : i32
      %broadcast_in_dim3A_415 = vector.broadcast %jit3A_414 : i32 to vector<16xi32>
      %select_n3A_416 = arith.select %and3A_413, %sub3A_406, %broadcast_in_dim3A_415 : vector<16xi1>, vector<16xi32>
      %swap3A_417 = arith.constant 48 : index
      %swap3A_418 = tpu.vector_load %arg7[%swap3A_417] {strides = array<i32>} : memref<80xi32, #tpu.memory_space<vmem>>, vector<16xi32>,
      %swap3A_419 = vector.shape_cast %swap3A_418 : vector<16xi32> to vector<16xi32>
      %swap3A_420 = vector.shape_cast %select_n3A_416 : vector<16xi32> to vector<16xi32>
      tpu.vector_store %arg7[%swap3A_417], %swap3A_420 {strides = array<i32>} : memref<80xi32, #tpu.memory_space<vmem>>, vector<16xi32>,
      %get3A_421 = arith.constant 64 : index
      %get3A_422 = tpu.vector_load %arg7[%get3A_421] {strides = array<i32>} : memref<80xi32, #tpu.memory_space<vmem>>, vector<16xi32>,
      %get3A_423 = vector.shape_cast %get3A_422 : vector<16xi32> to vector<16xi32>
      %sub3A_424 = vector.broadcast %mul3A_344 : i32 to vector<16xi32>
      %sub3A_425 = arith.subi %get3A_423, %sub3A_424 : vector<16xi32>
      %ge3A_426 = arith.constant 0 : i32
      %ge3A_427 = vector.broadcast %ge3A_426 : i32 to vector<16xi32>
      %ge3A_428 = arith.cmpi sge, %sub3A_425, %ge3A_427 : vector<16xi32>
      %lt3A_429 = arith.constant 5120 : i32
      %lt3A_430 = vector.broadcast %lt3A_429 : i32 to vector<16xi32>
      %lt3A_431 = arith.cmpi slt, %sub3A_425, %lt3A_430 : vector<16xi32>
      %and3A_432 = arith.andi %ge3A_428, %lt3A_431 : vector<16xi1>
      %jit3A_433 = arith.constant 5120 : i32
      %broadcast_in_dim3A_434 = vector.broadcast %jit3A_433 : i32 to vector<16xi32>
      %select_n3A_435 = arith.select %and3A_432, %sub3A_425, %broadcast_in_dim3A_434 : vector<16xi1>, vector<16xi32>
      %swap3A_436 = arith.constant 64 : index
      %swap3A_437 = tpu.vector_load %arg7[%swap3A_436] {strides = array<i32>} : memref<80xi32, #tpu.memory_space<vmem>>, vector<16xi32>,
      %swap3A_438 = vector.shape_cast %swap3A_437 : vector<16xi32> to vector<16xi32>
      %swap3A_439 = vector.shape_cast %select_n3A_435 : vector<16xi32> to vector<16xi32>
      tpu.vector_store %arg7[%swap3A_436], %swap3A_439 {strides = array<i32>} : memref<80xi32, #tpu.memory_space<vmem>>, vector<16xi32>,
      %dma_start3A_440 = arith.constant 0 : i32
      %dma_start3A_441 = arith.constant 0 : i32
      %dma_start3A_442 = tpu.memref_slice %arg2[%dma_start3A_440, %dma_start3A_441] : memref<10000x128xf32, #tpu.memory_space<hbm>> -> memref<10000x128xf32, #tpu.memory_space<hbm>>
      tpu.enqueue_indirect_dma source(%dma_start3A_442 : memref<10000x128xf32, #tpu.memory_space<hbm>>) target(%arg8 : memref<80x128xf32, #tpu.memory_space<vmem>>) offsets(%arg6 : memref<80xi32, #tpu.memory_space<vmem>>) semaphore(%arg13 : memref<!tpu.dma_semaphore, #tpu.memory_space<semaphore_mem>>)
      %dma_wait3A_443 = arith.constant 0 : i32
      %dma_wait3A_444 = arith.constant 0 : i32
      %dma_wait3A_445 = tpu.memref_slice %arg2[%dma_wait3A_443, %dma_wait3A_444] : memref<10000x128xf32, #tpu.memory_space<hbm>> -> memref<10000x128xf32, #tpu.memory_space<hbm>>
      tpu.wait_indirect_dma semaphore(%arg14 : memref<!tpu.dma_semaphore, #tpu.memory_space<semaphore_mem>>) src(%dma_wait3A_445 : memref<10000x128xf32, #tpu.memory_space<hbm>>) dst(%arg11 : memref<80x128xf32, #tpu.memory_space<vmem>>)
      "tpu.region"() ({
        %run_scoped3A = tpu.sem_alloc : memref<!tpu.dma_semaphore, #tpu.memory_space<semaphore_mem>>
        %dma_start3A_446 = arith.constant 0 : i32
        %dma_start3A_447 = arith.constant 0 : i32
        %dma_start3A_448 = tpu.memref_slice %arg12[%dma_start3A_446, %dma_start3A_447] : memref<5248x128xf32, #tpu.memory_space<vmem_shared>> -> memref<5248x128xf32, #tpu.memory_space<vmem_shared>>
        tpu.enqueue_indirect_dma source(%arg11 : memref<80x128xf32, #tpu.memory_space<vmem>>) target(%dma_start3A_448 : memref<5248x128xf32, #tpu.memory_space<vmem_shared>>) offsets(%arg10 : memref<80xi32, #tpu.memory_space<vmem>>) semaphore(%run_scoped3A : memref<!tpu.dma_semaphore, #tpu.memory_space<semaphore_mem>>) {add = true}
        %dma_wait3A_449 = arith.constant 0 : i32
        %dma_wait3A_450 = arith.constant 0 : i32
        %dma_wait3A_451 = tpu.memref_slice %arg12[%dma_wait3A_449, %dma_wait3A_450] : memref<5248x128xf32, #tpu.memory_space<vmem_shared>> -> memref<5248x128xf32, #tpu.memory_space<vmem_shared>>
        tpu.wait_indirect_dma semaphore(%run_scoped3A : memref<!tpu.dma_semaphore, #tpu.memory_space<semaphore_mem>>) src(%arg11 : memref<80x128xf32, #tpu.memory_space<vmem>>) dst(%dma_wait3A_451 : memref<5248x128xf32, #tpu.memory_space<vmem_shared>>)
        tpu.yield
      }) : () -> ()
    }
    %scan3A_114 = arith.constant 124 : i32
    %add3A_115 = arith.constant 19920 : i32
    %add3A_116 = arith.addi %mul3A_0, %add3A_115 : i32
    "tpu.region"() ({
      %run_scoped3A = tpu.sem_alloc : memref<!tpu.dma_semaphore, #tpu.memory_space<semaphore_mem>>
      %dma_start3A_225 = tpu.memref_slice %arg3[%add3A_116] : memref<320000xi32, #tpu.memory_space<hbm>> -> memref<80xi32, #tpu.memory_space<hbm>>
      %dma_start3A_226 = tpu.memref_slice %arg3[%add3A_116] : memref<320000xi32, #tpu.memory_space<hbm>> -> memref<80xi32, #tpu.memory_space<hbm>>
      tpu.enqueue_dma source(%dma_start3A_226 : memref<80xi32, #tpu.memory_space<hbm>>) target(%arg9 : memref<80xi32, #tpu.memory_space<vmem>>) target_semaphore(%run_scoped3A : memref<!tpu.dma_semaphore, #tpu.memory_space<semaphore_mem>>)
      %dma_wait3A_227 = tpu.memref_slice %arg3[%add3A_116] : memref<320000xi32, #tpu.memory_space<hbm>> -> memref<80xi32, #tpu.memory_space<hbm>>
      %dma_wait3A_228 = tpu.memref_slice %arg3[%add3A_116] : memref<320000xi32, #tpu.memory_space<hbm>> -> memref<80xi32, #tpu.memory_space<hbm>>
      tpu.wait_dma2 semaphore(%run_scoped3A : memref<!tpu.dma_semaphore, #tpu.memory_space<semaphore_mem>>) src(%dma_wait3A_228 : memref<80xi32, #tpu.memory_space<hbm>>) dst(%arg9 : memref<80xi32, #tpu.memory_space<vmem>>)
      tpu.yield
    }) : () -> ()
    "tpu.region"() ({
      %run_scoped3A = tpu.sem_alloc : memref<!tpu.dma_semaphore, #tpu.memory_space<semaphore_mem>>
      %dma_start3A_225 = tpu.memref_slice %arg4[%add3A_116] : memref<320000xi32, #tpu.memory_space<hbm>> -> memref<80xi32, #tpu.memory_space<hbm>>
      %dma_start3A_226 = tpu.memref_slice %arg4[%add3A_116] : memref<320000xi32, #tpu.memory_space<hbm>> -> memref<80xi32, #tpu.memory_space<hbm>>
      tpu.enqueue_dma source(%dma_start3A_226 : memref<80xi32, #tpu.memory_space<hbm>>) target(%arg10 : memref<80xi32, #tpu.memory_space<vmem>>) target_semaphore(%run_scoped3A : memref<!tpu.dma_semaphore, #tpu.memory_space<semaphore_mem>>)
      %dma_wait3A_227 = tpu.memref_slice %arg4[%add3A_116] : memref<320000xi32, #tpu.memory_space<hbm>> -> memref<80xi32, #tpu.memory_space<hbm>>
      %dma_wait3A_228 = tpu.memref_slice %arg4[%add3A_116] : memref<320000xi32, #tpu.memory_space<hbm>> -> memref<80xi32, #tpu.memory_space<hbm>>
      tpu.wait_dma2 semaphore(%run_scoped3A : memref<!tpu.dma_semaphore, #tpu.memory_space<semaphore_mem>>) src(%dma_wait3A_228 : memref<80xi32, #tpu.memory_space<hbm>>) dst(%arg10 : memref<80xi32, #tpu.memory_space<vmem>>)
      tpu.yield
    }) : () -> ()
    %mul3A_117 = arith.constant 5120 : i32
    %mul3A_118 = arith.muli %arg0, %mul3A_117 : i32
    %get3A_119 = arith.constant 0 : index
    %get3A_120 = tpu.vector_load %arg10[%get3A_119] {strides = array<i32>} : memref<80xi32, #tpu.memory_space<vmem>>, vector<16xi32>,
    %get3A_121 = vector.shape_cast %get3A_120 : vector<16xi32> to vector<16xi32>
    %sub3A_122 = vector.broadcast %mul3A_118 : i32 to vector<16xi32>
    %sub3A_123 = arith.subi %get3A_121, %sub3A_122 : vector<16xi32>
    %ge3A_124 = arith.constant 0 : i32
    %ge3A_125 = vector.broadcast %ge3A_124 : i32 to vector<16xi32>
    %ge3A_126 = arith.cmpi sge, %sub3A_123, %ge3A_125 : vector<16xi32>
    %lt3A_127 = arith.constant 5120 : i32
    %lt3A_128 = vector.broadcast %lt3A_127 : i32 to vector<16xi32>
    %lt3A_129 = arith.cmpi slt, %sub3A_123, %lt3A_128 : vector<16xi32>
    %and3A_130 = arith.andi %ge3A_126, %lt3A_129 : vector<16xi1>
    %jit3A_131 = arith.constant 5120 : i32
    %broadcast_in_dim3A_132 = vector.broadcast %jit3A_131 : i32 to vector<16xi32>
    %select_n3A_133 = arith.select %and3A_130, %sub3A_123, %broadcast_in_dim3A_132 : vector<16xi1>, vector<16xi32>
    %swap3A_134 = arith.constant 0 : index
    %swap3A_135 = tpu.vector_load %arg10[%swap3A_134] {strides = array<i32>} : memref<80xi32, #tpu.memory_space<vmem>>, vector<16xi32>,
    %swap3A_136 = vector.shape_cast %swap3A_135 : vector<16xi32> to vector<16xi32>
    %swap3A_137 = vector.shape_cast %select_n3A_133 : vector<16xi32> to vector<16xi32>
    tpu.vector_store %arg10[%swap3A_134], %swap3A_137 {strides = array<i32>} : memref<80xi32, #tpu.memory_space<vmem>>, vector<16xi32>,
    %get3A_138 = arith.constant 16 : index
    %get3A_139 = tpu.vector_load %arg10[%get3A_138] {strides = array<i32>} : memref<80xi32, #tpu.memory_space<vmem>>, vector<16xi32>,
    %get3A_140 = vector.shape_cast %get3A_139 : vector<16xi32> to vector<16xi32>
    %sub3A_141 = vector.broadcast %mul3A_118 : i32 to vector<16xi32>
    %sub3A_142 = arith.subi %get3A_140, %sub3A_141 : vector<16xi32>
    %ge3A_143 = arith.constant 0 : i32
    %ge3A_144 = vector.broadcast %ge3A_143 : i32 to vector<16xi32>
    %ge3A_145 = arith.cmpi sge, %sub3A_142, %ge3A_144 : vector<16xi32>
    %lt3A_146 = arith.constant 5120 : i32
    %lt3A_147 = vector.broadcast %lt3A_146 : i32 to vector<16xi32>
    %lt3A_148 = arith.cmpi slt, %sub3A_142, %lt3A_147 : vector<16xi32>
    %and3A_149 = arith.andi %ge3A_145, %lt3A_148 : vector<16xi1>
    %jit3A_150 = arith.constant 5120 : i32
    %broadcast_in_dim3A_151 = vector.broadcast %jit3A_150 : i32 to vector<16xi32>
    %select_n3A_152 = arith.select %and3A_149, %sub3A_142, %broadcast_in_dim3A_151 : vector<16xi1>, vector<16xi32>
    %swap3A_153 = arith.constant 16 : index
    %swap3A_154 = tpu.vector_load %arg10[%swap3A_153] {strides = array<i32>} : memref<80xi32, #tpu.memory_space<vmem>>, vector<16xi32>,
    %swap3A_155 = vector.shape_cast %swap3A_154 : vector<16xi32> to vector<16xi32>
    %swap3A_156 = vector.shape_cast %select_n3A_152 : vector<16xi32> to vector<16xi32>
    tpu.vector_store %arg10[%swap3A_153], %swap3A_156 {strides = array<i32>} : memref<80xi32, #tpu.memory_space<vmem>>, vector<16xi32>,
    %get3A_157 = arith.constant 32 : index
    %get3A_158 = tpu.vector_load %arg10[%get3A_157] {strides = array<i32>} : memref<80xi32, #tpu.memory_space<vmem>>, vector<16xi32>,
    %get3A_159 = vector.shape_cast %get3A_158 : vector<16xi32> to vector<16xi32>
    %sub3A_160 = vector.broadcast %mul3A_118 : i32 to vector<16xi32>
    %sub3A_161 = arith.subi %get3A_159, %sub3A_160 : vector<16xi32>
    %ge3A_162 = arith.constant 0 : i32
    %ge3A_163 = vector.broadcast %ge3A_162 : i32 to vector<16xi32>
    %ge3A_164 = arith.cmpi sge, %sub3A_161, %ge3A_163 : vector<16xi32>
    %lt3A_165 = arith.constant 5120 : i32
    %lt3A_166 = vector.broadcast %lt3A_165 : i32 to vector<16xi32>
    %lt3A_167 = arith.cmpi slt, %sub3A_161, %lt3A_166 : vector<16xi32>
    %and3A_168 = arith.andi %ge3A_164, %lt3A_167 : vector<16xi1>
    %jit3A_169 = arith.constant 5120 : i32
    %broadcast_in_dim3A_170 = vector.broadcast %jit3A_169 : i32 to vector<16xi32>
    %select_n3A_171 = arith.select %and3A_168, %sub3A_161, %broadcast_in_dim3A_170 : vector<16xi1>, vector<16xi32>
    %swap3A_172 = arith.constant 32 : index
    %swap3A_173 = tpu.vector_load %arg10[%swap3A_172] {strides = array<i32>} : memref<80xi32, #tpu.memory_space<vmem>>, vector<16xi32>,
    %swap3A_174 = vector.shape_cast %swap3A_173 : vector<16xi32> to vector<16xi32>
    %swap3A_175 = vector.shape_cast %select_n3A_171 : vector<16xi32> to vector<16xi32>
    tpu.vector_store %arg10[%swap3A_172], %swap3A_175 {strides = array<i32>} : memref<80xi32, #tpu.memory_space<vmem>>, vector<16xi32>,
    %get3A_176 = arith.constant 48 : index
    %get3A_177 = tpu.vector_load %arg10[%get3A_176] {strides = array<i32>} : memref<80xi32, #tpu.memory_space<vmem>>, vector<16xi32>,
    %get3A_178 = vector.shape_cast %get3A_177 : vector<16xi32> to vector<16xi32>
    %sub3A_179 = vector.broadcast %mul3A_118 : i32 to vector<16xi32>
    %sub3A_180 = arith.subi %get3A_178, %sub3A_179 : vector<16xi32>
    %ge3A_181 = arith.constant 0 : i32
    %ge3A_182 = vector.broadcast %ge3A_181 : i32 to vector<16xi32>
    %ge3A_183 = arith.cmpi sge, %sub3A_180, %ge3A_182 : vector<16xi32>
    %lt3A_184 = arith.constant 5120 : i32
    %lt3A_185 = vector.broadcast %lt3A_184 : i32 to vector<16xi32>
    %lt3A_186 = arith.cmpi slt, %sub3A_180, %lt3A_185 : vector<16xi32>
    %and3A_187 = arith.andi %ge3A_183, %lt3A_186 : vector<16xi1>
    %jit3A_188 = arith.constant 5120 : i32
    %broadcast_in_dim3A_189 = vector.broadcast %jit3A_188 : i32 to vector<16xi32>
    %select_n3A_190 = arith.select %and3A_187, %sub3A_180, %broadcast_in_dim3A_189 : vector<16xi1>, vector<16xi32>
    %swap3A_191 = arith.constant 48 : index
    %swap3A_192 = tpu.vector_load %arg10[%swap3A_191] {strides = array<i32>} : memref<80xi32, #tpu.memory_space<vmem>>, vector<16xi32>,
    %swap3A_193 = vector.shape_cast %swap3A_192 : vector<16xi32> to vector<16xi32>
    %swap3A_194 = vector.shape_cast %select_n3A_190 : vector<16xi32> to vector<16xi32>
    tpu.vector_store %arg10[%swap3A_191], %swap3A_194 {strides = array<i32>} : memref<80xi32, #tpu.memory_space<vmem>>, vector<16xi32>,
    %get3A_195 = arith.constant 64 : index
    %get3A_196 = tpu.vector_load %arg10[%get3A_195] {strides = array<i32>} : memref<80xi32, #tpu.memory_space<vmem>>, vector<16xi32>,
    %get3A_197 = vector.shape_cast %get3A_196 : vector<16xi32> to vector<16xi32>
    %sub3A_198 = vector.broadcast %mul3A_118 : i32 to vector<16xi32>
    %sub3A_199 = arith.subi %get3A_197, %sub3A_198 : vector<16xi32>
    %ge3A_200 = arith.constant 0 : i32
    %ge3A_201 = vector.broadcast %ge3A_200 : i32 to vector<16xi32>
    %ge3A_202 = arith.cmpi sge, %sub3A_199, %ge3A_201 : vector<16xi32>
    %lt3A_203 = arith.constant 5120 : i32
    %lt3A_204 = vector.broadcast %lt3A_203 : i32 to vector<16xi32>
    %lt3A_205 = arith.cmpi slt, %sub3A_199, %lt3A_204 : vector<16xi32>
    %and3A_206 = arith.andi %ge3A_202, %lt3A_205 : vector<16xi1>
    %jit3A_207 = arith.constant 5120 : i32
    %broadcast_in_dim3A_208 = vector.broadcast %jit3A_207 : i32 to vector<16xi32>
    %select_n3A_209 = arith.select %and3A_206, %sub3A_199, %broadcast_in_dim3A_208 : vector<16xi1>, vector<16xi32>
    %swap3A_210 = arith.constant 64 : index
    %swap3A_211 = tpu.vector_load %arg10[%swap3A_210] {strides = array<i32>} : memref<80xi32, #tpu.memory_space<vmem>>, vector<16xi32>,
    %swap3A_212 = vector.shape_cast %swap3A_211 : vector<16xi32> to vector<16xi32>
    %swap3A_213 = vector.shape_cast %select_n3A_209 : vector<16xi32> to vector<16xi32>
    tpu.vector_store %arg10[%swap3A_210], %swap3A_213 {strides = array<i32>} : memref<80xi32, #tpu.memory_space<vmem>>, vector<16xi32>,
    %dma_start3A_214 = arith.constant 0 : i32
    %dma_start3A_215 = arith.constant 0 : i32
    %dma_start3A_216 = tpu.memref_slice %arg2[%dma_start3A_214, %dma_start3A_215] : memref<10000x128xf32, #tpu.memory_space<hbm>> -> memref<10000x128xf32, #tpu.memory_space<hbm>>
    tpu.enqueue_indirect_dma source(%dma_start3A_216 : memref<10000x128xf32, #tpu.memory_space<hbm>>) target(%arg11 : memref<80x128xf32, #tpu.memory_space<vmem>>) offsets(%arg9 : memref<80xi32, #tpu.memory_space<vmem>>) semaphore(%arg14 : memref<!tpu.dma_semaphore, #tpu.memory_space<semaphore_mem>>)
    %dma_wait3A = arith.constant 0 : i32
    %dma_wait3A_217 = arith.constant 0 : i32
    %dma_wait3A_218 = tpu.memref_slice %arg2[%dma_wait3A, %dma_wait3A_217] : memref<10000x128xf32, #tpu.memory_space<hbm>> -> memref<10000x128xf32, #tpu.memory_space<hbm>>
    tpu.wait_indirect_dma semaphore(%arg13 : memref<!tpu.dma_semaphore, #tpu.memory_space<semaphore_mem>>) src(%dma_wait3A_218 : memref<10000x128xf32, #tpu.memory_space<hbm>>) dst(%arg8 : memref<80x128xf32, #tpu.memory_space<vmem>>)
    "tpu.region"() ({
      %run_scoped3A = tpu.sem_alloc : memref<!tpu.dma_semaphore, #tpu.memory_space<semaphore_mem>>
      %dma_start3A_225 = arith.constant 0 : i32
      %dma_start3A_226 = arith.constant 0 : i32
      %dma_start3A_227 = tpu.memref_slice %arg12[%dma_start3A_225, %dma_start3A_226] : memref<5248x128xf32, #tpu.memory_space<vmem_shared>> -> memref<5248x128xf32, #tpu.memory_space<vmem_shared>>
      tpu.enqueue_indirect_dma source(%arg8 : memref<80x128xf32, #tpu.memory_space<vmem>>) target(%dma_start3A_227 : memref<5248x128xf32, #tpu.memory_space<vmem_shared>>) offsets(%arg7 : memref<80xi32, #tpu.memory_space<vmem>>) semaphore(%run_scoped3A : memref<!tpu.dma_semaphore, #tpu.memory_space<semaphore_mem>>) {add = true}
      %dma_wait3A_228 = arith.constant 0 : i32
      %dma_wait3A_229 = arith.constant 0 : i32
      %dma_wait3A_230 = tpu.memref_slice %arg12[%dma_wait3A_228, %dma_wait3A_229] : memref<5248x128xf32, #tpu.memory_space<vmem_shared>> -> memref<5248x128xf32, #tpu.memory_space<vmem_shared>>
      tpu.wait_indirect_dma semaphore(%run_scoped3A : memref<!tpu.dma_semaphore, #tpu.memory_space<semaphore_mem>>) src(%arg8 : memref<80x128xf32, #tpu.memory_space<vmem>>) dst(%dma_wait3A_230 : memref<5248x128xf32, #tpu.memory_space<vmem_shared>>)
      tpu.yield
    }) : () -> ()
    %dma_wait3A_219 = arith.constant 0 : i32
    %dma_wait3A_220 = arith.constant 0 : i32
    %dma_wait3A_221 = tpu.memref_slice %arg2[%dma_wait3A_219, %dma_wait3A_220] : memref<10000x128xf32, #tpu.memory_space<hbm>> -> memref<10000x128xf32, #tpu.memory_space<hbm>>
    tpu.wait_indirect_dma semaphore(%arg14 : memref<!tpu.dma_semaphore, #tpu.memory_space<semaphore_mem>>) src(%dma_wait3A_221 : memref<10000x128xf32, #tpu.memory_space<hbm>>) dst(%arg11 : memref<80x128xf32, #tpu.memory_space<vmem>>)
    "tpu.region"() ({
      %run_scoped3A = tpu.sem_alloc : memref<!tpu.dma_semaphore, #tpu.memory_space<semaphore_mem>>
      %dma_start3A_225 = arith.constant 0 : i32
      %dma_start3A_226 = arith.constant 0 : i32
      %dma_start3A_227 = tpu.memref_slice %arg12[%dma_start3A_225, %dma_start3A_226] : memref<5248x128xf32, #tpu.memory_space<vmem_shared>> -> memref<5248x128xf32, #tpu.memory_space<vmem_shared>>
      tpu.enqueue_indirect_dma source(%arg11 : memref<80x128xf32, #tpu.memory_space<vmem>>) target(%dma_start3A_227 : memref<5248x128xf32, #tpu.memory_space<vmem_shared>>) offsets(%arg10 : memref<80xi32, #tpu.memory_space<vmem>>) semaphore(%run_scoped3A : memref<!tpu.dma_semaphore, #tpu.memory_space<semaphore_mem>>) {add = true}
      %dma_wait3A_228 = arith.constant 0 : i32
      %dma_wait3A_229 = arith.constant 0 : i32
      %dma_wait3A_230 = tpu.memref_slice %arg12[%dma_wait3A_228, %dma_wait3A_229] : memref<5248x128xf32, #tpu.memory_space<vmem_shared>> -> memref<5248x128xf32, #tpu.memory_space<vmem_shared>>
      tpu.wait_indirect_dma semaphore(%run_scoped3A : memref<!tpu.dma_semaphore, #tpu.memory_space<semaphore_mem>>) src(%arg11 : memref<80x128xf32, #tpu.memory_space<vmem>>) dst(%dma_wait3A_230 : memref<5248x128xf32, #tpu.memory_space<vmem_shared>>)
      tpu.yield
    }) : () -> ()
    %barrier3A_222 = arith.constant 0 : index
    tpu.barrier barrier_id(%barrier3A_222)
    %mul3A_223 = arith.constant 320 : i32
    %mul3A_224 = arith.muli %arg1, %mul3A_223 : i32
    "tpu.region"() ({
      %run_scoped3A = tpu.sem_alloc : memref<!tpu.dma_semaphore, #tpu.memory_space<semaphore_mem>>
      %dma_start3A_225 = arith.constant 0 : i32
      %dma_start3A_226 = arith.constant 0 : i32
      %dma_start3A_227 = tpu.memref_slice %arg5[%arg0, %dma_start3A_225, %dma_start3A_226] : memref<2x5120x128xf32, #tpu.memory_space<hbm>> -> memref<1x5120x128xf32, #tpu.memory_space<hbm>>
      %dma_start3A_228 = tpu.memref_squeeze %dma_start3A_227 : memref<1x5120x128xf32, #tpu.memory_space<hbm>> -> memref<5120x128xf32, #tpu.memory_space<hbm>>
      %dma_start3A_229 = arith.constant 0 : i32
      %dma_start3A_230 = tpu.memref_slice %dma_start3A_228[%mul3A_224, %dma_start3A_229] : memref<5120x128xf32, #tpu.memory_space<hbm>> -> memref<320x128xf32, #tpu.memory_space<hbm>>
      %dma_start3A_231 = arith.constant 0 : i32
      %dma_start3A_232 = tpu.memref_slice %arg12[%mul3A_224, %dma_start3A_231] : memref<5248x128xf32, #tpu.memory_space<vmem_shared>> -> memref<320x128xf32, #tpu.memory_space<vmem_shared>>
      tpu.enqueue_dma source(%dma_start3A_232 : memref<320x128xf32, #tpu.memory_space<vmem_shared>>) target(%dma_start3A_230 : memref<320x128xf32, #tpu.memory_space<hbm>>) target_semaphore(%run_scoped3A : memref<!tpu.dma_semaphore, #tpu.memory_space<semaphore_mem>>)
      %dma_wait3A_233 = arith.constant 0 : i32
      %dma_wait3A_234 = arith.constant 0 : i32
      %dma_wait3A_235 = tpu.memref_slice %arg5[%arg0, %dma_wait3A_233, %dma_wait3A_234] : memref<2x5120x128xf32, #tpu.memory_space<hbm>> -> memref<1x5120x128xf32, #tpu.memory_space<hbm>>
      %dma_wait3A_236 = tpu.memref_squeeze %dma_wait3A_235 : memref<1x5120x128xf32, #tpu.memory_space<hbm>> -> memref<5120x128xf32, #tpu.memory_space<hbm>>
      %dma_wait3A_237 = arith.constant 0 : i32
      %dma_wait3A_238 = tpu.memref_slice %dma_wait3A_236[%mul3A_224, %dma_wait3A_237] : memref<5120x128xf32, #tpu.memory_space<hbm>> -> memref<320x128xf32, #tpu.memory_space<hbm>>
      %dma_wait3A_239 = arith.constant 0 : i32
      %dma_wait3A_240 = tpu.memref_slice %arg12[%mul3A_224, %dma_wait3A_239] : memref<5248x128xf32, #tpu.memory_space<vmem_shared>> -> memref<320x128xf32, #tpu.memory_space<vmem_shared>>
      tpu.wait_dma2 semaphore(%run_scoped3A : memref<!tpu.dma_semaphore, #tpu.memory_space<semaphore_mem>>) src(%dma_wait3A_240 : memref<320x128xf32, #tpu.memory_space<vmem_shared>>) dst(%dma_wait3A_238 : memref<320x128xf32, #tpu.memory_space<hbm>>)
      tpu.yield
    }) : () -> ()
    return
  }
}

#map = affine_map<(d0, d1) -> (0, 0)>
#map1 = affine_map<(d0, d1) -> (0)>
#map2 = affine_map<(d0, d1) -> (0, 0, 0)>
module attributes {stable_mosaic.version = 14 : i64} {
  func.func @k(%arg0: i32, %arg1: i32, %arg2: memref<10000x128xf32, #tpu.memory_space<hbm>>, %arg3: memref<320000xi32, #tpu.memory_space<hbm>>, %arg4: memref<320000xi32, #tpu.memory_space<hbm>>, %arg5: memref<2x5120x128xf32, #tpu.memory_space<hbm>>, %arg6: memref<2x5120x128xf32, #tpu.memory_space<hbm>>, %arg7: memref<80xi32, #tpu.memory_space<vmem>>, %arg8: memref<80xi32, #tpu.memory_space<vmem>>, %arg9: memref<80x128xf32, #tpu.memory_space<vmem>>, %arg10: memref<80xi32, #tpu.memory_space<vmem>>, %arg11: memref<80xi32, #tpu.memory_space<vmem>>, %arg12: memref<80x128xf32, #tpu.memory_space<vmem>>, %arg13: memref<5248x128xf32, #tpu.memory_space<vmem_shared>>, %arg14: memref<!tpu.dma_semaphore, #tpu.memory_space<semaphore_mem>>, %arg15: memref<!tpu.dma_semaphore, #tpu.memory_space<semaphore_mem>>, %arg16: memref<80x128xf32, #tpu.memory_space<vmem>>, %arg17: memref<5248x128xf32, #tpu.memory_space<vmem_shared>>) attributes {dimension_semantics = [#tpu.dimension_semantics<core_parallel>, #tpu.dimension_semantics<subcore_parallel>], iteration_bounds = array<i64: 2, 16>, scalar_prefetch = 0 : i64, scratch_operands = 11 : i64, tpu.core_type = #tpu.core_type<sc_vector_subcore>, window_params = [{transform_indices = #map}, {transform_indices = #map1}, {transform_indices = #map1}, {transform_indices = #map2}, {transform_indices = #map2}]} {
    %mul3A = arith.constant 20000 : i32
    %mul3A_0 = arith.muli %arg1, %mul3A : i32
    %broadcast_in_dim3A = arith.constant 0.000000e+00 : f32
    %broadcast_in_dim3A_1 = vector.broadcast %broadcast_in_dim3A : f32 to vector<16xf32>
    %scan3A = arith.constant 0 : i32
    %scan3A_2 = arith.constant 80 : i32
    %scan3A_3 = arith.addi %scan3A, %scan3A_2 : i32
    %scan3A_4 = arith.constant 1 : i32
    scf.for %scan3A_242 = %scan3A to %scan3A_3 step %scan3A_4  : i32 {
      %mul3A_243 = arith.constant 1 : i32
      %mul3A_244 = arith.muli %scan3A_242, %mul3A_243 : i32
      %add3A_245 = arith.constant 0 : i32
      %add3A_246 = arith.addi %add3A_245, %mul3A_244 : i32
      %scan3A_247 = arith.constant 0 : i32
      %scan3A_248 = arith.constant 8 : i32
      %scan3A_249 = arith.addi %scan3A_247, %scan3A_248 : i32
      %scan3A_250 = arith.constant 1 : i32
      scf.for %scan3A_252 = %scan3A_247 to %scan3A_249 step %scan3A_250  : i32 {
        %mul3A_253 = arith.constant 16 : i32
        %mul3A_254 = arith.muli %scan3A_252, %mul3A_253 : i32
        %add3A_255 = arith.constant 0 : i32
        %add3A_256 = arith.addi %add3A_255, %mul3A_254 : i32
        %swap3A_257 = arith.index_cast %add3A_246 : i32 to index
        %swap3A_258 = arith.index_cast %add3A_256 : i32 to index
        %swap3A_259 = tpu.vector_load %arg9[%swap3A_257, %swap3A_258] {strides = array<i32>} : memref<80x128xf32, #tpu.memory_space<vmem>>, vector<1x16xf32>,
        %swap3A_260 = vector.shape_cast %swap3A_259 : vector<1x16xf32> to vector<16xf32>
        %swap3A_261 = vector.shape_cast %broadcast_in_dim3A_1 : vector<16xf32> to vector<1x16xf32>
        tpu.vector_store %arg9[%swap3A_257, %swap3A_258], %swap3A_261 {strides = array<i32>} : memref<80x128xf32, #tpu.memory_space<vmem>>, vector<1x16xf32>,
      }
      %scan3A_251 = arith.constant 8 : i32
    }
    %scan3A_5 = arith.constant 80 : i32
    %mul3A_6 = arith.constant 328 : i32
    %mul3A_7 = arith.muli %arg1, %mul3A_6 : i32
    %add3A = arith.constant 0 : i32
    %add3A_8 = arith.addi %mul3A_7, %add3A : i32
    "tpu.region"() ({
      %run_scoped3A = tpu.sem_alloc : memref<!tpu.dma_semaphore, #tpu.memory_space<semaphore_mem>>
      %dma_start3A_242 = arith.constant 0 : i32
      %dma_start3A_243 = arith.constant 0 : i32
      %dma_start3A_244 = tpu.memref_slice %arg9[%dma_start3A_242, %dma_start3A_243] : memref<80x128xf32, #tpu.memory_space<vmem>> -> memref<80x128xf32, #tpu.memory_space<vmem>>
      %dma_start3A_245 = arith.constant 0 : i32
      %dma_start3A_246 = tpu.memref_slice %arg13[%add3A_8, %dma_start3A_245] : memref<5248x128xf32, #tpu.memory_space<vmem_shared>> -> memref<80x128xf32, #tpu.memory_space<vmem_shared>>
      %dma_start3A_247 = arith.constant 0 : i32
      %dma_start3A_248 = tpu.memref_slice %arg13[%add3A_8, %dma_start3A_247] : memref<5248x128xf32, #tpu.memory_space<vmem_shared>> -> memref<80x128xf32, #tpu.memory_space<vmem_shared>>
      %dma_start3A_249 = arith.constant 0 : i32
      %dma_start3A_250 = arith.constant 0 : i32
      %dma_start3A_251 = tpu.memref_slice %arg9[%dma_start3A_249, %dma_start3A_250] : memref<80x128xf32, #tpu.memory_space<vmem>> -> memref<80x128xf32, #tpu.memory_space<vmem>>
      tpu.enqueue_dma source(%dma_start3A_251 : memref<80x128xf32, #tpu.memory_space<vmem>>) target(%dma_start3A_248 : memref<80x128xf32, #tpu.memory_space<vmem_shared>>) target_semaphore(%run_scoped3A : memref<!tpu.dma_semaphore, #tpu.memory_space<semaphore_mem>>)
      %dma_wait3A_252 = arith.constant 0 : i32
      %dma_wait3A_253 = arith.constant 0 : i32
      %dma_wait3A_254 = tpu.memref_slice %arg9[%dma_wait3A_252, %dma_wait3A_253] : memref<80x128xf32, #tpu.memory_space<vmem>> -> memref<80x128xf32, #tpu.memory_space<vmem>>
      %dma_wait3A_255 = arith.constant 0 : i32
      %dma_wait3A_256 = tpu.memref_slice %arg13[%add3A_8, %dma_wait3A_255] : memref<5248x128xf32, #tpu.memory_space<vmem_shared>> -> memref<80x128xf32, #tpu.memory_space<vmem_shared>>
      %dma_wait3A_257 = arith.constant 0 : i32
      %dma_wait3A_258 = tpu.memref_slice %arg13[%add3A_8, %dma_wait3A_257] : memref<5248x128xf32, #tpu.memory_space<vmem_shared>> -> memref<80x128xf32, #tpu.memory_space<vmem_shared>>
      %dma_wait3A_259 = arith.constant 0 : i32
      %dma_wait3A_260 = arith.constant 0 : i32
      %dma_wait3A_261 = tpu.memref_slice %arg9[%dma_wait3A_259, %dma_wait3A_260] : memref<80x128xf32, #tpu.memory_space<vmem>> -> memref<80x128xf32, #tpu.memory_space<vmem>>
      tpu.wait_dma2 semaphore(%run_scoped3A : memref<!tpu.dma_semaphore, #tpu.memory_space<semaphore_mem>>) src(%dma_wait3A_261 : memref<80x128xf32, #tpu.memory_space<vmem>>) dst(%dma_wait3A_258 : memref<80x128xf32, #tpu.memory_space<vmem_shared>>)
      tpu.yield
    }) : () -> ()
    %add3A_9 = arith.constant 0 : i32
    %add3A_10 = arith.addi %mul3A_7, %add3A_9 : i32
    "tpu.region"() ({
      %run_scoped3A = tpu.sem_alloc : memref<!tpu.dma_semaphore, #tpu.memory_space<semaphore_mem>>
      %dma_start3A_242 = arith.constant 0 : i32
      %dma_start3A_243 = arith.constant 0 : i32
      %dma_start3A_244 = tpu.memref_slice %arg9[%dma_start3A_242, %dma_start3A_243] : memref<80x128xf32, #tpu.memory_space<vmem>> -> memref<80x128xf32, #tpu.memory_space<vmem>>
      %dma_start3A_245 = arith.constant 0 : i32
      %dma_start3A_246 = tpu.memref_slice %arg17[%add3A_10, %dma_start3A_245] : memref<5248x128xf32, #tpu.memory_space<vmem_shared>> -> memref<80x128xf32, #tpu.memory_space<vmem_shared>>
      %dma_start3A_247 = arith.constant 0 : i32
      %dma_start3A_248 = tpu.memref_slice %arg17[%add3A_10, %dma_start3A_247] : memref<5248x128xf32, #tpu.memory_space<vmem_shared>> -> memref<80x128xf32, #tpu.memory_space<vmem_shared>>
      %dma_start3A_249 = arith.constant 0 : i32
      %dma_start3A_250 = arith.constant 0 : i32
      %dma_start3A_251 = tpu.memref_slice %arg9[%dma_start3A_249, %dma_start3A_250] : memref<80x128xf32, #tpu.memory_space<vmem>> -> memref<80x128xf32, #tpu.memory_space<vmem>>
      tpu.enqueue_dma source(%dma_start3A_251 : memref<80x128xf32, #tpu.memory_space<vmem>>) target(%dma_start3A_248 : memref<80x128xf32, #tpu.memory_space<vmem_shared>>) target_semaphore(%run_scoped3A : memref<!tpu.dma_semaphore, #tpu.memory_space<semaphore_mem>>)
      %dma_wait3A_252 = arith.constant 0 : i32
      %dma_wait3A_253 = arith.constant 0 : i32
      %dma_wait3A_254 = tpu.memref_slice %arg9[%dma_wait3A_252, %dma_wait3A_253] : memref<80x128xf32, #tpu.memory_space<vmem>> -> memref<80x128xf32, #tpu.memory_space<vmem>>
      %dma_wait3A_255 = arith.constant 0 : i32
      %dma_wait3A_256 = tpu.memref_slice %arg17[%add3A_10, %dma_wait3A_255] : memref<5248x128xf32, #tpu.memory_space<vmem_shared>> -> memref<80x128xf32, #tpu.memory_space<vmem_shared>>
      %dma_wait3A_257 = arith.constant 0 : i32
      %dma_wait3A_258 = tpu.memref_slice %arg17[%add3A_10, %dma_wait3A_257] : memref<5248x128xf32, #tpu.memory_space<vmem_shared>> -> memref<80x128xf32, #tpu.memory_space<vmem_shared>>
      %dma_wait3A_259 = arith.constant 0 : i32
      %dma_wait3A_260 = arith.constant 0 : i32
      %dma_wait3A_261 = tpu.memref_slice %arg9[%dma_wait3A_259, %dma_wait3A_260] : memref<80x128xf32, #tpu.memory_space<vmem>> -> memref<80x128xf32, #tpu.memory_space<vmem>>
      tpu.wait_dma2 semaphore(%run_scoped3A : memref<!tpu.dma_semaphore, #tpu.memory_space<semaphore_mem>>) src(%dma_wait3A_261 : memref<80x128xf32, #tpu.memory_space<vmem>>) dst(%dma_wait3A_258 : memref<80x128xf32, #tpu.memory_space<vmem_shared>>)
      tpu.yield
    }) : () -> ()
    %add3A_11 = arith.constant 80 : i32
    %add3A_12 = arith.addi %mul3A_7, %add3A_11 : i32
    "tpu.region"() ({
      %run_scoped3A = tpu.sem_alloc : memref<!tpu.dma_semaphore, #tpu.memory_space<semaphore_mem>>
      %dma_start3A_242 = arith.constant 0 : i32
      %dma_start3A_243 = arith.constant 0 : i32
      %dma_start3A_244 = tpu.memref_slice %arg9[%dma_start3A_242, %dma_start3A_243] : memref<80x128xf32, #tpu.memory_space<vmem>> -> memref<80x128xf32, #tpu.memory_space<vmem>>
      %dma_start3A_245 = arith.constant 0 : i32
      %dma_start3A_246 = tpu.memref_slice %arg13[%add3A_12, %dma_start3A_245] : memref<5248x128xf32, #tpu.memory_space<vmem_shared>> -> memref<80x128xf32, #tpu.memory_space<vmem_shared>>
      %dma_start3A_247 = arith.constant 0 : i32
      %dma_start3A_248 = tpu.memref_slice %arg13[%add3A_12, %dma_start3A_247] : memref<5248x128xf32, #tpu.memory_space<vmem_shared>> -> memref<80x128xf32, #tpu.memory_space<vmem_shared>>
      %dma_start3A_249 = arith.constant 0 : i32
      %dma_start3A_250 = arith.constant 0 : i32
      %dma_start3A_251 = tpu.memref_slice %arg9[%dma_start3A_249, %dma_start3A_250] : memref<80x128xf32, #tpu.memory_space<vmem>> -> memref<80x128xf32, #tpu.memory_space<vmem>>
      tpu.enqueue_dma source(%dma_start3A_251 : memref<80x128xf32, #tpu.memory_space<vmem>>) target(%dma_start3A_248 : memref<80x128xf32, #tpu.memory_space<vmem_shared>>) target_semaphore(%run_scoped3A : memref<!tpu.dma_semaphore, #tpu.memory_space<semaphore_mem>>)
      %dma_wait3A_252 = arith.constant 0 : i32
      %dma_wait3A_253 = arith.constant 0 : i32
      %dma_wait3A_254 = tpu.memref_slice %arg9[%dma_wait3A_252, %dma_wait3A_253] : memref<80x128xf32, #tpu.memory_space<vmem>> -> memref<80x128xf32, #tpu.memory_space<vmem>>
      %dma_wait3A_255 = arith.constant 0 : i32
      %dma_wait3A_256 = tpu.memref_slice %arg13[%add3A_12, %dma_wait3A_255] : memref<5248x128xf32, #tpu.memory_space<vmem_shared>> -> memref<80x128xf32, #tpu.memory_space<vmem_shared>>
      %dma_wait3A_257 = arith.constant 0 : i32
      %dma_wait3A_258 = tpu.memref_slice %arg13[%add3A_12, %dma_wait3A_257] : memref<5248x128xf32, #tpu.memory_space<vmem_shared>> -> memref<80x128xf32, #tpu.memory_space<vmem_shared>>
      %dma_wait3A_259 = arith.constant 0 : i32
      %dma_wait3A_260 = arith.constant 0 : i32
      %dma_wait3A_261 = tpu.memref_slice %arg9[%dma_wait3A_259, %dma_wait3A_260] : memref<80x128xf32, #tpu.memory_space<vmem>> -> memref<80x128xf32, #tpu.memory_space<vmem>>
      tpu.wait_dma2 semaphore(%run_scoped3A : memref<!tpu.dma_semaphore, #tpu.memory_space<semaphore_mem>>) src(%dma_wait3A_261 : memref<80x128xf32, #tpu.memory_space<vmem>>) dst(%dma_wait3A_258 : memref<80x128xf32, #tpu.memory_space<vmem_shared>>)
      tpu.yield
    }) : () -> ()
    %add3A_13 = arith.constant 80 : i32
    %add3A_14 = arith.addi %mul3A_7, %add3A_13 : i32
    "tpu.region"() ({
      %run_scoped3A = tpu.sem_alloc : memref<!tpu.dma_semaphore, #tpu.memory_space<semaphore_mem>>
      %dma_start3A_242 = arith.constant 0 : i32
      %dma_start3A_243 = arith.constant 0 : i32
      %dma_start3A_244 = tpu.memref_slice %arg9[%dma_start3A_242, %dma_start3A_243] : memref<80x128xf32, #tpu.memory_space<vmem>> -> memref<80x128xf32, #tpu.memory_space<vmem>>
      %dma_start3A_245 = arith.constant 0 : i32
      %dma_start3A_246 = tpu.memref_slice %arg17[%add3A_14, %dma_start3A_245] : memref<5248x128xf32, #tpu.memory_space<vmem_shared>> -> memref<80x128xf32, #tpu.memory_space<vmem_shared>>
      %dma_start3A_247 = arith.constant 0 : i32
      %dma_start3A_248 = tpu.memref_slice %arg17[%add3A_14, %dma_start3A_247] : memref<5248x128xf32, #tpu.memory_space<vmem_shared>> -> memref<80x128xf32, #tpu.memory_space<vmem_shared>>
      %dma_start3A_249 = arith.constant 0 : i32
      %dma_start3A_250 = arith.constant 0 : i32
      %dma_start3A_251 = tpu.memref_slice %arg9[%dma_start3A_249, %dma_start3A_250] : memref<80x128xf32, #tpu.memory_space<vmem>> -> memref<80x128xf32, #tpu.memory_space<vmem>>
      tpu.enqueue_dma source(%dma_start3A_251 : memref<80x128xf32, #tpu.memory_space<vmem>>) target(%dma_start3A_248 : memref<80x128xf32, #tpu.memory_space<vmem_shared>>) target_semaphore(%run_scoped3A : memref<!tpu.dma_semaphore, #tpu.memory_space<semaphore_mem>>)
      %dma_wait3A_252 = arith.constant 0 : i32
      %dma_wait3A_253 = arith.constant 0 : i32
      %dma_wait3A_254 = tpu.memref_slice %arg9[%dma_wait3A_252, %dma_wait3A_253] : memref<80x128xf32, #tpu.memory_space<vmem>> -> memref<80x128xf32, #tpu.memory_space<vmem>>
      %dma_wait3A_255 = arith.constant 0 : i32
      %dma_wait3A_256 = tpu.memref_slice %arg17[%add3A_14, %dma_wait3A_255] : memref<5248x128xf32, #tpu.memory_space<vmem_shared>> -> memref<80x128xf32, #tpu.memory_space<vmem_shared>>
      %dma_wait3A_257 = arith.constant 0 : i32
      %dma_wait3A_258 = tpu.memref_slice %arg17[%add3A_14, %dma_wait3A_257] : memref<5248x128xf32, #tpu.memory_space<vmem_shared>> -> memref<80x128xf32, #tpu.memory_space<vmem_shared>>
      %dma_wait3A_259 = arith.constant 0 : i32
      %dma_wait3A_260 = arith.constant 0 : i32
      %dma_wait3A_261 = tpu.memref_slice %arg9[%dma_wait3A_259, %dma_wait3A_260] : memref<80x128xf32, #tpu.memory_space<vmem>> -> memref<80x128xf32, #tpu.memory_space<vmem>>
      tpu.wait_dma2 semaphore(%run_scoped3A : memref<!tpu.dma_semaphore, #tpu.memory_space<semaphore_mem>>) src(%dma_wait3A_261 : memref<80x128xf32, #tpu.memory_space<vmem>>) dst(%dma_wait3A_258 : memref<80x128xf32, #tpu.memory_space<vmem_shared>>)
      tpu.yield
    }) : () -> ()
    %add3A_15 = arith.constant 160 : i32
    %add3A_16 = arith.addi %mul3A_7, %add3A_15 : i32
    "tpu.region"() ({
      %run_scoped3A = tpu.sem_alloc : memref<!tpu.dma_semaphore, #tpu.memory_space<semaphore_mem>>
      %dma_start3A_242 = arith.constant 0 : i32
      %dma_start3A_243 = arith.constant 0 : i32
      %dma_start3A_244 = tpu.memref_slice %arg9[%dma_start3A_242, %dma_start3A_243] : memref<80x128xf32, #tpu.memory_space<vmem>> -> memref<80x128xf32, #tpu.memory_space<vmem>>
      %dma_start3A_245 = arith.constant 0 : i32
      %dma_start3A_246 = tpu.memref_slice %arg13[%add3A_16, %dma_start3A_245] : memref<5248x128xf32, #tpu.memory_space<vmem_shared>> -> memref<80x128xf32, #tpu.memory_space<vmem_shared>>
      %dma_start3A_247 = arith.constant 0 : i32
      %dma_start3A_248 = tpu.memref_slice %arg13[%add3A_16, %dma_start3A_247] : memref<5248x128xf32, #tpu.memory_space<vmem_shared>> -> memref<80x128xf32, #tpu.memory_space<vmem_shared>>
      %dma_start3A_249 = arith.constant 0 : i32
      %dma_start3A_250 = arith.constant 0 : i32
      %dma_start3A_251 = tpu.memref_slice %arg9[%dma_start3A_249, %dma_start3A_250] : memref<80x128xf32, #tpu.memory_space<vmem>> -> memref<80x128xf32, #tpu.memory_space<vmem>>
      tpu.enqueue_dma source(%dma_start3A_251 : memref<80x128xf32, #tpu.memory_space<vmem>>) target(%dma_start3A_248 : memref<80x128xf32, #tpu.memory_space<vmem_shared>>) target_semaphore(%run_scoped3A : memref<!tpu.dma_semaphore, #tpu.memory_space<semaphore_mem>>)
      %dma_wait3A_252 = arith.constant 0 : i32
      %dma_wait3A_253 = arith.constant 0 : i32
      %dma_wait3A_254 = tpu.memref_slice %arg9[%dma_wait3A_252, %dma_wait3A_253] : memref<80x128xf32, #tpu.memory_space<vmem>> -> memref<80x128xf32, #tpu.memory_space<vmem>>
      %dma_wait3A_255 = arith.constant 0 : i32
      %dma_wait3A_256 = tpu.memref_slice %arg13[%add3A_16, %dma_wait3A_255] : memref<5248x128xf32, #tpu.memory_space<vmem_shared>> -> memref<80x128xf32, #tpu.memory_space<vmem_shared>>
      %dma_wait3A_257 = arith.constant 0 : i32
      %dma_wait3A_258 = tpu.memref_slice %arg13[%add3A_16, %dma_wait3A_257] : memref<5248x128xf32, #tpu.memory_space<vmem_shared>> -> memref<80x128xf32, #tpu.memory_space<vmem_shared>>
      %dma_wait3A_259 = arith.constant 0 : i32
      %dma_wait3A_260 = arith.constant 0 : i32
      %dma_wait3A_261 = tpu.memref_slice %arg9[%dma_wait3A_259, %dma_wait3A_260] : memref<80x128xf32, #tpu.memory_space<vmem>> -> memref<80x128xf32, #tpu.memory_space<vmem>>
      tpu.wait_dma2 semaphore(%run_scoped3A : memref<!tpu.dma_semaphore, #tpu.memory_space<semaphore_mem>>) src(%dma_wait3A_261 : memref<80x128xf32, #tpu.memory_space<vmem>>) dst(%dma_wait3A_258 : memref<80x128xf32, #tpu.memory_space<vmem_shared>>)
      tpu.yield
    }) : () -> ()
    %add3A_17 = arith.constant 160 : i32
    %add3A_18 = arith.addi %mul3A_7, %add3A_17 : i32
    "tpu.region"() ({
      %run_scoped3A = tpu.sem_alloc : memref<!tpu.dma_semaphore, #tpu.memory_space<semaphore_mem>>
      %dma_start3A_242 = arith.constant 0 : i32
      %dma_start3A_243 = arith.constant 0 : i32
      %dma_start3A_244 = tpu.memref_slice %arg9[%dma_start3A_242, %dma_start3A_243] : memref<80x128xf32, #tpu.memory_space<vmem>> -> memref<80x128xf32, #tpu.memory_space<vmem>>
      %dma_start3A_245 = arith.constant 0 : i32
      %dma_start3A_246 = tpu.memref_slice %arg17[%add3A_18, %dma_start3A_245] : memref<5248x128xf32, #tpu.memory_space<vmem_shared>> -> memref<80x128xf32, #tpu.memory_space<vmem_shared>>
      %dma_start3A_247 = arith.constant 0 : i32
      %dma_start3A_248 = tpu.memref_slice %arg17[%add3A_18, %dma_start3A_247] : memref<5248x128xf32, #tpu.memory_space<vmem_shared>> -> memref<80x128xf32, #tpu.memory_space<vmem_shared>>
      %dma_start3A_249 = arith.constant 0 : i32
      %dma_start3A_250 = arith.constant 0 : i32
      %dma_start3A_251 = tpu.memref_slice %arg9[%dma_start3A_249, %dma_start3A_250] : memref<80x128xf32, #tpu.memory_space<vmem>> -> memref<80x128xf32, #tpu.memory_space<vmem>>
      tpu.enqueue_dma source(%dma_start3A_251 : memref<80x128xf32, #tpu.memory_space<vmem>>) target(%dma_start3A_248 : memref<80x128xf32, #tpu.memory_space<vmem_shared>>) target_semaphore(%run_scoped3A : memref<!tpu.dma_semaphore, #tpu.memory_space<semaphore_mem>>)
      %dma_wait3A_252 = arith.constant 0 : i32
      %dma_wait3A_253 = arith.constant 0 : i32
      %dma_wait3A_254 = tpu.memref_slice %arg9[%dma_wait3A_252, %dma_wait3A_253] : memref<80x128xf32, #tpu.memory_space<vmem>> -> memref<80x128xf32, #tpu.memory_space<vmem>>
      %dma_wait3A_255 = arith.constant 0 : i32
      %dma_wait3A_256 = tpu.memref_slice %arg17[%add3A_18, %dma_wait3A_255] : memref<5248x128xf32, #tpu.memory_space<vmem_shared>> -> memref<80x128xf32, #tpu.memory_space<vmem_shared>>
      %dma_wait3A_257 = arith.constant 0 : i32
      %dma_wait3A_258 = tpu.memref_slice %arg17[%add3A_18, %dma_wait3A_257] : memref<5248x128xf32, #tpu.memory_space<vmem_shared>> -> memref<80x128xf32, #tpu.memory_space<vmem_shared>>
      %dma_wait3A_259 = arith.constant 0 : i32
      %dma_wait3A_260 = arith.constant 0 : i32
      %dma_wait3A_261 = tpu.memref_slice %arg9[%dma_wait3A_259, %dma_wait3A_260] : memref<80x128xf32, #tpu.memory_space<vmem>> -> memref<80x128xf32, #tpu.memory_space<vmem>>
      tpu.wait_dma2 semaphore(%run_scoped3A : memref<!tpu.dma_semaphore, #tpu.memory_space<semaphore_mem>>) src(%dma_wait3A_261 : memref<80x128xf32, #tpu.memory_space<vmem>>) dst(%dma_wait3A_258 : memref<80x128xf32, #tpu.memory_space<vmem_shared>>)
      tpu.yield
    }) : () -> ()
    %add3A_19 = arith.constant 240 : i32
    %add3A_20 = arith.addi %mul3A_7, %add3A_19 : i32
    "tpu.region"() ({
      %run_scoped3A = tpu.sem_alloc : memref<!tpu.dma_semaphore, #tpu.memory_space<semaphore_mem>>
      %dma_start3A_242 = arith.constant 0 : i32
      %dma_start3A_243 = arith.constant 0 : i32
      %dma_start3A_244 = tpu.memref_slice %arg9[%dma_start3A_242, %dma_start3A_243] : memref<80x128xf32, #tpu.memory_space<vmem>> -> memref<80x128xf32, #tpu.memory_space<vmem>>
      %dma_start3A_245 = arith.constant 0 : i32
      %dma_start3A_246 = tpu.memref_slice %arg13[%add3A_20, %dma_start3A_245] : memref<5248x128xf32, #tpu.memory_space<vmem_shared>> -> memref<80x128xf32, #tpu.memory_space<vmem_shared>>
      %dma_start3A_247 = arith.constant 0 : i32
      %dma_start3A_248 = tpu.memref_slice %arg13[%add3A_20, %dma_start3A_247] : memref<5248x128xf32, #tpu.memory_space<vmem_shared>> -> memref<80x128xf32, #tpu.memory_space<vmem_shared>>
      %dma_start3A_249 = arith.constant 0 : i32
      %dma_start3A_250 = arith.constant 0 : i32
      %dma_start3A_251 = tpu.memref_slice %arg9[%dma_start3A_249, %dma_start3A_250] : memref<80x128xf32, #tpu.memory_space<vmem>> -> memref<80x128xf32, #tpu.memory_space<vmem>>
      tpu.enqueue_dma source(%dma_start3A_251 : memref<80x128xf32, #tpu.memory_space<vmem>>) target(%dma_start3A_248 : memref<80x128xf32, #tpu.memory_space<vmem_shared>>) target_semaphore(%run_scoped3A : memref<!tpu.dma_semaphore, #tpu.memory_space<semaphore_mem>>)
      %dma_wait3A_252 = arith.constant 0 : i32
      %dma_wait3A_253 = arith.constant 0 : i32
      %dma_wait3A_254 = tpu.memref_slice %arg9[%dma_wait3A_252, %dma_wait3A_253] : memref<80x128xf32, #tpu.memory_space<vmem>> -> memref<80x128xf32, #tpu.memory_space<vmem>>
      %dma_wait3A_255 = arith.constant 0 : i32
      %dma_wait3A_256 = tpu.memref_slice %arg13[%add3A_20, %dma_wait3A_255] : memref<5248x128xf32, #tpu.memory_space<vmem_shared>> -> memref<80x128xf32, #tpu.memory_space<vmem_shared>>
      %dma_wait3A_257 = arith.constant 0 : i32
      %dma_wait3A_258 = tpu.memref_slice %arg13[%add3A_20, %dma_wait3A_257] : memref<5248x128xf32, #tpu.memory_space<vmem_shared>> -> memref<80x128xf32, #tpu.memory_space<vmem_shared>>
      %dma_wait3A_259 = arith.constant 0 : i32
      %dma_wait3A_260 = arith.constant 0 : i32
      %dma_wait3A_261 = tpu.memref_slice %arg9[%dma_wait3A_259, %dma_wait3A_260] : memref<80x128xf32, #tpu.memory_space<vmem>> -> memref<80x128xf32, #tpu.memory_space<vmem>>
      tpu.wait_dma2 semaphore(%run_scoped3A : memref<!tpu.dma_semaphore, #tpu.memory_space<semaphore_mem>>) src(%dma_wait3A_261 : memref<80x128xf32, #tpu.memory_space<vmem>>) dst(%dma_wait3A_258 : memref<80x128xf32, #tpu.memory_space<vmem_shared>>)
      tpu.yield
    }) : () -> ()
    %add3A_21 = arith.constant 240 : i32
    %add3A_22 = arith.addi %mul3A_7, %add3A_21 : i32
    "tpu.region"() ({
      %run_scoped3A = tpu.sem_alloc : memref<!tpu.dma_semaphore, #tpu.memory_space<semaphore_mem>>
      %dma_start3A_242 = arith.constant 0 : i32
      %dma_start3A_243 = arith.constant 0 : i32
      %dma_start3A_244 = tpu.memref_slice %arg9[%dma_start3A_242, %dma_start3A_243] : memref<80x128xf32, #tpu.memory_space<vmem>> -> memref<80x128xf32, #tpu.memory_space<vmem>>
      %dma_start3A_245 = arith.constant 0 : i32
      %dma_start3A_246 = tpu.memref_slice %arg17[%add3A_22, %dma_start3A_245] : memref<5248x128xf32, #tpu.memory_space<vmem_shared>> -> memref<80x128xf32, #tpu.memory_space<vmem_shared>>
      %dma_start3A_247 = arith.constant 0 : i32
      %dma_start3A_248 = tpu.memref_slice %arg17[%add3A_22, %dma_start3A_247] : memref<5248x128xf32, #tpu.memory_space<vmem_shared>> -> memref<80x128xf32, #tpu.memory_space<vmem_shared>>
      %dma_start3A_249 = arith.constant 0 : i32
      %dma_start3A_250 = arith.constant 0 : i32
      %dma_start3A_251 = tpu.memref_slice %arg9[%dma_start3A_249, %dma_start3A_250] : memref<80x128xf32, #tpu.memory_space<vmem>> -> memref<80x128xf32, #tpu.memory_space<vmem>>
      tpu.enqueue_dma source(%dma_start3A_251 : memref<80x128xf32, #tpu.memory_space<vmem>>) target(%dma_start3A_248 : memref<80x128xf32, #tpu.memory_space<vmem_shared>>) target_semaphore(%run_scoped3A : memref<!tpu.dma_semaphore, #tpu.memory_space<semaphore_mem>>)
      %dma_wait3A_252 = arith.constant 0 : i32
      %dma_wait3A_253 = arith.constant 0 : i32
      %dma_wait3A_254 = tpu.memref_slice %arg9[%dma_wait3A_252, %dma_wait3A_253] : memref<80x128xf32, #tpu.memory_space<vmem>> -> memref<80x128xf32, #tpu.memory_space<vmem>>
      %dma_wait3A_255 = arith.constant 0 : i32
      %dma_wait3A_256 = tpu.memref_slice %arg17[%add3A_22, %dma_wait3A_255] : memref<5248x128xf32, #tpu.memory_space<vmem_shared>> -> memref<80x128xf32, #tpu.memory_space<vmem_shared>>
      %dma_wait3A_257 = arith.constant 0 : i32
      %dma_wait3A_258 = tpu.memref_slice %arg17[%add3A_22, %dma_wait3A_257] : memref<5248x128xf32, #tpu.memory_space<vmem_shared>> -> memref<80x128xf32, #tpu.memory_space<vmem_shared>>
      %dma_wait3A_259 = arith.constant 0 : i32
      %dma_wait3A_260 = arith.constant 0 : i32
      %dma_wait3A_261 = tpu.memref_slice %arg9[%dma_wait3A_259, %dma_wait3A_260] : memref<80x128xf32, #tpu.memory_space<vmem>> -> memref<80x128xf32, #tpu.memory_space<vmem>>
      tpu.wait_dma2 semaphore(%run_scoped3A : memref<!tpu.dma_semaphore, #tpu.memory_space<semaphore_mem>>) src(%dma_wait3A_261 : memref<80x128xf32, #tpu.memory_space<vmem>>) dst(%dma_wait3A_258 : memref<80x128xf32, #tpu.memory_space<vmem_shared>>)
      tpu.yield
    }) : () -> ()
    %add3A_23 = arith.constant 320 : i32
    %add3A_24 = arith.addi %mul3A_7, %add3A_23 : i32
    "tpu.region"() ({
      %run_scoped3A = tpu.sem_alloc : memref<!tpu.dma_semaphore, #tpu.memory_space<semaphore_mem>>
      %dma_start3A_242 = arith.constant 0 : i32
      %dma_start3A_243 = arith.constant 0 : i32
      %dma_start3A_244 = tpu.memref_slice %arg9[%dma_start3A_242, %dma_start3A_243] : memref<80x128xf32, #tpu.memory_space<vmem>> -> memref<8x128xf32, #tpu.memory_space<vmem>>
      %dma_start3A_245 = arith.constant 0 : i32
      %dma_start3A_246 = tpu.memref_slice %arg13[%add3A_24, %dma_start3A_245] : memref<5248x128xf32, #tpu.memory_space<vmem_shared>> -> memref<8x128xf32, #tpu.memory_space<vmem_shared>>
      %dma_start3A_247 = arith.constant 0 : i32
      %dma_start3A_248 = tpu.memref_slice %arg13[%add3A_24, %dma_start3A_247] : memref<5248x128xf32, #tpu.memory_space<vmem_shared>> -> memref<8x128xf32, #tpu.memory_space<vmem_shared>>
      %dma_start3A_249 = arith.constant 0 : i32
      %dma_start3A_250 = arith.constant 0 : i32
      %dma_start3A_251 = tpu.memref_slice %arg9[%dma_start3A_249, %dma_start3A_250] : memref<80x128xf32, #tpu.memory_space<vmem>> -> memref<8x128xf32, #tpu.memory_space<vmem>>
      tpu.enqueue_dma source(%dma_start3A_251 : memref<8x128xf32, #tpu.memory_space<vmem>>) target(%dma_start3A_248 : memref<8x128xf32, #tpu.memory_space<vmem_shared>>) target_semaphore(%run_scoped3A : memref<!tpu.dma_semaphore, #tpu.memory_space<semaphore_mem>>)
      %dma_wait3A_252 = arith.constant 0 : i32
      %dma_wait3A_253 = arith.constant 0 : i32
      %dma_wait3A_254 = tpu.memref_slice %arg9[%dma_wait3A_252, %dma_wait3A_253] : memref<80x128xf32, #tpu.memory_space<vmem>> -> memref<8x128xf32, #tpu.memory_space<vmem>>
      %dma_wait3A_255 = arith.constant 0 : i32
      %dma_wait3A_256 = tpu.memref_slice %arg13[%add3A_24, %dma_wait3A_255] : memref<5248x128xf32, #tpu.memory_space<vmem_shared>> -> memref<8x128xf32, #tpu.memory_space<vmem_shared>>
      %dma_wait3A_257 = arith.constant 0 : i32
      %dma_wait3A_258 = tpu.memref_slice %arg13[%add3A_24, %dma_wait3A_257] : memref<5248x128xf32, #tpu.memory_space<vmem_shared>> -> memref<8x128xf32, #tpu.memory_space<vmem_shared>>
      %dma_wait3A_259 = arith.constant 0 : i32
      %dma_wait3A_260 = arith.constant 0 : i32
      %dma_wait3A_261 = tpu.memref_slice %arg9[%dma_wait3A_259, %dma_wait3A_260] : memref<80x128xf32, #tpu.memory_space<vmem>> -> memref<8x128xf32, #tpu.memory_space<vmem>>
      tpu.wait_dma2 semaphore(%run_scoped3A : memref<!tpu.dma_semaphore, #tpu.memory_space<semaphore_mem>>) src(%dma_wait3A_261 : memref<8x128xf32, #tpu.memory_space<vmem>>) dst(%dma_wait3A_258 : memref<8x128xf32, #tpu.memory_space<vmem_shared>>)
      tpu.yield
    }) : () -> ()
    %add3A_25 = arith.constant 320 : i32
    %add3A_26 = arith.addi %mul3A_7, %add3A_25 : i32
    "tpu.region"() ({
      %run_scoped3A = tpu.sem_alloc : memref<!tpu.dma_semaphore, #tpu.memory_space<semaphore_mem>>
      %dma_start3A_242 = arith.constant 0 : i32
      %dma_start3A_243 = arith.constant 0 : i32
      %dma_start3A_244 = tpu.memref_slice %arg9[%dma_start3A_242, %dma_start3A_243] : memref<80x128xf32, #tpu.memory_space<vmem>> -> memref<8x128xf32, #tpu.memory_space<vmem>>
      %dma_start3A_245 = arith.constant 0 : i32
      %dma_start3A_246 = tpu.memref_slice %arg17[%add3A_26, %dma_start3A_245] : memref<5248x128xf32, #tpu.memory_space<vmem_shared>> -> memref<8x128xf32, #tpu.memory_space<vmem_shared>>
      %dma_start3A_247 = arith.constant 0 : i32
      %dma_start3A_248 = tpu.memref_slice %arg17[%add3A_26, %dma_start3A_247] : memref<5248x128xf32, #tpu.memory_space<vmem_shared>> -> memref<8x128xf32, #tpu.memory_space<vmem_shared>>
      %dma_start3A_249 = arith.constant 0 : i32
      %dma_start3A_250 = arith.constant 0 : i32
      %dma_start3A_251 = tpu.memref_slice %arg9[%dma_start3A_249, %dma_start3A_250] : memref<80x128xf32, #tpu.memory_space<vmem>> -> memref<8x128xf32, #tpu.memory_space<vmem>>
      tpu.enqueue_dma source(%dma_start3A_251 : memref<8x128xf32, #tpu.memory_space<vmem>>) target(%dma_start3A_248 : memref<8x128xf32, #tpu.memory_space<vmem_shared>>) target_semaphore(%run_scoped3A : memref<!tpu.dma_semaphore, #tpu.memory_space<semaphore_mem>>)
      %dma_wait3A_252 = arith.constant 0 : i32
      %dma_wait3A_253 = arith.constant 0 : i32
      %dma_wait3A_254 = tpu.memref_slice %arg9[%dma_wait3A_252, %dma_wait3A_253] : memref<80x128xf32, #tpu.memory_space<vmem>> -> memref<8x128xf32, #tpu.memory_space<vmem>>
      %dma_wait3A_255 = arith.constant 0 : i32
      %dma_wait3A_256 = tpu.memref_slice %arg17[%add3A_26, %dma_wait3A_255] : memref<5248x128xf32, #tpu.memory_space<vmem_shared>> -> memref<8x128xf32, #tpu.memory_space<vmem_shared>>
      %dma_wait3A_257 = arith.constant 0 : i32
      %dma_wait3A_258 = tpu.memref_slice %arg17[%add3A_26, %dma_wait3A_257] : memref<5248x128xf32, #tpu.memory_space<vmem_shared>> -> memref<8x128xf32, #tpu.memory_space<vmem_shared>>
      %dma_wait3A_259 = arith.constant 0 : i32
      %dma_wait3A_260 = arith.constant 0 : i32
      %dma_wait3A_261 = tpu.memref_slice %arg9[%dma_wait3A_259, %dma_wait3A_260] : memref<80x128xf32, #tpu.memory_space<vmem>> -> memref<8x128xf32, #tpu.memory_space<vmem>>
      tpu.wait_dma2 semaphore(%run_scoped3A : memref<!tpu.dma_semaphore, #tpu.memory_space<semaphore_mem>>) src(%dma_wait3A_261 : memref<8x128xf32, #tpu.memory_space<vmem>>) dst(%dma_wait3A_258 : memref<8x128xf32, #tpu.memory_space<vmem_shared>>)
      tpu.yield
    }) : () -> ()
    %broadcast_in_dim3A_27 = arith.constant 1.000000e+00 : f32
    %broadcast_in_dim3A_28 = vector.broadcast %broadcast_in_dim3A_27 : f32 to vector<16xf32>
    %scan3A_29 = arith.constant 0 : i32
    %scan3A_30 = arith.constant 80 : i32
    %scan3A_31 = arith.addi %scan3A_29, %scan3A_30 : i32
    %scan3A_32 = arith.constant 1 : i32
    scf.for %scan3A_242 = %scan3A_29 to %scan3A_31 step %scan3A_32  : i32 {
      %mul3A_243 = arith.constant 1 : i32
      %mul3A_244 = arith.muli %scan3A_242, %mul3A_243 : i32
      %add3A_245 = arith.constant 0 : i32
      %add3A_246 = arith.addi %add3A_245, %mul3A_244 : i32
      %scan3A_247 = arith.constant 0 : i32
      %scan3A_248 = arith.constant 8 : i32
      %scan3A_249 = arith.addi %scan3A_247, %scan3A_248 : i32
      %scan3A_250 = arith.constant 1 : i32
      scf.for %scan3A_252 = %scan3A_247 to %scan3A_249 step %scan3A_250  : i32 {
        %mul3A_253 = arith.constant 16 : i32
        %mul3A_254 = arith.muli %scan3A_252, %mul3A_253 : i32
        %add3A_255 = arith.constant 0 : i32
        %add3A_256 = arith.addi %add3A_255, %mul3A_254 : i32
        %swap3A_257 = arith.index_cast %add3A_246 : i32 to index
        %swap3A_258 = arith.index_cast %add3A_256 : i32 to index
        %swap3A_259 = tpu.vector_load %arg16[%swap3A_257, %swap3A_258] {strides = array<i32>} : memref<80x128xf32, #tpu.memory_space<vmem>>, vector<1x16xf32>,
        %swap3A_260 = vector.shape_cast %swap3A_259 : vector<1x16xf32> to vector<16xf32>
        %swap3A_261 = vector.shape_cast %broadcast_in_dim3A_28 : vector<16xf32> to vector<1x16xf32>
        tpu.vector_store %arg16[%swap3A_257, %swap3A_258], %swap3A_261 {strides = array<i32>} : memref<80x128xf32, #tpu.memory_space<vmem>>, vector<1x16xf32>,
      }
      %scan3A_251 = arith.constant 8 : i32
    }
    %scan3A_33 = arith.constant 80 : i32
    %barrier3A = arith.constant 0 : index
    tpu.barrier barrier_id(%barrier3A)
    %add3A_34 = arith.constant 0 : i32
    %add3A_35 = arith.addi %mul3A_0, %add3A_34 : i32
    "tpu.region"() ({
      %run_scoped3A = tpu.sem_alloc : memref<!tpu.dma_semaphore, #tpu.memory_space<semaphore_mem>>
      %dma_start3A_242 = tpu.memref_slice %arg3[%add3A_35] : memref<320000xi32, #tpu.memory_space<hbm>> -> memref<80xi32, #tpu.memory_space<hbm>>
      %dma_start3A_243 = tpu.memref_slice %arg3[%add3A_35] : memref<320000xi32, #tpu.memory_space<hbm>> -> memref<80xi32, #tpu.memory_space<hbm>>
      tpu.enqueue_dma source(%dma_start3A_243 : memref<80xi32, #tpu.memory_space<hbm>>) target(%arg7 : memref<80xi32, #tpu.memory_space<vmem>>) target_semaphore(%run_scoped3A : memref<!tpu.dma_semaphore, #tpu.memory_space<semaphore_mem>>)
      %dma_wait3A_244 = tpu.memref_slice %arg3[%add3A_35] : memref<320000xi32, #tpu.memory_space<hbm>> -> memref<80xi32, #tpu.memory_space<hbm>>
      %dma_wait3A_245 = tpu.memref_slice %arg3[%add3A_35] : memref<320000xi32, #tpu.memory_space<hbm>> -> memref<80xi32, #tpu.memory_space<hbm>>
      tpu.wait_dma2 semaphore(%run_scoped3A : memref<!tpu.dma_semaphore, #tpu.memory_space<semaphore_mem>>) src(%dma_wait3A_245 : memref<80xi32, #tpu.memory_space<hbm>>) dst(%arg7 : memref<80xi32, #tpu.memory_space<vmem>>)
      tpu.yield
    }) : () -> ()
    "tpu.region"() ({
      %run_scoped3A = tpu.sem_alloc : memref<!tpu.dma_semaphore, #tpu.memory_space<semaphore_mem>>
      %dma_start3A_242 = tpu.memref_slice %arg4[%add3A_35] : memref<320000xi32, #tpu.memory_space<hbm>> -> memref<80xi32, #tpu.memory_space<hbm>>
      %dma_start3A_243 = tpu.memref_slice %arg4[%add3A_35] : memref<320000xi32, #tpu.memory_space<hbm>> -> memref<80xi32, #tpu.memory_space<hbm>>
      tpu.enqueue_dma source(%dma_start3A_243 : memref<80xi32, #tpu.memory_space<hbm>>) target(%arg8 : memref<80xi32, #tpu.memory_space<vmem>>) target_semaphore(%run_scoped3A : memref<!tpu.dma_semaphore, #tpu.memory_space<semaphore_mem>>)
      %dma_wait3A_244 = tpu.memref_slice %arg4[%add3A_35] : memref<320000xi32, #tpu.memory_space<hbm>> -> memref<80xi32, #tpu.memory_space<hbm>>
      %dma_wait3A_245 = tpu.memref_slice %arg4[%add3A_35] : memref<320000xi32, #tpu.memory_space<hbm>> -> memref<80xi32, #tpu.memory_space<hbm>>
      tpu.wait_dma2 semaphore(%run_scoped3A : memref<!tpu.dma_semaphore, #tpu.memory_space<semaphore_mem>>) src(%dma_wait3A_245 : memref<80xi32, #tpu.memory_space<hbm>>) dst(%arg8 : memref<80xi32, #tpu.memory_space<vmem>>)
      tpu.yield
    }) : () -> ()
    %mul3A_36 = arith.constant 5120 : i32
    %mul3A_37 = arith.muli %arg0, %mul3A_36 : i32
    %get3A = arith.constant 0 : index
    %get3A_38 = tpu.vector_load %arg8[%get3A] {strides = array<i32>} : memref<80xi32, #tpu.memory_space<vmem>>, vector<16xi32>,
    %get3A_39 = vector.shape_cast %get3A_38 : vector<16xi32> to vector<16xi32>
    %sub3A = vector.broadcast %mul3A_37 : i32 to vector<16xi32>
    %sub3A_40 = arith.subi %get3A_39, %sub3A : vector<16xi32>
    %ge3A = arith.constant 0 : i32
    %ge3A_41 = vector.broadcast %ge3A : i32 to vector<16xi32>
    %ge3A_42 = arith.cmpi sge, %sub3A_40, %ge3A_41 : vector<16xi32>
    %lt3A = arith.constant 5120 : i32
    %lt3A_43 = vector.broadcast %lt3A : i32 to vector<16xi32>
    %lt3A_44 = arith.cmpi slt, %sub3A_40, %lt3A_43 : vector<16xi32>
    %and3A = arith.andi %ge3A_42, %lt3A_44 : vector<16xi1>
    %jit3A = arith.constant 5120 : i32
    %broadcast_in_dim3A_45 = vector.broadcast %jit3A : i32 to vector<16xi32>
    %select_n3A = arith.select %and3A, %sub3A_40, %broadcast_in_dim3A_45 : vector<16xi1>, vector<16xi32>
    %swap3A = arith.constant 0 : index
    %swap3A_46 = tpu.vector_load %arg8[%swap3A] {strides = array<i32>} : memref<80xi32, #tpu.memory_space<vmem>>, vector<16xi32>,
    %swap3A_47 = vector.shape_cast %swap3A_46 : vector<16xi32> to vector<16xi32>
    %swap3A_48 = vector.shape_cast %select_n3A : vector<16xi32> to vector<16xi32>
    tpu.vector_store %arg8[%swap3A], %swap3A_48 {strides = array<i32>} : memref<80xi32, #tpu.memory_space<vmem>>, vector<16xi32>,
    %get3A_49 = arith.constant 16 : index
    %get3A_50 = tpu.vector_load %arg8[%get3A_49] {strides = array<i32>} : memref<80xi32, #tpu.memory_space<vmem>>, vector<16xi32>,
    %get3A_51 = vector.shape_cast %get3A_50 : vector<16xi32> to vector<16xi32>
    %sub3A_52 = vector.broadcast %mul3A_37 : i32 to vector<16xi32>
    %sub3A_53 = arith.subi %get3A_51, %sub3A_52 : vector<16xi32>
    %ge3A_54 = arith.constant 0 : i32
    %ge3A_55 = vector.broadcast %ge3A_54 : i32 to vector<16xi32>
    %ge3A_56 = arith.cmpi sge, %sub3A_53, %ge3A_55 : vector<16xi32>
    %lt3A_57 = arith.constant 5120 : i32
    %lt3A_58 = vector.broadcast %lt3A_57 : i32 to vector<16xi32>
    %lt3A_59 = arith.cmpi slt, %sub3A_53, %lt3A_58 : vector<16xi32>
    %and3A_60 = arith.andi %ge3A_56, %lt3A_59 : vector<16xi1>
    %jit3A_61 = arith.constant 5120 : i32
    %broadcast_in_dim3A_62 = vector.broadcast %jit3A_61 : i32 to vector<16xi32>
    %select_n3A_63 = arith.select %and3A_60, %sub3A_53, %broadcast_in_dim3A_62 : vector<16xi1>, vector<16xi32>
    %swap3A_64 = arith.constant 16 : index
    %swap3A_65 = tpu.vector_load %arg8[%swap3A_64] {strides = array<i32>} : memref<80xi32, #tpu.memory_space<vmem>>, vector<16xi32>,
    %swap3A_66 = vector.shape_cast %swap3A_65 : vector<16xi32> to vector<16xi32>
    %swap3A_67 = vector.shape_cast %select_n3A_63 : vector<16xi32> to vector<16xi32>
    tpu.vector_store %arg8[%swap3A_64], %swap3A_67 {strides = array<i32>} : memref<80xi32, #tpu.memory_space<vmem>>, vector<16xi32>,
    %get3A_68 = arith.constant 32 : index
    %get3A_69 = tpu.vector_load %arg8[%get3A_68] {strides = array<i32>} : memref<80xi32, #tpu.memory_space<vmem>>, vector<16xi32>,
    %get3A_70 = vector.shape_cast %get3A_69 : vector<16xi32> to vector<16xi32>
    %sub3A_71 = vector.broadcast %mul3A_37 : i32 to vector<16xi32>
    %sub3A_72 = arith.subi %get3A_70, %sub3A_71 : vector<16xi32>
    %ge3A_73 = arith.constant 0 : i32
    %ge3A_74 = vector.broadcast %ge3A_73 : i32 to vector<16xi32>
    %ge3A_75 = arith.cmpi sge, %sub3A_72, %ge3A_74 : vector<16xi32>
    %lt3A_76 = arith.constant 5120 : i32
    %lt3A_77 = vector.broadcast %lt3A_76 : i32 to vector<16xi32>
    %lt3A_78 = arith.cmpi slt, %sub3A_72, %lt3A_77 : vector<16xi32>
    %and3A_79 = arith.andi %ge3A_75, %lt3A_78 : vector<16xi1>
    %jit3A_80 = arith.constant 5120 : i32
    %broadcast_in_dim3A_81 = vector.broadcast %jit3A_80 : i32 to vector<16xi32>
    %select_n3A_82 = arith.select %and3A_79, %sub3A_72, %broadcast_in_dim3A_81 : vector<16xi1>, vector<16xi32>
    %swap3A_83 = arith.constant 32 : index
    %swap3A_84 = tpu.vector_load %arg8[%swap3A_83] {strides = array<i32>} : memref<80xi32, #tpu.memory_space<vmem>>, vector<16xi32>,
    %swap3A_85 = vector.shape_cast %swap3A_84 : vector<16xi32> to vector<16xi32>
    %swap3A_86 = vector.shape_cast %select_n3A_82 : vector<16xi32> to vector<16xi32>
    tpu.vector_store %arg8[%swap3A_83], %swap3A_86 {strides = array<i32>} : memref<80xi32, #tpu.memory_space<vmem>>, vector<16xi32>,
    %get3A_87 = arith.constant 48 : index
    %get3A_88 = tpu.vector_load %arg8[%get3A_87] {strides = array<i32>} : memref<80xi32, #tpu.memory_space<vmem>>, vector<16xi32>,
    %get3A_89 = vector.shape_cast %get3A_88 : vector<16xi32> to vector<16xi32>
    %sub3A_90 = vector.broadcast %mul3A_37 : i32 to vector<16xi32>
    %sub3A_91 = arith.subi %get3A_89, %sub3A_90 : vector<16xi32>
    %ge3A_92 = arith.constant 0 : i32
    %ge3A_93 = vector.broadcast %ge3A_92 : i32 to vector<16xi32>
    %ge3A_94 = arith.cmpi sge, %sub3A_91, %ge3A_93 : vector<16xi32>
    %lt3A_95 = arith.constant 5120 : i32
    %lt3A_96 = vector.broadcast %lt3A_95 : i32 to vector<16xi32>
    %lt3A_97 = arith.cmpi slt, %sub3A_91, %lt3A_96 : vector<16xi32>
    %and3A_98 = arith.andi %ge3A_94, %lt3A_97 : vector<16xi1>
    %jit3A_99 = arith.constant 5120 : i32
    %broadcast_in_dim3A_100 = vector.broadcast %jit3A_99 : i32 to vector<16xi32>
    %select_n3A_101 = arith.select %and3A_98, %sub3A_91, %broadcast_in_dim3A_100 : vector<16xi1>, vector<16xi32>
    %swap3A_102 = arith.constant 48 : index
    %swap3A_103 = tpu.vector_load %arg8[%swap3A_102] {strides = array<i32>} : memref<80xi32, #tpu.memory_space<vmem>>, vector<16xi32>,
    %swap3A_104 = vector.shape_cast %swap3A_103 : vector<16xi32> to vector<16xi32>
    %swap3A_105 = vector.shape_cast %select_n3A_101 : vector<16xi32> to vector<16xi32>
    tpu.vector_store %arg8[%swap3A_102], %swap3A_105 {strides = array<i32>} : memref<80xi32, #tpu.memory_space<vmem>>, vector<16xi32>,
    %get3A_106 = arith.constant 64 : index
    %get3A_107 = tpu.vector_load %arg8[%get3A_106] {strides = array<i32>} : memref<80xi32, #tpu.memory_space<vmem>>, vector<16xi32>,
    %get3A_108 = vector.shape_cast %get3A_107 : vector<16xi32> to vector<16xi32>
    %sub3A_109 = vector.broadcast %mul3A_37 : i32 to vector<16xi32>
    %sub3A_110 = arith.subi %get3A_108, %sub3A_109 : vector<16xi32>
    %ge3A_111 = arith.constant 0 : i32
    %ge3A_112 = vector.broadcast %ge3A_111 : i32 to vector<16xi32>
    %ge3A_113 = arith.cmpi sge, %sub3A_110, %ge3A_112 : vector<16xi32>
    %lt3A_114 = arith.constant 5120 : i32
    %lt3A_115 = vector.broadcast %lt3A_114 : i32 to vector<16xi32>
    %lt3A_116 = arith.cmpi slt, %sub3A_110, %lt3A_115 : vector<16xi32>
    %and3A_117 = arith.andi %ge3A_113, %lt3A_116 : vector<16xi1>
    %jit3A_118 = arith.constant 5120 : i32
    %broadcast_in_dim3A_119 = vector.broadcast %jit3A_118 : i32 to vector<16xi32>
    %select_n3A_120 = arith.select %and3A_117, %sub3A_110, %broadcast_in_dim3A_119 : vector<16xi1>, vector<16xi32>
    %swap3A_121 = arith.constant 64 : index
    %swap3A_122 = tpu.vector_load %arg8[%swap3A_121] {strides = array<i32>} : memref<80xi32, #tpu.memory_space<vmem>>, vector<16xi32>,
    %swap3A_123 = vector.shape_cast %swap3A_122 : vector<16xi32> to vector<16xi32>
    %swap3A_124 = vector.shape_cast %select_n3A_120 : vector<16xi32> to vector<16xi32>
    tpu.vector_store %arg8[%swap3A_121], %swap3A_124 {strides = array<i32>} : memref<80xi32, #tpu.memory_space<vmem>>, vector<16xi32>,
    %dma_start3A = arith.constant 0 : i32
    %dma_start3A_125 = arith.constant 0 : i32
    %dma_start3A_126 = tpu.memref_slice %arg2[%dma_start3A, %dma_start3A_125] : memref<10000x128xf32, #tpu.memory_space<hbm>> -> memref<10000x128xf32, #tpu.memory_space<hbm>>
    tpu.enqueue_indirect_dma source(%dma_start3A_126 : memref<10000x128xf32, #tpu.memory_space<hbm>>) target(%arg9 : memref<80x128xf32, #tpu.memory_space<vmem>>) offsets(%arg7 : memref<80xi32, #tpu.memory_space<vmem>>) semaphore(%arg14 : memref<!tpu.dma_semaphore, #tpu.memory_space<semaphore_mem>>)
    %scan3A_127 = arith.constant 0 : i32
    %scan3A_128 = arith.constant 124 : i32
    %scan3A_129 = arith.addi %scan3A_127, %scan3A_128 : i32
    %scan3A_130 = arith.constant 1 : i32
    scf.for %scan3A_242 = %scan3A_127 to %scan3A_129 step %scan3A_130  : i32 {
      %mul3A_243 = arith.constant 2 : i32
      %mul3A_244 = arith.muli %scan3A_242, %mul3A_243 : i32
      %add3A_245 = arith.constant 0 : i32
      %add3A_246 = arith.addi %add3A_245, %mul3A_244 : i32
      %add3A_247 = arith.constant 1 : i32
      %add3A_248 = arith.addi %add3A_246, %add3A_247 : i32
      %mul3A_249 = arith.constant 80 : i32
      %mul3A_250 = arith.muli %add3A_248, %mul3A_249 : i32
      %add3A_251 = arith.addi %mul3A_0, %mul3A_250 : i32
      "tpu.region"() ({
        %run_scoped3A = tpu.sem_alloc : memref<!tpu.dma_semaphore, #tpu.memory_space<semaphore_mem>>
        %dma_start3A_463 = tpu.memref_slice %arg3[%add3A_251] : memref<320000xi32, #tpu.memory_space<hbm>> -> memref<80xi32, #tpu.memory_space<hbm>>
        %dma_start3A_464 = tpu.memref_slice %arg3[%add3A_251] : memref<320000xi32, #tpu.memory_space<hbm>> -> memref<80xi32, #tpu.memory_space<hbm>>
        tpu.enqueue_dma source(%dma_start3A_464 : memref<80xi32, #tpu.memory_space<hbm>>) target(%arg10 : memref<80xi32, #tpu.memory_space<vmem>>) target_semaphore(%run_scoped3A : memref<!tpu.dma_semaphore, #tpu.memory_space<semaphore_mem>>)
        %dma_wait3A_465 = tpu.memref_slice %arg3[%add3A_251] : memref<320000xi32, #tpu.memory_space<hbm>> -> memref<80xi32, #tpu.memory_space<hbm>>
        %dma_wait3A_466 = tpu.memref_slice %arg3[%add3A_251] : memref<320000xi32, #tpu.memory_space<hbm>> -> memref<80xi32, #tpu.memory_space<hbm>>
        tpu.wait_dma2 semaphore(%run_scoped3A : memref<!tpu.dma_semaphore, #tpu.memory_space<semaphore_mem>>) src(%dma_wait3A_466 : memref<80xi32, #tpu.memory_space<hbm>>) dst(%arg10 : memref<80xi32, #tpu.memory_space<vmem>>)
        tpu.yield
      }) : () -> ()
      "tpu.region"() ({
        %run_scoped3A = tpu.sem_alloc : memref<!tpu.dma_semaphore, #tpu.memory_space<semaphore_mem>>
        %dma_start3A_463 = tpu.memref_slice %arg4[%add3A_251] : memref<320000xi32, #tpu.memory_space<hbm>> -> memref<80xi32, #tpu.memory_space<hbm>>
        %dma_start3A_464 = tpu.memref_slice %arg4[%add3A_251] : memref<320000xi32, #tpu.memory_space<hbm>> -> memref<80xi32, #tpu.memory_space<hbm>>
        tpu.enqueue_dma source(%dma_start3A_464 : memref<80xi32, #tpu.memory_space<hbm>>) target(%arg11 : memref<80xi32, #tpu.memory_space<vmem>>) target_semaphore(%run_scoped3A : memref<!tpu.dma_semaphore, #tpu.memory_space<semaphore_mem>>)
        %dma_wait3A_465 = tpu.memref_slice %arg4[%add3A_251] : memref<320000xi32, #tpu.memory_space<hbm>> -> memref<80xi32, #tpu.memory_space<hbm>>
        %dma_wait3A_466 = tpu.memref_slice %arg4[%add3A_251] : memref<320000xi32, #tpu.memory_space<hbm>> -> memref<80xi32, #tpu.memory_space<hbm>>
        tpu.wait_dma2 semaphore(%run_scoped3A : memref<!tpu.dma_semaphore, #tpu.memory_space<semaphore_mem>>) src(%dma_wait3A_466 : memref<80xi32, #tpu.memory_space<hbm>>) dst(%arg11 : memref<80xi32, #tpu.memory_space<vmem>>)
        tpu.yield
      }) : () -> ()
      %mul3A_252 = arith.constant 5120 : i32
      %mul3A_253 = arith.muli %arg0, %mul3A_252 : i32
      %get3A_254 = arith.constant 0 : index
      %get3A_255 = tpu.vector_load %arg11[%get3A_254] {strides = array<i32>} : memref<80xi32, #tpu.memory_space<vmem>>, vector<16xi32>,
      %get3A_256 = vector.shape_cast %get3A_255 : vector<16xi32> to vector<16xi32>
      %sub3A_257 = vector.broadcast %mul3A_253 : i32 to vector<16xi32>
      %sub3A_258 = arith.subi %get3A_256, %sub3A_257 : vector<16xi32>
      %ge3A_259 = arith.constant 0 : i32
      %ge3A_260 = vector.broadcast %ge3A_259 : i32 to vector<16xi32>
      %ge3A_261 = arith.cmpi sge, %sub3A_258, %ge3A_260 : vector<16xi32>
      %lt3A_262 = arith.constant 5120 : i32
      %lt3A_263 = vector.broadcast %lt3A_262 : i32 to vector<16xi32>
      %lt3A_264 = arith.cmpi slt, %sub3A_258, %lt3A_263 : vector<16xi32>
      %and3A_265 = arith.andi %ge3A_261, %lt3A_264 : vector<16xi1>
      %jit3A_266 = arith.constant 5120 : i32
      %broadcast_in_dim3A_267 = vector.broadcast %jit3A_266 : i32 to vector<16xi32>
      %select_n3A_268 = arith.select %and3A_265, %sub3A_258, %broadcast_in_dim3A_267 : vector<16xi1>, vector<16xi32>
      %swap3A_269 = arith.constant 0 : index
      %swap3A_270 = tpu.vector_load %arg11[%swap3A_269] {strides = array<i32>} : memref<80xi32, #tpu.memory_space<vmem>>, vector<16xi32>,
      %swap3A_271 = vector.shape_cast %swap3A_270 : vector<16xi32> to vector<16xi32>
      %swap3A_272 = vector.shape_cast %select_n3A_268 : vector<16xi32> to vector<16xi32>
      tpu.vector_store %arg11[%swap3A_269], %swap3A_272 {strides = array<i32>} : memref<80xi32, #tpu.memory_space<vmem>>, vector<16xi32>,
      %get3A_273 = arith.constant 16 : index
      %get3A_274 = tpu.vector_load %arg11[%get3A_273] {strides = array<i32>} : memref<80xi32, #tpu.memory_space<vmem>>, vector<16xi32>,
      %get3A_275 = vector.shape_cast %get3A_274 : vector<16xi32> to vector<16xi32>
      %sub3A_276 = vector.broadcast %mul3A_253 : i32 to vector<16xi32>
      %sub3A_277 = arith.subi %get3A_275, %sub3A_276 : vector<16xi32>
      %ge3A_278 = arith.constant 0 : i32
      %ge3A_279 = vector.broadcast %ge3A_278 : i32 to vector<16xi32>
      %ge3A_280 = arith.cmpi sge, %sub3A_277, %ge3A_279 : vector<16xi32>
      %lt3A_281 = arith.constant 5120 : i32
      %lt3A_282 = vector.broadcast %lt3A_281 : i32 to vector<16xi32>
      %lt3A_283 = arith.cmpi slt, %sub3A_277, %lt3A_282 : vector<16xi32>
      %and3A_284 = arith.andi %ge3A_280, %lt3A_283 : vector<16xi1>
      %jit3A_285 = arith.constant 5120 : i32
      %broadcast_in_dim3A_286 = vector.broadcast %jit3A_285 : i32 to vector<16xi32>
      %select_n3A_287 = arith.select %and3A_284, %sub3A_277, %broadcast_in_dim3A_286 : vector<16xi1>, vector<16xi32>
      %swap3A_288 = arith.constant 16 : index
      %swap3A_289 = tpu.vector_load %arg11[%swap3A_288] {strides = array<i32>} : memref<80xi32, #tpu.memory_space<vmem>>, vector<16xi32>,
      %swap3A_290 = vector.shape_cast %swap3A_289 : vector<16xi32> to vector<16xi32>
      %swap3A_291 = vector.shape_cast %select_n3A_287 : vector<16xi32> to vector<16xi32>
      tpu.vector_store %arg11[%swap3A_288], %swap3A_291 {strides = array<i32>} : memref<80xi32, #tpu.memory_space<vmem>>, vector<16xi32>,
      %get3A_292 = arith.constant 32 : index
      %get3A_293 = tpu.vector_load %arg11[%get3A_292] {strides = array<i32>} : memref<80xi32, #tpu.memory_space<vmem>>, vector<16xi32>,
      %get3A_294 = vector.shape_cast %get3A_293 : vector<16xi32> to vector<16xi32>
      %sub3A_295 = vector.broadcast %mul3A_253 : i32 to vector<16xi32>
      %sub3A_296 = arith.subi %get3A_294, %sub3A_295 : vector<16xi32>
      %ge3A_297 = arith.constant 0 : i32
      %ge3A_298 = vector.broadcast %ge3A_297 : i32 to vector<16xi32>
      %ge3A_299 = arith.cmpi sge, %sub3A_296, %ge3A_298 : vector<16xi32>
      %lt3A_300 = arith.constant 5120 : i32
      %lt3A_301 = vector.broadcast %lt3A_300 : i32 to vector<16xi32>
      %lt3A_302 = arith.cmpi slt, %sub3A_296, %lt3A_301 : vector<16xi32>
      %and3A_303 = arith.andi %ge3A_299, %lt3A_302 : vector<16xi1>
      %jit3A_304 = arith.constant 5120 : i32
      %broadcast_in_dim3A_305 = vector.broadcast %jit3A_304 : i32 to vector<16xi32>
      %select_n3A_306 = arith.select %and3A_303, %sub3A_296, %broadcast_in_dim3A_305 : vector<16xi1>, vector<16xi32>
      %swap3A_307 = arith.constant 32 : index
      %swap3A_308 = tpu.vector_load %arg11[%swap3A_307] {strides = array<i32>} : memref<80xi32, #tpu.memory_space<vmem>>, vector<16xi32>,
      %swap3A_309 = vector.shape_cast %swap3A_308 : vector<16xi32> to vector<16xi32>
      %swap3A_310 = vector.shape_cast %select_n3A_306 : vector<16xi32> to vector<16xi32>
      tpu.vector_store %arg11[%swap3A_307], %swap3A_310 {strides = array<i32>} : memref<80xi32, #tpu.memory_space<vmem>>, vector<16xi32>,
      %get3A_311 = arith.constant 48 : index
      %get3A_312 = tpu.vector_load %arg11[%get3A_311] {strides = array<i32>} : memref<80xi32, #tpu.memory_space<vmem>>, vector<16xi32>,
      %get3A_313 = vector.shape_cast %get3A_312 : vector<16xi32> to vector<16xi32>
      %sub3A_314 = vector.broadcast %mul3A_253 : i32 to vector<16xi32>
      %sub3A_315 = arith.subi %get3A_313, %sub3A_314 : vector<16xi32>
      %ge3A_316 = arith.constant 0 : i32
      %ge3A_317 = vector.broadcast %ge3A_316 : i32 to vector<16xi32>
      %ge3A_318 = arith.cmpi sge, %sub3A_315, %ge3A_317 : vector<16xi32>
      %lt3A_319 = arith.constant 5120 : i32
      %lt3A_320 = vector.broadcast %lt3A_319 : i32 to vector<16xi32>
      %lt3A_321 = arith.cmpi slt, %sub3A_315, %lt3A_320 : vector<16xi32>
      %and3A_322 = arith.andi %ge3A_318, %lt3A_321 : vector<16xi1>
      %jit3A_323 = arith.constant 5120 : i32
      %broadcast_in_dim3A_324 = vector.broadcast %jit3A_323 : i32 to vector<16xi32>
      %select_n3A_325 = arith.select %and3A_322, %sub3A_315, %broadcast_in_dim3A_324 : vector<16xi1>, vector<16xi32>
      %swap3A_326 = arith.constant 48 : index
      %swap3A_327 = tpu.vector_load %arg11[%swap3A_326] {strides = array<i32>} : memref<80xi32, #tpu.memory_space<vmem>>, vector<16xi32>,
      %swap3A_328 = vector.shape_cast %swap3A_327 : vector<16xi32> to vector<16xi32>
      %swap3A_329 = vector.shape_cast %select_n3A_325 : vector<16xi32> to vector<16xi32>
      tpu.vector_store %arg11[%swap3A_326], %swap3A_329 {strides = array<i32>} : memref<80xi32, #tpu.memory_space<vmem>>, vector<16xi32>,
      %get3A_330 = arith.constant 64 : index
      %get3A_331 = tpu.vector_load %arg11[%get3A_330] {strides = array<i32>} : memref<80xi32, #tpu.memory_space<vmem>>, vector<16xi32>,
      %get3A_332 = vector.shape_cast %get3A_331 : vector<16xi32> to vector<16xi32>
      %sub3A_333 = vector.broadcast %mul3A_253 : i32 to vector<16xi32>
      %sub3A_334 = arith.subi %get3A_332, %sub3A_333 : vector<16xi32>
      %ge3A_335 = arith.constant 0 : i32
      %ge3A_336 = vector.broadcast %ge3A_335 : i32 to vector<16xi32>
      %ge3A_337 = arith.cmpi sge, %sub3A_334, %ge3A_336 : vector<16xi32>
      %lt3A_338 = arith.constant 5120 : i32
      %lt3A_339 = vector.broadcast %lt3A_338 : i32 to vector<16xi32>
      %lt3A_340 = arith.cmpi slt, %sub3A_334, %lt3A_339 : vector<16xi32>
      %and3A_341 = arith.andi %ge3A_337, %lt3A_340 : vector<16xi1>
      %jit3A_342 = arith.constant 5120 : i32
      %broadcast_in_dim3A_343 = vector.broadcast %jit3A_342 : i32 to vector<16xi32>
      %select_n3A_344 = arith.select %and3A_341, %sub3A_334, %broadcast_in_dim3A_343 : vector<16xi1>, vector<16xi32>
      %swap3A_345 = arith.constant 64 : index
      %swap3A_346 = tpu.vector_load %arg11[%swap3A_345] {strides = array<i32>} : memref<80xi32, #tpu.memory_space<vmem>>, vector<16xi32>,
      %swap3A_347 = vector.shape_cast %swap3A_346 : vector<16xi32> to vector<16xi32>
      %swap3A_348 = vector.shape_cast %select_n3A_344 : vector<16xi32> to vector<16xi32>
      tpu.vector_store %arg11[%swap3A_345], %swap3A_348 {strides = array<i32>} : memref<80xi32, #tpu.memory_space<vmem>>, vector<16xi32>,
      %dma_start3A_349 = arith.constant 0 : i32
      %dma_start3A_350 = arith.constant 0 : i32
      %dma_start3A_351 = tpu.memref_slice %arg2[%dma_start3A_349, %dma_start3A_350] : memref<10000x128xf32, #tpu.memory_space<hbm>> -> memref<10000x128xf32, #tpu.memory_space<hbm>>
      tpu.enqueue_indirect_dma source(%dma_start3A_351 : memref<10000x128xf32, #tpu.memory_space<hbm>>) target(%arg12 : memref<80x128xf32, #tpu.memory_space<vmem>>) offsets(%arg10 : memref<80xi32, #tpu.memory_space<vmem>>) semaphore(%arg15 : memref<!tpu.dma_semaphore, #tpu.memory_space<semaphore_mem>>)
      %dma_wait3A_352 = arith.constant 0 : i32
      %dma_wait3A_353 = arith.constant 0 : i32
      %dma_wait3A_354 = tpu.memref_slice %arg2[%dma_wait3A_352, %dma_wait3A_353] : memref<10000x128xf32, #tpu.memory_space<hbm>> -> memref<10000x128xf32, #tpu.memory_space<hbm>>
      tpu.wait_indirect_dma semaphore(%arg14 : memref<!tpu.dma_semaphore, #tpu.memory_space<semaphore_mem>>) src(%dma_wait3A_354 : memref<10000x128xf32, #tpu.memory_space<hbm>>) dst(%arg9 : memref<80x128xf32, #tpu.memory_space<vmem>>)
      "tpu.region"() ({
        %run_scoped3A = tpu.sem_alloc : memref<!tpu.dma_semaphore, #tpu.memory_space<semaphore_mem>>
        %dma_start3A_463 = arith.constant 0 : i32
        %dma_start3A_464 = arith.constant 0 : i32
        %dma_start3A_465 = tpu.memref_slice %arg13[%dma_start3A_463, %dma_start3A_464] : memref<5248x128xf32, #tpu.memory_space<vmem_shared>> -> memref<5248x128xf32, #tpu.memory_space<vmem_shared>>
        tpu.enqueue_indirect_dma source(%arg9 : memref<80x128xf32, #tpu.memory_space<vmem>>) target(%dma_start3A_465 : memref<5248x128xf32, #tpu.memory_space<vmem_shared>>) offsets(%arg8 : memref<80xi32, #tpu.memory_space<vmem>>) semaphore(%run_scoped3A : memref<!tpu.dma_semaphore, #tpu.memory_space<semaphore_mem>>) {add = true}
        %dma_wait3A_466 = arith.constant 0 : i32
        %dma_wait3A_467 = arith.constant 0 : i32
        %dma_wait3A_468 = tpu.memref_slice %arg13[%dma_wait3A_466, %dma_wait3A_467] : memref<5248x128xf32, #tpu.memory_space<vmem_shared>> -> memref<5248x128xf32, #tpu.memory_space<vmem_shared>>
        tpu.wait_indirect_dma semaphore(%run_scoped3A : memref<!tpu.dma_semaphore, #tpu.memory_space<semaphore_mem>>) src(%arg9 : memref<80x128xf32, #tpu.memory_space<vmem>>) dst(%dma_wait3A_468 : memref<5248x128xf32, #tpu.memory_space<vmem_shared>>)
        tpu.yield
      }) : () -> ()
      "tpu.region"() ({
        %run_scoped3A = tpu.sem_alloc : memref<!tpu.dma_semaphore, #tpu.memory_space<semaphore_mem>>
        %dma_start3A_463 = arith.constant 0 : i32
        %dma_start3A_464 = arith.constant 0 : i32
        %dma_start3A_465 = tpu.memref_slice %arg17[%dma_start3A_463, %dma_start3A_464] : memref<5248x128xf32, #tpu.memory_space<vmem_shared>> -> memref<5248x128xf32, #tpu.memory_space<vmem_shared>>
        tpu.enqueue_indirect_dma source(%arg16 : memref<80x128xf32, #tpu.memory_space<vmem>>) target(%dma_start3A_465 : memref<5248x128xf32, #tpu.memory_space<vmem_shared>>) offsets(%arg8 : memref<80xi32, #tpu.memory_space<vmem>>) semaphore(%run_scoped3A : memref<!tpu.dma_semaphore, #tpu.memory_space<semaphore_mem>>) {add = true}
        %dma_wait3A_466 = arith.constant 0 : i32
        %dma_wait3A_467 = arith.constant 0 : i32
        %dma_wait3A_468 = tpu.memref_slice %arg17[%dma_wait3A_466, %dma_wait3A_467] : memref<5248x128xf32, #tpu.memory_space<vmem_shared>> -> memref<5248x128xf32, #tpu.memory_space<vmem_shared>>
        tpu.wait_indirect_dma semaphore(%run_scoped3A : memref<!tpu.dma_semaphore, #tpu.memory_space<semaphore_mem>>) src(%arg16 : memref<80x128xf32, #tpu.memory_space<vmem>>) dst(%dma_wait3A_468 : memref<5248x128xf32, #tpu.memory_space<vmem_shared>>)
        tpu.yield
      }) : () -> ()
      %add3A_355 = arith.constant 2 : i32
      %add3A_356 = arith.addi %add3A_246, %add3A_355 : i32
      %mul3A_357 = arith.constant 80 : i32
      %mul3A_358 = arith.muli %add3A_356, %mul3A_357 : i32
      %add3A_359 = arith.addi %mul3A_0, %mul3A_358 : i32
      "tpu.region"() ({
        %run_scoped3A = tpu.sem_alloc : memref<!tpu.dma_semaphore, #tpu.memory_space<semaphore_mem>>
        %dma_start3A_463 = tpu.memref_slice %arg3[%add3A_359] : memref<320000xi32, #tpu.memory_space<hbm>> -> memref<80xi32, #tpu.memory_space<hbm>>
        %dma_start3A_464 = tpu.memref_slice %arg3[%add3A_359] : memref<320000xi32, #tpu.memory_space<hbm>> -> memref<80xi32, #tpu.memory_space<hbm>>
        tpu.enqueue_dma source(%dma_start3A_464 : memref<80xi32, #tpu.memory_space<hbm>>) target(%arg7 : memref<80xi32, #tpu.memory_space<vmem>>) target_semaphore(%run_scoped3A : memref<!tpu.dma_semaphore, #tpu.memory_space<semaphore_mem>>)
        %dma_wait3A_465 = tpu.memref_slice %arg3[%add3A_359] : memref<320000xi32, #tpu.memory_space<hbm>> -> memref<80xi32, #tpu.memory_space<hbm>>
        %dma_wait3A_466 = tpu.memref_slice %arg3[%add3A_359] : memref<320000xi32, #tpu.memory_space<hbm>> -> memref<80xi32, #tpu.memory_space<hbm>>
        tpu.wait_dma2 semaphore(%run_scoped3A : memref<!tpu.dma_semaphore, #tpu.memory_space<semaphore_mem>>) src(%dma_wait3A_466 : memref<80xi32, #tpu.memory_space<hbm>>) dst(%arg7 : memref<80xi32, #tpu.memory_space<vmem>>)
        tpu.yield
      }) : () -> ()
      "tpu.region"() ({
        %run_scoped3A = tpu.sem_alloc : memref<!tpu.dma_semaphore, #tpu.memory_space<semaphore_mem>>
        %dma_start3A_463 = tpu.memref_slice %arg4[%add3A_359] : memref<320000xi32, #tpu.memory_space<hbm>> -> memref<80xi32, #tpu.memory_space<hbm>>
        %dma_start3A_464 = tpu.memref_slice %arg4[%add3A_359] : memref<320000xi32, #tpu.memory_space<hbm>> -> memref<80xi32, #tpu.memory_space<hbm>>
        tpu.enqueue_dma source(%dma_start3A_464 : memref<80xi32, #tpu.memory_space<hbm>>) target(%arg8 : memref<80xi32, #tpu.memory_space<vmem>>) target_semaphore(%run_scoped3A : memref<!tpu.dma_semaphore, #tpu.memory_space<semaphore_mem>>)
        %dma_wait3A_465 = tpu.memref_slice %arg4[%add3A_359] : memref<320000xi32, #tpu.memory_space<hbm>> -> memref<80xi32, #tpu.memory_space<hbm>>
        %dma_wait3A_466 = tpu.memref_slice %arg4[%add3A_359] : memref<320000xi32, #tpu.memory_space<hbm>> -> memref<80xi32, #tpu.memory_space<hbm>>
        tpu.wait_dma2 semaphore(%run_scoped3A : memref<!tpu.dma_semaphore, #tpu.memory_space<semaphore_mem>>) src(%dma_wait3A_466 : memref<80xi32, #tpu.memory_space<hbm>>) dst(%arg8 : memref<80xi32, #tpu.memory_space<vmem>>)
        tpu.yield
      }) : () -> ()
      %mul3A_360 = arith.constant 5120 : i32
      %mul3A_361 = arith.muli %arg0, %mul3A_360 : i32
      %get3A_362 = arith.constant 0 : index
      %get3A_363 = tpu.vector_load %arg8[%get3A_362] {strides = array<i32>} : memref<80xi32, #tpu.memory_space<vmem>>, vector<16xi32>,
      %get3A_364 = vector.shape_cast %get3A_363 : vector<16xi32> to vector<16xi32>
      %sub3A_365 = vector.broadcast %mul3A_361 : i32 to vector<16xi32>
      %sub3A_366 = arith.subi %get3A_364, %sub3A_365 : vector<16xi32>
      %ge3A_367 = arith.constant 0 : i32
      %ge3A_368 = vector.broadcast %ge3A_367 : i32 to vector<16xi32>
      %ge3A_369 = arith.cmpi sge, %sub3A_366, %ge3A_368 : vector<16xi32>
      %lt3A_370 = arith.constant 5120 : i32
      %lt3A_371 = vector.broadcast %lt3A_370 : i32 to vector<16xi32>
      %lt3A_372 = arith.cmpi slt, %sub3A_366, %lt3A_371 : vector<16xi32>
      %and3A_373 = arith.andi %ge3A_369, %lt3A_372 : vector<16xi1>
      %jit3A_374 = arith.constant 5120 : i32
      %broadcast_in_dim3A_375 = vector.broadcast %jit3A_374 : i32 to vector<16xi32>
      %select_n3A_376 = arith.select %and3A_373, %sub3A_366, %broadcast_in_dim3A_375 : vector<16xi1>, vector<16xi32>
      %swap3A_377 = arith.constant 0 : index
      %swap3A_378 = tpu.vector_load %arg8[%swap3A_377] {strides = array<i32>} : memref<80xi32, #tpu.memory_space<vmem>>, vector<16xi32>,
      %swap3A_379 = vector.shape_cast %swap3A_378 : vector<16xi32> to vector<16xi32>
      %swap3A_380 = vector.shape_cast %select_n3A_376 : vector<16xi32> to vector<16xi32>
      tpu.vector_store %arg8[%swap3A_377], %swap3A_380 {strides = array<i32>} : memref<80xi32, #tpu.memory_space<vmem>>, vector<16xi32>,
      %get3A_381 = arith.constant 16 : index
      %get3A_382 = tpu.vector_load %arg8[%get3A_381] {strides = array<i32>} : memref<80xi32, #tpu.memory_space<vmem>>, vector<16xi32>,
      %get3A_383 = vector.shape_cast %get3A_382 : vector<16xi32> to vector<16xi32>
      %sub3A_384 = vector.broadcast %mul3A_361 : i32 to vector<16xi32>
      %sub3A_385 = arith.subi %get3A_383, %sub3A_384 : vector<16xi32>
      %ge3A_386 = arith.constant 0 : i32
      %ge3A_387 = vector.broadcast %ge3A_386 : i32 to vector<16xi32>
      %ge3A_388 = arith.cmpi sge, %sub3A_385, %ge3A_387 : vector<16xi32>
      %lt3A_389 = arith.constant 5120 : i32
      %lt3A_390 = vector.broadcast %lt3A_389 : i32 to vector<16xi32>
      %lt3A_391 = arith.cmpi slt, %sub3A_385, %lt3A_390 : vector<16xi32>
      %and3A_392 = arith.andi %ge3A_388, %lt3A_391 : vector<16xi1>
      %jit3A_393 = arith.constant 5120 : i32
      %broadcast_in_dim3A_394 = vector.broadcast %jit3A_393 : i32 to vector<16xi32>
      %select_n3A_395 = arith.select %and3A_392, %sub3A_385, %broadcast_in_dim3A_394 : vector<16xi1>, vector<16xi32>
      %swap3A_396 = arith.constant 16 : index
      %swap3A_397 = tpu.vector_load %arg8[%swap3A_396] {strides = array<i32>} : memref<80xi32, #tpu.memory_space<vmem>>, vector<16xi32>,
      %swap3A_398 = vector.shape_cast %swap3A_397 : vector<16xi32> to vector<16xi32>
      %swap3A_399 = vector.shape_cast %select_n3A_395 : vector<16xi32> to vector<16xi32>
      tpu.vector_store %arg8[%swap3A_396], %swap3A_399 {strides = array<i32>} : memref<80xi32, #tpu.memory_space<vmem>>, vector<16xi32>,
      %get3A_400 = arith.constant 32 : index
      %get3A_401 = tpu.vector_load %arg8[%get3A_400] {strides = array<i32>} : memref<80xi32, #tpu.memory_space<vmem>>, vector<16xi32>,
      %get3A_402 = vector.shape_cast %get3A_401 : vector<16xi32> to vector<16xi32>
      %sub3A_403 = vector.broadcast %mul3A_361 : i32 to vector<16xi32>
      %sub3A_404 = arith.subi %get3A_402, %sub3A_403 : vector<16xi32>
      %ge3A_405 = arith.constant 0 : i32
      %ge3A_406 = vector.broadcast %ge3A_405 : i32 to vector<16xi32>
      %ge3A_407 = arith.cmpi sge, %sub3A_404, %ge3A_406 : vector<16xi32>
      %lt3A_408 = arith.constant 5120 : i32
      %lt3A_409 = vector.broadcast %lt3A_408 : i32 to vector<16xi32>
      %lt3A_410 = arith.cmpi slt, %sub3A_404, %lt3A_409 : vector<16xi32>
      %and3A_411 = arith.andi %ge3A_407, %lt3A_410 : vector<16xi1>
      %jit3A_412 = arith.constant 5120 : i32
      %broadcast_in_dim3A_413 = vector.broadcast %jit3A_412 : i32 to vector<16xi32>
      %select_n3A_414 = arith.select %and3A_411, %sub3A_404, %broadcast_in_dim3A_413 : vector<16xi1>, vector<16xi32>
      %swap3A_415 = arith.constant 32 : index
      %swap3A_416 = tpu.vector_load %arg8[%swap3A_415] {strides = array<i32>} : memref<80xi32, #tpu.memory_space<vmem>>, vector<16xi32>,
      %swap3A_417 = vector.shape_cast %swap3A_416 : vector<16xi32> to vector<16xi32>
      %swap3A_418 = vector.shape_cast %select_n3A_414 : vector<16xi32> to vector<16xi32>
      tpu.vector_store %arg8[%swap3A_415], %swap3A_418 {strides = array<i32>} : memref<80xi32, #tpu.memory_space<vmem>>, vector<16xi32>,
      %get3A_419 = arith.constant 48 : index
      %get3A_420 = tpu.vector_load %arg8[%get3A_419] {strides = array<i32>} : memref<80xi32, #tpu.memory_space<vmem>>, vector<16xi32>,
      %get3A_421 = vector.shape_cast %get3A_420 : vector<16xi32> to vector<16xi32>
      %sub3A_422 = vector.broadcast %mul3A_361 : i32 to vector<16xi32>
      %sub3A_423 = arith.subi %get3A_421, %sub3A_422 : vector<16xi32>
      %ge3A_424 = arith.constant 0 : i32
      %ge3A_425 = vector.broadcast %ge3A_424 : i32 to vector<16xi32>
      %ge3A_426 = arith.cmpi sge, %sub3A_423, %ge3A_425 : vector<16xi32>
      %lt3A_427 = arith.constant 5120 : i32
      %lt3A_428 = vector.broadcast %lt3A_427 : i32 to vector<16xi32>
      %lt3A_429 = arith.cmpi slt, %sub3A_423, %lt3A_428 : vector<16xi32>
      %and3A_430 = arith.andi %ge3A_426, %lt3A_429 : vector<16xi1>
      %jit3A_431 = arith.constant 5120 : i32
      %broadcast_in_dim3A_432 = vector.broadcast %jit3A_431 : i32 to vector<16xi32>
      %select_n3A_433 = arith.select %and3A_430, %sub3A_423, %broadcast_in_dim3A_432 : vector<16xi1>, vector<16xi32>
      %swap3A_434 = arith.constant 48 : index
      %swap3A_435 = tpu.vector_load %arg8[%swap3A_434] {strides = array<i32>} : memref<80xi32, #tpu.memory_space<vmem>>, vector<16xi32>,
      %swap3A_436 = vector.shape_cast %swap3A_435 : vector<16xi32> to vector<16xi32>
      %swap3A_437 = vector.shape_cast %select_n3A_433 : vector<16xi32> to vector<16xi32>
      tpu.vector_store %arg8[%swap3A_434], %swap3A_437 {strides = array<i32>} : memref<80xi32, #tpu.memory_space<vmem>>, vector<16xi32>,
      %get3A_438 = arith.constant 64 : index
      %get3A_439 = tpu.vector_load %arg8[%get3A_438] {strides = array<i32>} : memref<80xi32, #tpu.memory_space<vmem>>, vector<16xi32>,
      %get3A_440 = vector.shape_cast %get3A_439 : vector<16xi32> to vector<16xi32>
      %sub3A_441 = vector.broadcast %mul3A_361 : i32 to vector<16xi32>
      %sub3A_442 = arith.subi %get3A_440, %sub3A_441 : vector<16xi32>
      %ge3A_443 = arith.constant 0 : i32
      %ge3A_444 = vector.broadcast %ge3A_443 : i32 to vector<16xi32>
      %ge3A_445 = arith.cmpi sge, %sub3A_442, %ge3A_444 : vector<16xi32>
      %lt3A_446 = arith.constant 5120 : i32
      %lt3A_447 = vector.broadcast %lt3A_446 : i32 to vector<16xi32>
      %lt3A_448 = arith.cmpi slt, %sub3A_442, %lt3A_447 : vector<16xi32>
      %and3A_449 = arith.andi %ge3A_445, %lt3A_448 : vector<16xi1>
      %jit3A_450 = arith.constant 5120 : i32
      %broadcast_in_dim3A_451 = vector.broadcast %jit3A_450 : i32 to vector<16xi32>
      %select_n3A_452 = arith.select %and3A_449, %sub3A_442, %broadcast_in_dim3A_451 : vector<16xi1>, vector<16xi32>
      %swap3A_453 = arith.constant 64 : index
      %swap3A_454 = tpu.vector_load %arg8[%swap3A_453] {strides = array<i32>} : memref<80xi32, #tpu.memory_space<vmem>>, vector<16xi32>,
      %swap3A_455 = vector.shape_cast %swap3A_454 : vector<16xi32> to vector<16xi32>
      %swap3A_456 = vector.shape_cast %select_n3A_452 : vector<16xi32> to vector<16xi32>
      tpu.vector_store %arg8[%swap3A_453], %swap3A_456 {strides = array<i32>} : memref<80xi32, #tpu.memory_space<vmem>>, vector<16xi32>,
      %dma_start3A_457 = arith.constant 0 : i32
      %dma_start3A_458 = arith.constant 0 : i32
      %dma_start3A_459 = tpu.memref_slice %arg2[%dma_start3A_457, %dma_start3A_458] : memref<10000x128xf32, #tpu.memory_space<hbm>> -> memref<10000x128xf32, #tpu.memory_space<hbm>>
      tpu.enqueue_indirect_dma source(%dma_start3A_459 : memref<10000x128xf32, #tpu.memory_space<hbm>>) target(%arg9 : memref<80x128xf32, #tpu.memory_space<vmem>>) offsets(%arg7 : memref<80xi32, #tpu.memory_space<vmem>>) semaphore(%arg14 : memref<!tpu.dma_semaphore, #tpu.memory_space<semaphore_mem>>)
      %dma_wait3A_460 = arith.constant 0 : i32
      %dma_wait3A_461 = arith.constant 0 : i32
      %dma_wait3A_462 = tpu.memref_slice %arg2[%dma_wait3A_460, %dma_wait3A_461] : memref<10000x128xf32, #tpu.memory_space<hbm>> -> memref<10000x128xf32, #tpu.memory_space<hbm>>
      tpu.wait_indirect_dma semaphore(%arg15 : memref<!tpu.dma_semaphore, #tpu.memory_space<semaphore_mem>>) src(%dma_wait3A_462 : memref<10000x128xf32, #tpu.memory_space<hbm>>) dst(%arg12 : memref<80x128xf32, #tpu.memory_space<vmem>>)
      "tpu.region"() ({
        %run_scoped3A = tpu.sem_alloc : memref<!tpu.dma_semaphore, #tpu.memory_space<semaphore_mem>>
        %dma_start3A_463 = arith.constant 0 : i32
        %dma_start3A_464 = arith.constant 0 : i32
        %dma_start3A_465 = tpu.memref_slice %arg13[%dma_start3A_463, %dma_start3A_464] : memref<5248x128xf32, #tpu.memory_space<vmem_shared>> -> memref<5248x128xf32, #tpu.memory_space<vmem_shared>>
        tpu.enqueue_indirect_dma source(%arg12 : memref<80x128xf32, #tpu.memory_space<vmem>>) target(%dma_start3A_465 : memref<5248x128xf32, #tpu.memory_space<vmem_shared>>) offsets(%arg11 : memref<80xi32, #tpu.memory_space<vmem>>) semaphore(%run_scoped3A : memref<!tpu.dma_semaphore, #tpu.memory_space<semaphore_mem>>) {add = true}
        %dma_wait3A_466 = arith.constant 0 : i32
        %dma_wait3A_467 = arith.constant 0 : i32
        %dma_wait3A_468 = tpu.memref_slice %arg13[%dma_wait3A_466, %dma_wait3A_467] : memref<5248x128xf32, #tpu.memory_space<vmem_shared>> -> memref<5248x128xf32, #tpu.memory_space<vmem_shared>>
        tpu.wait_indirect_dma semaphore(%run_scoped3A : memref<!tpu.dma_semaphore, #tpu.memory_space<semaphore_mem>>) src(%arg12 : memref<80x128xf32, #tpu.memory_space<vmem>>) dst(%dma_wait3A_468 : memref<5248x128xf32, #tpu.memory_space<vmem_shared>>)
        tpu.yield
      }) : () -> ()
      "tpu.region"() ({
        %run_scoped3A = tpu.sem_alloc : memref<!tpu.dma_semaphore, #tpu.memory_space<semaphore_mem>>
        %dma_start3A_463 = arith.constant 0 : i32
        %dma_start3A_464 = arith.constant 0 : i32
        %dma_start3A_465 = tpu.memref_slice %arg17[%dma_start3A_463, %dma_start3A_464] : memref<5248x128xf32, #tpu.memory_space<vmem_shared>> -> memref<5248x128xf32, #tpu.memory_space<vmem_shared>>
        tpu.enqueue_indirect_dma source(%arg16 : memref<80x128xf32, #tpu.memory_space<vmem>>) target(%dma_start3A_465 : memref<5248x128xf32, #tpu.memory_space<vmem_shared>>) offsets(%arg11 : memref<80xi32, #tpu.memory_space<vmem>>) semaphore(%run_scoped3A : memref<!tpu.dma_semaphore, #tpu.memory_space<semaphore_mem>>) {add = true}
        %dma_wait3A_466 = arith.constant 0 : i32
        %dma_wait3A_467 = arith.constant 0 : i32
        %dma_wait3A_468 = tpu.memref_slice %arg17[%dma_wait3A_466, %dma_wait3A_467] : memref<5248x128xf32, #tpu.memory_space<vmem_shared>> -> memref<5248x128xf32, #tpu.memory_space<vmem_shared>>
        tpu.wait_indirect_dma semaphore(%run_scoped3A : memref<!tpu.dma_semaphore, #tpu.memory_space<semaphore_mem>>) src(%arg16 : memref<80x128xf32, #tpu.memory_space<vmem>>) dst(%dma_wait3A_468 : memref<5248x128xf32, #tpu.memory_space<vmem_shared>>)
        tpu.yield
      }) : () -> ()
    }
    %scan3A_131 = arith.constant 124 : i32
    %add3A_132 = arith.constant 19920 : i32
    %add3A_133 = arith.addi %mul3A_0, %add3A_132 : i32
    "tpu.region"() ({
      %run_scoped3A = tpu.sem_alloc : memref<!tpu.dma_semaphore, #tpu.memory_space<semaphore_mem>>
      %dma_start3A_242 = tpu.memref_slice %arg3[%add3A_133] : memref<320000xi32, #tpu.memory_space<hbm>> -> memref<80xi32, #tpu.memory_space<hbm>>
      %dma_start3A_243 = tpu.memref_slice %arg3[%add3A_133] : memref<320000xi32, #tpu.memory_space<hbm>> -> memref<80xi32, #tpu.memory_space<hbm>>
      tpu.enqueue_dma source(%dma_start3A_243 : memref<80xi32, #tpu.memory_space<hbm>>) target(%arg10 : memref<80xi32, #tpu.memory_space<vmem>>) target_semaphore(%run_scoped3A : memref<!tpu.dma_semaphore, #tpu.memory_space<semaphore_mem>>)
      %dma_wait3A_244 = tpu.memref_slice %arg3[%add3A_133] : memref<320000xi32, #tpu.memory_space<hbm>> -> memref<80xi32, #tpu.memory_space<hbm>>
      %dma_wait3A_245 = tpu.memref_slice %arg3[%add3A_133] : memref<320000xi32, #tpu.memory_space<hbm>> -> memref<80xi32, #tpu.memory_space<hbm>>
      tpu.wait_dma2 semaphore(%run_scoped3A : memref<!tpu.dma_semaphore, #tpu.memory_space<semaphore_mem>>) src(%dma_wait3A_245 : memref<80xi32, #tpu.memory_space<hbm>>) dst(%arg10 : memref<80xi32, #tpu.memory_space<vmem>>)
      tpu.yield
    }) : () -> ()
    "tpu.region"() ({
      %run_scoped3A = tpu.sem_alloc : memref<!tpu.dma_semaphore, #tpu.memory_space<semaphore_mem>>
      %dma_start3A_242 = tpu.memref_slice %arg4[%add3A_133] : memref<320000xi32, #tpu.memory_space<hbm>> -> memref<80xi32, #tpu.memory_space<hbm>>
      %dma_start3A_243 = tpu.memref_slice %arg4[%add3A_133] : memref<320000xi32, #tpu.memory_space<hbm>> -> memref<80xi32, #tpu.memory_space<hbm>>
      tpu.enqueue_dma source(%dma_start3A_243 : memref<80xi32, #tpu.memory_space<hbm>>) target(%arg11 : memref<80xi32, #tpu.memory_space<vmem>>) target_semaphore(%run_scoped3A : memref<!tpu.dma_semaphore, #tpu.memory_space<semaphore_mem>>)
      %dma_wait3A_244 = tpu.memref_slice %arg4[%add3A_133] : memref<320000xi32, #tpu.memory_space<hbm>> -> memref<80xi32, #tpu.memory_space<hbm>>
      %dma_wait3A_245 = tpu.memref_slice %arg4[%add3A_133] : memref<320000xi32, #tpu.memory_space<hbm>> -> memref<80xi32, #tpu.memory_space<hbm>>
      tpu.wait_dma2 semaphore(%run_scoped3A : memref<!tpu.dma_semaphore, #tpu.memory_space<semaphore_mem>>) src(%dma_wait3A_245 : memref<80xi32, #tpu.memory_space<hbm>>) dst(%arg11 : memref<80xi32, #tpu.memory_space<vmem>>)
      tpu.yield
    }) : () -> ()
    %mul3A_134 = arith.constant 5120 : i32
    %mul3A_135 = arith.muli %arg0, %mul3A_134 : i32
    %get3A_136 = arith.constant 0 : index
    %get3A_137 = tpu.vector_load %arg11[%get3A_136] {strides = array<i32>} : memref<80xi32, #tpu.memory_space<vmem>>, vector<16xi32>,
    %get3A_138 = vector.shape_cast %get3A_137 : vector<16xi32> to vector<16xi32>
    %sub3A_139 = vector.broadcast %mul3A_135 : i32 to vector<16xi32>
    %sub3A_140 = arith.subi %get3A_138, %sub3A_139 : vector<16xi32>
    %ge3A_141 = arith.constant 0 : i32
    %ge3A_142 = vector.broadcast %ge3A_141 : i32 to vector<16xi32>
    %ge3A_143 = arith.cmpi sge, %sub3A_140, %ge3A_142 : vector<16xi32>
    %lt3A_144 = arith.constant 5120 : i32
    %lt3A_145 = vector.broadcast %lt3A_144 : i32 to vector<16xi32>
    %lt3A_146 = arith.cmpi slt, %sub3A_140, %lt3A_145 : vector<16xi32>
    %and3A_147 = arith.andi %ge3A_143, %lt3A_146 : vector<16xi1>
    %jit3A_148 = arith.constant 5120 : i32
    %broadcast_in_dim3A_149 = vector.broadcast %jit3A_148 : i32 to vector<16xi32>
    %select_n3A_150 = arith.select %and3A_147, %sub3A_140, %broadcast_in_dim3A_149 : vector<16xi1>, vector<16xi32>
    %swap3A_151 = arith.constant 0 : index
    %swap3A_152 = tpu.vector_load %arg11[%swap3A_151] {strides = array<i32>} : memref<80xi32, #tpu.memory_space<vmem>>, vector<16xi32>,
    %swap3A_153 = vector.shape_cast %swap3A_152 : vector<16xi32> to vector<16xi32>
    %swap3A_154 = vector.shape_cast %select_n3A_150 : vector<16xi32> to vector<16xi32>
    tpu.vector_store %arg11[%swap3A_151], %swap3A_154 {strides = array<i32>} : memref<80xi32, #tpu.memory_space<vmem>>, vector<16xi32>,
    %get3A_155 = arith.constant 16 : index
    %get3A_156 = tpu.vector_load %arg11[%get3A_155] {strides = array<i32>} : memref<80xi32, #tpu.memory_space<vmem>>, vector<16xi32>,
    %get3A_157 = vector.shape_cast %get3A_156 : vector<16xi32> to vector<16xi32>
    %sub3A_158 = vector.broadcast %mul3A_135 : i32 to vector<16xi32>
    %sub3A_159 = arith.subi %get3A_157, %sub3A_158 : vector<16xi32>
    %ge3A_160 = arith.constant 0 : i32
    %ge3A_161 = vector.broadcast %ge3A_160 : i32 to vector<16xi32>
    %ge3A_162 = arith.cmpi sge, %sub3A_159, %ge3A_161 : vector<16xi32>
    %lt3A_163 = arith.constant 5120 : i32
    %lt3A_164 = vector.broadcast %lt3A_163 : i32 to vector<16xi32>
    %lt3A_165 = arith.cmpi slt, %sub3A_159, %lt3A_164 : vector<16xi32>
    %and3A_166 = arith.andi %ge3A_162, %lt3A_165 : vector<16xi1>
    %jit3A_167 = arith.constant 5120 : i32
    %broadcast_in_dim3A_168 = vector.broadcast %jit3A_167 : i32 to vector<16xi32>
    %select_n3A_169 = arith.select %and3A_166, %sub3A_159, %broadcast_in_dim3A_168 : vector<16xi1>, vector<16xi32>
    %swap3A_170 = arith.constant 16 : index
    %swap3A_171 = tpu.vector_load %arg11[%swap3A_170] {strides = array<i32>} : memref<80xi32, #tpu.memory_space<vmem>>, vector<16xi32>,
    %swap3A_172 = vector.shape_cast %swap3A_171 : vector<16xi32> to vector<16xi32>
    %swap3A_173 = vector.shape_cast %select_n3A_169 : vector<16xi32> to vector<16xi32>
    tpu.vector_store %arg11[%swap3A_170], %swap3A_173 {strides = array<i32>} : memref<80xi32, #tpu.memory_space<vmem>>, vector<16xi32>,
    %get3A_174 = arith.constant 32 : index
    %get3A_175 = tpu.vector_load %arg11[%get3A_174] {strides = array<i32>} : memref<80xi32, #tpu.memory_space<vmem>>, vector<16xi32>,
    %get3A_176 = vector.shape_cast %get3A_175 : vector<16xi32> to vector<16xi32>
    %sub3A_177 = vector.broadcast %mul3A_135 : i32 to vector<16xi32>
    %sub3A_178 = arith.subi %get3A_176, %sub3A_177 : vector<16xi32>
    %ge3A_179 = arith.constant 0 : i32
    %ge3A_180 = vector.broadcast %ge3A_179 : i32 to vector<16xi32>
    %ge3A_181 = arith.cmpi sge, %sub3A_178, %ge3A_180 : vector<16xi32>
    %lt3A_182 = arith.constant 5120 : i32
    %lt3A_183 = vector.broadcast %lt3A_182 : i32 to vector<16xi32>
    %lt3A_184 = arith.cmpi slt, %sub3A_178, %lt3A_183 : vector<16xi32>
    %and3A_185 = arith.andi %ge3A_181, %lt3A_184 : vector<16xi1>
    %jit3A_186 = arith.constant 5120 : i32
    %broadcast_in_dim3A_187 = vector.broadcast %jit3A_186 : i32 to vector<16xi32>
    %select_n3A_188 = arith.select %and3A_185, %sub3A_178, %broadcast_in_dim3A_187 : vector<16xi1>, vector<16xi32>
    %swap3A_189 = arith.constant 32 : index
    %swap3A_190 = tpu.vector_load %arg11[%swap3A_189] {strides = array<i32>} : memref<80xi32, #tpu.memory_space<vmem>>, vector<16xi32>,
    %swap3A_191 = vector.shape_cast %swap3A_190 : vector<16xi32> to vector<16xi32>
    %swap3A_192 = vector.shape_cast %select_n3A_188 : vector<16xi32> to vector<16xi32>
    tpu.vector_store %arg11[%swap3A_189], %swap3A_192 {strides = array<i32>} : memref<80xi32, #tpu.memory_space<vmem>>, vector<16xi32>,
    %get3A_193 = arith.constant 48 : index
    %get3A_194 = tpu.vector_load %arg11[%get3A_193] {strides = array<i32>} : memref<80xi32, #tpu.memory_space<vmem>>, vector<16xi32>,
    %get3A_195 = vector.shape_cast %get3A_194 : vector<16xi32> to vector<16xi32>
    %sub3A_196 = vector.broadcast %mul3A_135 : i32 to vector<16xi32>
    %sub3A_197 = arith.subi %get3A_195, %sub3A_196 : vector<16xi32>
    %ge3A_198 = arith.constant 0 : i32
    %ge3A_199 = vector.broadcast %ge3A_198 : i32 to vector<16xi32>
    %ge3A_200 = arith.cmpi sge, %sub3A_197, %ge3A_199 : vector<16xi32>
    %lt3A_201 = arith.constant 5120 : i32
    %lt3A_202 = vector.broadcast %lt3A_201 : i32 to vector<16xi32>
    %lt3A_203 = arith.cmpi slt, %sub3A_197, %lt3A_202 : vector<16xi32>
    %and3A_204 = arith.andi %ge3A_200, %lt3A_203 : vector<16xi1>
    %jit3A_205 = arith.constant 5120 : i32
    %broadcast_in_dim3A_206 = vector.broadcast %jit3A_205 : i32 to vector<16xi32>
    %select_n3A_207 = arith.select %and3A_204, %sub3A_197, %broadcast_in_dim3A_206 : vector<16xi1>, vector<16xi32>
    %swap3A_208 = arith.constant 48 : index
    %swap3A_209 = tpu.vector_load %arg11[%swap3A_208] {strides = array<i32>} : memref<80xi32, #tpu.memory_space<vmem>>, vector<16xi32>,
    %swap3A_210 = vector.shape_cast %swap3A_209 : vector<16xi32> to vector<16xi32>
    %swap3A_211 = vector.shape_cast %select_n3A_207 : vector<16xi32> to vector<16xi32>
    tpu.vector_store %arg11[%swap3A_208], %swap3A_211 {strides = array<i32>} : memref<80xi32, #tpu.memory_space<vmem>>, vector<16xi32>,
    %get3A_212 = arith.constant 64 : index
    %get3A_213 = tpu.vector_load %arg11[%get3A_212] {strides = array<i32>} : memref<80xi32, #tpu.memory_space<vmem>>, vector<16xi32>,
    %get3A_214 = vector.shape_cast %get3A_213 : vector<16xi32> to vector<16xi32>
    %sub3A_215 = vector.broadcast %mul3A_135 : i32 to vector<16xi32>
    %sub3A_216 = arith.subi %get3A_214, %sub3A_215 : vector<16xi32>
    %ge3A_217 = arith.constant 0 : i32
    %ge3A_218 = vector.broadcast %ge3A_217 : i32 to vector<16xi32>
    %ge3A_219 = arith.cmpi sge, %sub3A_216, %ge3A_218 : vector<16xi32>
    %lt3A_220 = arith.constant 5120 : i32
    %lt3A_221 = vector.broadcast %lt3A_220 : i32 to vector<16xi32>
    %lt3A_222 = arith.cmpi slt, %sub3A_216, %lt3A_221 : vector<16xi32>
    %and3A_223 = arith.andi %ge3A_219, %lt3A_222 : vector<16xi1>
    %jit3A_224 = arith.constant 5120 : i32
    %broadcast_in_dim3A_225 = vector.broadcast %jit3A_224 : i32 to vector<16xi32>
    %select_n3A_226 = arith.select %and3A_223, %sub3A_216, %broadcast_in_dim3A_225 : vector<16xi1>, vector<16xi32>
    %swap3A_227 = arith.constant 64 : index
    %swap3A_228 = tpu.vector_load %arg11[%swap3A_227] {strides = array<i32>} : memref<80xi32, #tpu.memory_space<vmem>>, vector<16xi32>,
    %swap3A_229 = vector.shape_cast %swap3A_228 : vector<16xi32> to vector<16xi32>
    %swap3A_230 = vector.shape_cast %select_n3A_226 : vector<16xi32> to vector<16xi32>
    tpu.vector_store %arg11[%swap3A_227], %swap3A_230 {strides = array<i32>} : memref<80xi32, #tpu.memory_space<vmem>>, vector<16xi32>,
    %dma_start3A_231 = arith.constant 0 : i32
    %dma_start3A_232 = arith.constant 0 : i32
    %dma_start3A_233 = tpu.memref_slice %arg2[%dma_start3A_231, %dma_start3A_232] : memref<10000x128xf32, #tpu.memory_space<hbm>> -> memref<10000x128xf32, #tpu.memory_space<hbm>>
    tpu.enqueue_indirect_dma source(%dma_start3A_233 : memref<10000x128xf32, #tpu.memory_space<hbm>>) target(%arg12 : memref<80x128xf32, #tpu.memory_space<vmem>>) offsets(%arg10 : memref<80xi32, #tpu.memory_space<vmem>>) semaphore(%arg15 : memref<!tpu.dma_semaphore, #tpu.memory_space<semaphore_mem>>)
    %dma_wait3A = arith.constant 0 : i32
    %dma_wait3A_234 = arith.constant 0 : i32
    %dma_wait3A_235 = tpu.memref_slice %arg2[%dma_wait3A, %dma_wait3A_234] : memref<10000x128xf32, #tpu.memory_space<hbm>> -> memref<10000x128xf32, #tpu.memory_space<hbm>>
    tpu.wait_indirect_dma semaphore(%arg14 : memref<!tpu.dma_semaphore, #tpu.memory_space<semaphore_mem>>) src(%dma_wait3A_235 : memref<10000x128xf32, #tpu.memory_space<hbm>>) dst(%arg9 : memref<80x128xf32, #tpu.memory_space<vmem>>)
    "tpu.region"() ({
      %run_scoped3A = tpu.sem_alloc : memref<!tpu.dma_semaphore, #tpu.memory_space<semaphore_mem>>
      %dma_start3A_242 = arith.constant 0 : i32
      %dma_start3A_243 = arith.constant 0 : i32
      %dma_start3A_244 = tpu.memref_slice %arg13[%dma_start3A_242, %dma_start3A_243] : memref<5248x128xf32, #tpu.memory_space<vmem_shared>> -> memref<5248x128xf32, #tpu.memory_space<vmem_shared>>
      tpu.enqueue_indirect_dma source(%arg9 : memref<80x128xf32, #tpu.memory_space<vmem>>) target(%dma_start3A_244 : memref<5248x128xf32, #tpu.memory_space<vmem_shared>>) offsets(%arg8 : memref<80xi32, #tpu.memory_space<vmem>>) semaphore(%run_scoped3A : memref<!tpu.dma_semaphore, #tpu.memory_space<semaphore_mem>>) {add = true}
      %dma_wait3A_245 = arith.constant 0 : i32
      %dma_wait3A_246 = arith.constant 0 : i32
      %dma_wait3A_247 = tpu.memref_slice %arg13[%dma_wait3A_245, %dma_wait3A_246] : memref<5248x128xf32, #tpu.memory_space<vmem_shared>> -> memref<5248x128xf32, #tpu.memory_space<vmem_shared>>
      tpu.wait_indirect_dma semaphore(%run_scoped3A : memref<!tpu.dma_semaphore, #tpu.memory_space<semaphore_mem>>) src(%arg9 : memref<80x128xf32, #tpu.memory_space<vmem>>) dst(%dma_wait3A_247 : memref<5248x128xf32, #tpu.memory_space<vmem_shared>>)
      tpu.yield
    }) : () -> ()
    "tpu.region"() ({
      %run_scoped3A = tpu.sem_alloc : memref<!tpu.dma_semaphore, #tpu.memory_space<semaphore_mem>>
      %dma_start3A_242 = arith.constant 0 : i32
      %dma_start3A_243 = arith.constant 0 : i32
      %dma_start3A_244 = tpu.memref_slice %arg17[%dma_start3A_242, %dma_start3A_243] : memref<5248x128xf32, #tpu.memory_space<vmem_shared>> -> memref<5248x128xf32, #tpu.memory_space<vmem_shared>>
      tpu.enqueue_indirect_dma source(%arg16 : memref<80x128xf32, #tpu.memory_space<vmem>>) target(%dma_start3A_244 : memref<5248x128xf32, #tpu.memory_space<vmem_shared>>) offsets(%arg8 : memref<80xi32, #tpu.memory_space<vmem>>) semaphore(%run_scoped3A : memref<!tpu.dma_semaphore, #tpu.memory_space<semaphore_mem>>) {add = true}
      %dma_wait3A_245 = arith.constant 0 : i32
      %dma_wait3A_246 = arith.constant 0 : i32
      %dma_wait3A_247 = tpu.memref_slice %arg17[%dma_wait3A_245, %dma_wait3A_246] : memref<5248x128xf32, #tpu.memory_space<vmem_shared>> -> memref<5248x128xf32, #tpu.memory_space<vmem_shared>>
      tpu.wait_indirect_dma semaphore(%run_scoped3A : memref<!tpu.dma_semaphore, #tpu.memory_space<semaphore_mem>>) src(%arg16 : memref<80x128xf32, #tpu.memory_space<vmem>>) dst(%dma_wait3A_247 : memref<5248x128xf32, #tpu.memory_space<vmem_shared>>)
      tpu.yield
    }) : () -> ()
    %dma_wait3A_236 = arith.constant 0 : i32
    %dma_wait3A_237 = arith.constant 0 : i32
    %dma_wait3A_238 = tpu.memref_slice %arg2[%dma_wait3A_236, %dma_wait3A_237] : memref<10000x128xf32, #tpu.memory_space<hbm>> -> memref<10000x128xf32, #tpu.memory_space<hbm>>
    tpu.wait_indirect_dma semaphore(%arg15 : memref<!tpu.dma_semaphore, #tpu.memory_space<semaphore_mem>>) src(%dma_wait3A_238 : memref<10000x128xf32, #tpu.memory_space<hbm>>) dst(%arg12 : memref<80x128xf32, #tpu.memory_space<vmem>>)
    "tpu.region"() ({
      %run_scoped3A = tpu.sem_alloc : memref<!tpu.dma_semaphore, #tpu.memory_space<semaphore_mem>>
      %dma_start3A_242 = arith.constant 0 : i32
      %dma_start3A_243 = arith.constant 0 : i32
      %dma_start3A_244 = tpu.memref_slice %arg13[%dma_start3A_242, %dma_start3A_243] : memref<5248x128xf32, #tpu.memory_space<vmem_shared>> -> memref<5248x128xf32, #tpu.memory_space<vmem_shared>>
      tpu.enqueue_indirect_dma source(%arg12 : memref<80x128xf32, #tpu.memory_space<vmem>>) target(%dma_start3A_244 : memref<5248x128xf32, #tpu.memory_space<vmem_shared>>) offsets(%arg11 : memref<80xi32, #tpu.memory_space<vmem>>) semaphore(%run_scoped3A : memref<!tpu.dma_semaphore, #tpu.memory_space<semaphore_mem>>) {add = true}
      %dma_wait3A_245 = arith.constant 0 : i32
      %dma_wait3A_246 = arith.constant 0 : i32
      %dma_wait3A_247 = tpu.memref_slice %arg13[%dma_wait3A_245, %dma_wait3A_246] : memref<5248x128xf32, #tpu.memory_space<vmem_shared>> -> memref<5248x128xf32, #tpu.memory_space<vmem_shared>>
      tpu.wait_indirect_dma semaphore(%run_scoped3A : memref<!tpu.dma_semaphore, #tpu.memory_space<semaphore_mem>>) src(%arg12 : memref<80x128xf32, #tpu.memory_space<vmem>>) dst(%dma_wait3A_247 : memref<5248x128xf32, #tpu.memory_space<vmem_shared>>)
      tpu.yield
    }) : () -> ()
    "tpu.region"() ({
      %run_scoped3A = tpu.sem_alloc : memref<!tpu.dma_semaphore, #tpu.memory_space<semaphore_mem>>
      %dma_start3A_242 = arith.constant 0 : i32
      %dma_start3A_243 = arith.constant 0 : i32
      %dma_start3A_244 = tpu.memref_slice %arg17[%dma_start3A_242, %dma_start3A_243] : memref<5248x128xf32, #tpu.memory_space<vmem_shared>> -> memref<5248x128xf32, #tpu.memory_space<vmem_shared>>
      tpu.enqueue_indirect_dma source(%arg16 : memref<80x128xf32, #tpu.memory_space<vmem>>) target(%dma_start3A_244 : memref<5248x128xf32, #tpu.memory_space<vmem_shared>>) offsets(%arg11 : memref<80xi32, #tpu.memory_space<vmem>>) semaphore(%run_scoped3A : memref<!tpu.dma_semaphore, #tpu.memory_space<semaphore_mem>>) {add = true}
      %dma_wait3A_245 = arith.constant 0 : i32
      %dma_wait3A_246 = arith.constant 0 : i32
      %dma_wait3A_247 = tpu.memref_slice %arg17[%dma_wait3A_245, %dma_wait3A_246] : memref<5248x128xf32, #tpu.memory_space<vmem_shared>> -> memref<5248x128xf32, #tpu.memory_space<vmem_shared>>
      tpu.wait_indirect_dma semaphore(%run_scoped3A : memref<!tpu.dma_semaphore, #tpu.memory_space<semaphore_mem>>) src(%arg16 : memref<80x128xf32, #tpu.memory_space<vmem>>) dst(%dma_wait3A_247 : memref<5248x128xf32, #tpu.memory_space<vmem_shared>>)
      tpu.yield
    }) : () -> ()
    %barrier3A_239 = arith.constant 0 : index
    tpu.barrier barrier_id(%barrier3A_239)
    %mul3A_240 = arith.constant 320 : i32
    %mul3A_241 = arith.muli %arg1, %mul3A_240 : i32
    "tpu.region"() ({
      %run_scoped3A = tpu.sem_alloc : memref<!tpu.dma_semaphore, #tpu.memory_space<semaphore_mem>>
      %dma_start3A_242 = arith.constant 0 : i32
      %dma_start3A_243 = arith.constant 0 : i32
      %dma_start3A_244 = tpu.memref_slice %arg5[%arg0, %dma_start3A_242, %dma_start3A_243] : memref<2x5120x128xf32, #tpu.memory_space<hbm>> -> memref<1x5120x128xf32, #tpu.memory_space<hbm>>
      %dma_start3A_245 = tpu.memref_squeeze %dma_start3A_244 : memref<1x5120x128xf32, #tpu.memory_space<hbm>> -> memref<5120x128xf32, #tpu.memory_space<hbm>>
      %dma_start3A_246 = arith.constant 0 : i32
      %dma_start3A_247 = tpu.memref_slice %dma_start3A_245[%mul3A_241, %dma_start3A_246] : memref<5120x128xf32, #tpu.memory_space<hbm>> -> memref<320x128xf32, #tpu.memory_space<hbm>>
      %dma_start3A_248 = arith.constant 0 : i32
      %dma_start3A_249 = tpu.memref_slice %arg13[%mul3A_241, %dma_start3A_248] : memref<5248x128xf32, #tpu.memory_space<vmem_shared>> -> memref<320x128xf32, #tpu.memory_space<vmem_shared>>
      tpu.enqueue_dma source(%dma_start3A_249 : memref<320x128xf32, #tpu.memory_space<vmem_shared>>) target(%dma_start3A_247 : memref<320x128xf32, #tpu.memory_space<hbm>>) target_semaphore(%run_scoped3A : memref<!tpu.dma_semaphore, #tpu.memory_space<semaphore_mem>>)
      %dma_wait3A_250 = arith.constant 0 : i32
      %dma_wait3A_251 = arith.constant 0 : i32
      %dma_wait3A_252 = tpu.memref_slice %arg5[%arg0, %dma_wait3A_250, %dma_wait3A_251] : memref<2x5120x128xf32, #tpu.memory_space<hbm>> -> memref<1x5120x128xf32, #tpu.memory_space<hbm>>
      %dma_wait3A_253 = tpu.memref_squeeze %dma_wait3A_252 : memref<1x5120x128xf32, #tpu.memory_space<hbm>> -> memref<5120x128xf32, #tpu.memory_space<hbm>>
      %dma_wait3A_254 = arith.constant 0 : i32
      %dma_wait3A_255 = tpu.memref_slice %dma_wait3A_253[%mul3A_241, %dma_wait3A_254] : memref<5120x128xf32, #tpu.memory_space<hbm>> -> memref<320x128xf32, #tpu.memory_space<hbm>>
      %dma_wait3A_256 = arith.constant 0 : i32
      %dma_wait3A_257 = tpu.memref_slice %arg13[%mul3A_241, %dma_wait3A_256] : memref<5248x128xf32, #tpu.memory_space<vmem_shared>> -> memref<320x128xf32, #tpu.memory_space<vmem_shared>>
      tpu.wait_dma2 semaphore(%run_scoped3A : memref<!tpu.dma_semaphore, #tpu.memory_space<semaphore_mem>>) src(%dma_wait3A_257 : memref<320x128xf32, #tpu.memory_space<vmem_shared>>) dst(%dma_wait3A_255 : memref<320x128xf32, #tpu.memory_space<hbm>>)
      tpu.yield
    }) : () -> ()
    "tpu.region"() ({
      %run_scoped3A = tpu.sem_alloc : memref<!tpu.dma_semaphore, #tpu.memory_space<semaphore_mem>>
      %dma_start3A_242 = arith.constant 0 : i32
      %dma_start3A_243 = arith.constant 0 : i32
      %dma_start3A_244 = tpu.memref_slice %arg6[%arg0, %dma_start3A_242, %dma_start3A_243] : memref<2x5120x128xf32, #tpu.memory_space<hbm>> -> memref<1x5120x128xf32, #tpu.memory_space<hbm>>
      %dma_start3A_245 = tpu.memref_squeeze %dma_start3A_244 : memref<1x5120x128xf32, #tpu.memory_space<hbm>> -> memref<5120x128xf32, #tpu.memory_space<hbm>>
      %dma_start3A_246 = arith.constant 0 : i32
      %dma_start3A_247 = tpu.memref_slice %dma_start3A_245[%mul3A_241, %dma_start3A_246] : memref<5120x128xf32, #tpu.memory_space<hbm>> -> memref<320x128xf32, #tpu.memory_space<hbm>>
      %dma_start3A_248 = arith.constant 0 : i32
      %dma_start3A_249 = tpu.memref_slice %arg17[%mul3A_241, %dma_start3A_248] : memref<5248x128xf32, #tpu.memory_space<vmem_shared>> -> memref<320x128xf32, #tpu.memory_space<vmem_shared>>
      tpu.enqueue_dma source(%dma_start3A_249 : memref<320x128xf32, #tpu.memory_space<vmem_shared>>) target(%dma_start3A_247 : memref<320x128xf32, #tpu.memory_space<hbm>>) target_semaphore(%run_scoped3A : memref<!tpu.dma_semaphore, #tpu.memory_space<semaphore_mem>>)
      %dma_wait3A_250 = arith.constant 0 : i32
      %dma_wait3A_251 = arith.constant 0 : i32
      %dma_wait3A_252 = tpu.memref_slice %arg6[%arg0, %dma_wait3A_250, %dma_wait3A_251] : memref<2x5120x128xf32, #tpu.memory_space<hbm>> -> memref<1x5120x128xf32, #tpu.memory_space<hbm>>
      %dma_wait3A_253 = tpu.memref_squeeze %dma_wait3A_252 : memref<1x5120x128xf32, #tpu.memory_space<hbm>> -> memref<5120x128xf32, #tpu.memory_space<hbm>>
      %dma_wait3A_254 = arith.constant 0 : i32
      %dma_wait3A_255 = tpu.memref_slice %dma_wait3A_253[%mul3A_241, %dma_wait3A_254] : memref<5120x128xf32, #tpu.memory_space<hbm>> -> memref<320x128xf32, #tpu.memory_space<hbm>>
      %dma_wait3A_256 = arith.constant 0 : i32
      %dma_wait3A_257 = tpu.memref_slice %arg17[%mul3A_241, %dma_wait3A_256] : memref<5248x128xf32, #tpu.memory_space<vmem_shared>> -> memref<320x128xf32, #tpu.memory_space<vmem_shared>>
      tpu.wait_dma2 semaphore(%run_scoped3A : memref<!tpu.dma_semaphore, #tpu.memory_space<semaphore_mem>>) src(%dma_wait3A_257 : memref<320x128xf32, #tpu.memory_space<vmem_shared>>) dst(%dma_wait3A_255 : memref<320x128xf32, #tpu.memory_space<hbm>>)
      tpu.yield
    }) : () -> ()
    return
  }
}

module attributes {stable_mosaic.version = 14 : i64} {
  func.func @body(%arg0: i32, %arg1: memref<1000x128xf32, #tpu.memory_space<vmem>>, %arg2: memref<1000x128xf32, #tpu.memory_space<vmem>>, %arg3: memref<1000x128xf32, #tpu.memory_space<vmem>>, %arg4: memref<128x128xf32, #tpu.memory_space<vmem>>, %arg5: memref<1x128xf32, #tpu.memory_space<vmem>>, %arg6: memref<128x128xf32, #tpu.memory_space<vmem>>, %arg7: memref<128x1xf32, #tpu.memory_space<vmem>>, %arg8: memref<1x1xf32, #tpu.memory_space<vmem>>, %arg9: memref<1000x1xf32, #tpu.memory_space<vmem>>) attributes {dimension_semantics = [#tpu.dimension_semantics<arbitrary>], iteration_bounds = array<i64: 10>, scalar_prefetch = 0 : i64, scratch_operands = 0 : i64, tpu.core_type = #tpu.core_type<tc>, window_params = [{transform_indices = @transform_0, window_bounds = array<i64: 1000, 128>}, {transform_indices = @transform_1, window_bounds = array<i64: 1000, 128>}, {transform_indices = @transform_2, window_bounds = array<i64: 1000, 128>}, {pipeline_mode = #tpu.pipeline_mode<synchronous>, transform_indices = @transform_3, window_bounds = array<i64: 128, 128>}, {pipeline_mode = #tpu.pipeline_mode<synchronous>, transform_indices = @transform_4, window_bounds = array<i64: 1, 128>}, {pipeline_mode = #tpu.pipeline_mode<synchronous>, transform_indices = @transform_5, window_bounds = array<i64: 128, 128>}, {pipeline_mode = #tpu.pipeline_mode<synchronous>, transform_indices = @transform_6, window_bounds = array<i64: 128, 1>}, {pipeline_mode = #tpu.pipeline_mode<synchronous>, transform_indices = @transform_7, window_bounds = array<i64: 1, 1>}, {transform_indices = @transform_8, window_bounds = array<i64: 1000, 1>}]} {
    %get3A = arith.constant 0 : index
    %get3A_0 = arith.constant 0 : index
    %get3A_1 = vector.load %arg2[%get3A, %get3A_0] : memref<1000x128xf32, #tpu.memory_space<vmem>>, vector<1000x1xf32>
    %get3A_2 = arith.constant 0 : index
    %get3A_3 = arith.constant 0 : index
    %get3A_4 = vector.load %arg1[%get3A_2, %get3A_3] : memref<1000x128xf32, #tpu.memory_space<vmem>>, vector<1000x128xf32>
    %max3A = arith.constant 1.000000e+00 : f32
    %max3A_5 = vector.broadcast %max3A : f32 to vector<1000x1xf32>
    %max3A_6 = arith.maximumf %get3A_1, %max3A_5 : vector<1000x1xf32>
    %div3A = vector.broadcast %max3A_6 : vector<1000x1xf32> to vector<1000x128xf32>
    %div3A_7 = arith.divf %get3A_4, %div3A : vector<1000x128xf32>
    %get3A_8 = arith.constant 0 : index
    %get3A_9 = arith.constant 0 : index
    %get3A_10 = vector.load %arg4[%get3A_8, %get3A_9] : memref<128x128xf32, #tpu.memory_space<vmem>>, vector<128x128xf32>
    %dot_general3A = arith.constant dense<0.000000e+00> : vector<1000x128xf32>
    %dot_general3A_11 = tpu.matmul %div3A_7, %get3A_10, %dot_general3A {dimension_numbers = #tpu.dot_dimension_numbers<[1], [0], [0], [1], [0, 0, 1, 1], [], []>, precision = #tpu.contract_precision<fp32>, transpose_lhs_hint = false} : vector<1000x128xf32>, vector<128x128xf32>, vector<1000x128xf32> -> vector<1000x128xf32>
    %get3A_12 = arith.constant 0 : index
    %get3A_13 = arith.constant 0 : index
    %get3A_14 = vector.load %arg5[%get3A_12, %get3A_13] : memref<1x128xf32, #tpu.memory_space<vmem>>, vector<1x128xf32>
    %add3A = vector.broadcast %get3A_14 : vector<1x128xf32> to vector<1000x128xf32>
    %add3A_15 = arith.addf %dot_general3A_11, %add3A : vector<1000x128xf32>
    %get3A_16 = arith.constant 0 : index
    %get3A_17 = arith.constant 0 : index
    %get3A_18 = vector.load %arg3[%get3A_16, %get3A_17] : memref<1000x128xf32, #tpu.memory_space<vmem>>, vector<1000x128xf32>
    %get3A_19 = arith.constant 0 : index
    %get3A_20 = arith.constant 0 : index
    %get3A_21 = vector.load %arg6[%get3A_19, %get3A_20] : memref<128x128xf32, #tpu.memory_space<vmem>>, vector<128x128xf32>
    %dot_general3A_22 = arith.constant dense<0.000000e+00> : vector<1000x128xf32>
    %dot_general3A_23 = tpu.matmul %get3A_18, %get3A_21, %dot_general3A_22 {dimension_numbers = #tpu.dot_dimension_numbers<[1], [0], [0], [1], [0, 0, 1, 1], [], []>, precision = #tpu.contract_precision<fp32>, transpose_lhs_hint = false} : vector<1000x128xf32>, vector<128x128xf32>, vector<1000x128xf32> -> vector<1000x128xf32>
    %add3A_24 = arith.addf %add3A_15, %dot_general3A_23 : vector<1000x128xf32>
    %ge3A = arith.constant 0.000000e+00 : f32
    %ge3A_25 = vector.broadcast %ge3A : f32 to vector<1000x128xf32>
    %ge3A_26 = arith.cmpf oge, %add3A_24, %ge3A_25 : vector<1000x128xf32>
    %mul3A = arith.constant 0.00999999977 : f32
    %mul3A_27 = vector.broadcast %mul3A : f32 to vector<1000x128xf32>
    %mul3A_28 = arith.mulf %mul3A_27, %add3A_24 : vector<1000x128xf32>
    %select_n3A = arith.select %ge3A_26, %add3A_24, %mul3A_28 : vector<1000x128xi1>, vector<1000x128xf32>
    %get3A_29 = arith.constant 0 : index
    %get3A_30 = arith.constant 0 : index
    %get3A_31 = vector.load %arg7[%get3A_29, %get3A_30] : memref<128x1xf32, #tpu.memory_space<vmem>>, vector<128x1xf32>
    %dot_general3A_32 = arith.constant dense<0.000000e+00> : vector<1000x1xf32>
    %dot_general3A_33 = tpu.matmul %select_n3A, %get3A_31, %dot_general3A_32 {dimension_numbers = #tpu.dot_dimension_numbers<[1], [0], [0], [1], [0, 0, 1, 1], [], []>, precision = #tpu.contract_precision<fp32>, transpose_lhs_hint = false} : vector<1000x128xf32>, vector<128x1xf32>, vector<1000x1xf32> -> vector<1000x1xf32>
    %get3A_34 = arith.constant 0 : index
    %get3A_35 = arith.constant 0 : index
    %get3A_36 = vector.load %arg8[%get3A_34, %get3A_35] : memref<1x1xf32, #tpu.memory_space<vmem>>, vector<1x1xf32>
    %add3A_37 = vector.broadcast %get3A_36 : vector<1x1xf32> to vector<1000x1xf32>
    %add3A_38 = arith.addf %dot_general3A_33, %add3A_37 : vector<1000x1xf32>
    %swap3A = arith.constant 0 : index
    %swap3A_39 = arith.constant 0 : index
    %swap3A_40 = vector.load %arg9[%swap3A, %swap3A_39] : memref<1000x1xf32, #tpu.memory_space<vmem>>, vector<1000x1xf32>
    tpu.vector_store %arg9[%swap3A, %swap3A_39], %add3A_38 {strides = array<i32>} : memref<1000x1xf32, #tpu.memory_space<vmem>>, vector<1000x1xf32>,
    return
  }
  func.func @transform_0(%arg0: i32) -> (i32, i32) {
    %c0_i32 = arith.constant 0 : i32
    %c0_i32_0 = arith.constant 0 : i32
    return %arg0, %c0_i32 : i32, i32
  }
  func.func @transform_1(%arg0: i32) -> (i32, i32) {
    %c0_i32 = arith.constant 0 : i32
    %c0_i32_0 = arith.constant 0 : i32
    return %arg0, %c0_i32 : i32, i32
  }
  func.func @transform_2(%arg0: i32) -> (i32, i32) {
    %c0_i32 = arith.constant 0 : i32
    %c0_i32_0 = arith.constant 0 : i32
    return %arg0, %c0_i32 : i32, i32
  }
  func.func @transform_3(%arg0: i32) -> (i32, i32) {
    %c0_i32 = arith.constant 0 : i32
    %c0_i32_0 = arith.constant 0 : i32
    %c0_i32_1 = arith.constant 0 : i32
    return %c0_i32, %c0_i32_0 : i32, i32
  }
  func.func @transform_4(%arg0: i32) -> (i32, i32) {
    %c0_i32 = arith.constant 0 : i32
    %c0_i32_0 = arith.constant 0 : i32
    %c0_i32_1 = arith.constant 0 : i32
    return %c0_i32, %c0_i32_0 : i32, i32
  }
  func.func @transform_5(%arg0: i32) -> (i32, i32) {
    %c0_i32 = arith.constant 0 : i32
    %c0_i32_0 = arith.constant 0 : i32
    %c0_i32_1 = arith.constant 0 : i32
    return %c0_i32, %c0_i32_0 : i32, i32
  }
  func.func @transform_6(%arg0: i32) -> (i32, i32) {
    %c0_i32 = arith.constant 0 : i32
    %c0_i32_0 = arith.constant 0 : i32
    %c0_i32_1 = arith.constant 0 : i32
    return %c0_i32, %c0_i32_0 : i32, i32
  }
  func.func @transform_7(%arg0: i32) -> (i32, i32) {
    %c0_i32 = arith.constant 0 : i32
    %c0_i32_0 = arith.constant 0 : i32
    %c0_i32_1 = arith.constant 0 : i32
    return %c0_i32, %c0_i32_0 : i32, i32
  }
  func.func @transform_8(%arg0: i32) -> (i32, i32) {
    %c0_i32 = arith.constant 0 : i32
    %c0_i32_0 = arith.constant 0 : i32
    return %arg0, %c0_i32 : i32, i32
  }
}

module attributes {stable_mosaic.version = 14 : i64} {
  func.func @body(%arg0: i32, %arg1: memref<1000x128xf32, #tpu.memory_space<vmem>>, %arg2: memref<1000x128xf32, #tpu.memory_space<vmem>>, %arg3: memref<1000x128xf32, #tpu.memory_space<vmem>>, %arg4: memref<128x128xf32, #tpu.memory_space<vmem>>, %arg5: memref<1x128xf32, #tpu.memory_space<vmem>>, %arg6: memref<128x128xf32, #tpu.memory_space<vmem>>, %arg7: memref<1000x128xf32, #tpu.memory_space<vmem>>) attributes {dimension_semantics = [#tpu.dimension_semantics<arbitrary>], iteration_bounds = array<i64: 10>, scalar_prefetch = 0 : i64, scratch_operands = 0 : i64, tpu.core_type = #tpu.core_type<tc>, window_params = [{transform_indices = @transform_0, window_bounds = array<i64: 1000, 128>}, {transform_indices = @transform_1, window_bounds = array<i64: 1000, 128>}, {transform_indices = @transform_2, window_bounds = array<i64: 1000, 128>}, {pipeline_mode = #tpu.pipeline_mode<synchronous>, transform_indices = @transform_3, window_bounds = array<i64: 128, 128>}, {pipeline_mode = #tpu.pipeline_mode<synchronous>, transform_indices = @transform_4, window_bounds = array<i64: 1, 128>}, {pipeline_mode = #tpu.pipeline_mode<synchronous>, transform_indices = @transform_5, window_bounds = array<i64: 128, 128>}, {transform_indices = @transform_6, window_bounds = array<i64: 1000, 128>}]} {
    %get3A = arith.constant 0 : index
    %get3A_0 = arith.constant 0 : index
    %get3A_1 = vector.load %arg2[%get3A, %get3A_0] : memref<1000x128xf32, #tpu.memory_space<vmem>>, vector<1000x1xf32>
    %get3A_2 = arith.constant 0 : index
    %get3A_3 = arith.constant 0 : index
    %get3A_4 = vector.load %arg1[%get3A_2, %get3A_3] : memref<1000x128xf32, #tpu.memory_space<vmem>>, vector<1000x128xf32>
    %max3A = arith.constant 1.000000e+00 : f32
    %max3A_5 = vector.broadcast %max3A : f32 to vector<1000x1xf32>
    %max3A_6 = arith.maximumf %get3A_1, %max3A_5 : vector<1000x1xf32>
    %div3A = vector.broadcast %max3A_6 : vector<1000x1xf32> to vector<1000x128xf32>
    %div3A_7 = arith.divf %get3A_4, %div3A : vector<1000x128xf32>
    %get3A_8 = arith.constant 0 : index
    %get3A_9 = arith.constant 0 : index
    %get3A_10 = vector.load %arg4[%get3A_8, %get3A_9] : memref<128x128xf32, #tpu.memory_space<vmem>>, vector<128x128xf32>
    %dot_general3A = arith.constant dense<0.000000e+00> : vector<1000x128xf32>
    %dot_general3A_11 = tpu.matmul %div3A_7, %get3A_10, %dot_general3A {dimension_numbers = #tpu.dot_dimension_numbers<[1], [0], [0], [1], [0, 0, 1, 1], [], []>, precision = #tpu.contract_precision<fp32>, transpose_lhs_hint = false} : vector<1000x128xf32>, vector<128x128xf32>, vector<1000x128xf32> -> vector<1000x128xf32>
    %get3A_12 = arith.constant 0 : index
    %get3A_13 = arith.constant 0 : index
    %get3A_14 = vector.load %arg5[%get3A_12, %get3A_13] : memref<1x128xf32, #tpu.memory_space<vmem>>, vector<1x128xf32>
    %add3A = vector.broadcast %get3A_14 : vector<1x128xf32> to vector<1000x128xf32>
    %add3A_15 = arith.addf %dot_general3A_11, %add3A : vector<1000x128xf32>
    %get3A_16 = arith.constant 0 : index
    %get3A_17 = arith.constant 0 : index
    %get3A_18 = vector.load %arg3[%get3A_16, %get3A_17] : memref<1000x128xf32, #tpu.memory_space<vmem>>, vector<1000x128xf32>
    %get3A_19 = arith.constant 0 : index
    %get3A_20 = arith.constant 0 : index
    %get3A_21 = vector.load %arg6[%get3A_19, %get3A_20] : memref<128x128xf32, #tpu.memory_space<vmem>>, vector<128x128xf32>
    %dot_general3A_22 = arith.constant dense<0.000000e+00> : vector<1000x128xf32>
    %dot_general3A_23 = tpu.matmul %get3A_18, %get3A_21, %dot_general3A_22 {dimension_numbers = #tpu.dot_dimension_numbers<[1], [0], [0], [1], [0, 0, 1, 1], [], []>, precision = #tpu.contract_precision<fp32>, transpose_lhs_hint = false} : vector<1000x128xf32>, vector<128x128xf32>, vector<1000x128xf32> -> vector<1000x128xf32>
    %add3A_24 = arith.addf %add3A_15, %dot_general3A_23 : vector<1000x128xf32>
    %ge3A = arith.constant 0.000000e+00 : f32
    %ge3A_25 = vector.broadcast %ge3A : f32 to vector<1000x128xf32>
    %ge3A_26 = arith.cmpf oge, %add3A_24, %ge3A_25 : vector<1000x128xf32>
    %mul3A = arith.constant 0.00999999977 : f32
    %mul3A_27 = vector.broadcast %mul3A : f32 to vector<1000x128xf32>
    %mul3A_28 = arith.mulf %mul3A_27, %add3A_24 : vector<1000x128xf32>
    %select_n3A = arith.select %ge3A_26, %add3A_24, %mul3A_28 : vector<1000x128xi1>, vector<1000x128xf32>
    %swap3A = arith.constant 0 : index
    %swap3A_29 = arith.constant 0 : index
    %swap3A_30 = vector.load %arg7[%swap3A, %swap3A_29] : memref<1000x128xf32, #tpu.memory_space<vmem>>, vector<1000x128xf32>
    tpu.vector_store %arg7[%swap3A, %swap3A_29], %select_n3A {strides = array<i32>} : memref<1000x128xf32, #tpu.memory_space<vmem>>, vector<1000x128xf32>,
    return
  }
  func.func @transform_0(%arg0: i32) -> (i32, i32) {
    %c0_i32 = arith.constant 0 : i32
    %c0_i32_0 = arith.constant 0 : i32
    return %arg0, %c0_i32 : i32, i32
  }
  func.func @transform_1(%arg0: i32) -> (i32, i32) {
    %c0_i32 = arith.constant 0 : i32
    %c0_i32_0 = arith.constant 0 : i32
    return %arg0, %c0_i32 : i32, i32
  }
  func.func @transform_2(%arg0: i32) -> (i32, i32) {
    %c0_i32 = arith.constant 0 : i32
    %c0_i32_0 = arith.constant 0 : i32
    return %arg0, %c0_i32 : i32, i32
  }
  func.func @transform_3(%arg0: i32) -> (i32, i32) {
    %c0_i32 = arith.constant 0 : i32
    %c0_i32_0 = arith.constant 0 : i32
    %c0_i32_1 = arith.constant 0 : i32
    return %c0_i32, %c0_i32_0 : i32, i32
  }
  func.func @transform_4(%arg0: i32) -> (i32, i32) {
    %c0_i32 = arith.constant 0 : i32
    %c0_i32_0 = arith.constant 0 : i32
    %c0_i32_1 = arith.constant 0 : i32
    return %c0_i32, %c0_i32_0 : i32, i32
  }
  func.func @transform_5(%arg0: i32) -> (i32, i32) {
    %c0_i32 = arith.constant 0 : i32
    %c0_i32_0 = arith.constant 0 : i32
    %c0_i32_1 = arith.constant 0 : i32
    return %c0_i32, %c0_i32_0 : i32, i32
  }
  func.func @transform_6(%arg0: i32) -> (i32, i32) {
    %c0_i32 = arith.constant 0 : i32
    %c0_i32_0 = arith.constant 0 : i32
    return %arg0, %c0_i32 : i32, i32
  }
}

</mosaic_0001>

<sc_bundles>
// kernel: kernel.6.cloned.1.call-start
scs
__scs_entry_jumppad:
0x0: {  	(pc) =	sbr.rel $0x88, $3  }
0x1: {  	(tag) =	ssettag $0x0;
	lr =	simm.s32 $0x1  }
0x2: {  	[smem:$0x3F97] =	sst lr;
	_ =	strace $0xD0000000  }
0x3: {  	_ = 	snop  }
0x4: {  	_ = 	snop  }
0x5: {  	_ = 	snop  }
0x6: {  	_ = 	snop  }
0x7: {  	_ = 	snop  }
__scs_overlays_trampoline_lowered:
0x8: {  	[smem:$0x3FA6] =	sst s0  }
0x9: {  	[smem:$0x3FA7] =	sst s1  }
0xa: {  	[smem:$0x3FA8] =	sst s2  }
0xb: {  	[smem:$0x3FA9] =	sst s3  }
0xc: {  	[smem:$0x3FAA] =	sst s4  }
0xd: {  	[smem:$0x3FAB] =	sst s5  }
0xe: {  	[smem:$0x3FAC] =	sst s6  }
0xf: {  	[smem:$0x3FAD] =	sst s7  }
0x10: {  	[smem:$0x3FAE] =	sst s8  }
0x11: {  	[smem:$0x3FAF] =	sst s9;
	s0 =	simm.s32 @!p0 $0x0  }
0x12: {  	s1 =	sld [smem:$0x3F95];
	s0 =	simm.s32 @p0 $0x1  }
0x13: {  	[smem:$0x3FB0] =	sst s0;
	s0 =	simm.s32 @!p1 $0x0  }
0x14: {  	s2 =	sld [smem:$0x3F94];
	s0 =	simm.s32 @p1 $0x1  }
0x15: {  	[smem:$0x3FB1] =	sst s0;
	s0 =	simm.s32 @!p2 $0x0  }
0x16: {  	s3 =	sld [smem:$0x3FDB];
	s0 =	simm.s32 @p2 $0x1  }
0x17: {  	s4 =	simm.s32 $0x1BF5;
	[smem:$0x3FB3] =	sst s0  }
0x18: {  	s0 =	sld [smem:$0x3F96];
	_ =	swait.ge [sflag:s4], $0x0  }
0x19: {  	s7 =	sld [smem:$0x3F97]  }
0x1a: {  	s8 =	sadd.s32 $0xFFFFE003, lr  }
0x1b: {  	s9 =	sadd.s32 $0xFFFFFEF7, lr;
	s5 =	simm.s32 $0xFFFFFFFF;
	p2 =	slt.u32 s8, $0xFFFFF086  }
0x1c: {  	p1 =	slt.u32 s9, $0xF7A;
	s5 =	simm.s32 @!p2 $0x0  }
0x1d: {  	s5 =	simm.s32 @p1 $0x1;
	p0 =	seq.s32 s7, s2  }
0x1e: {  	s7 =	smul.u32 @!p0 $0xF7A, s2;
	p2 =	seq.s32 @!p0 s5, $0x0  }
0x1f: {  	s9 =	smul.u32 $0xF7A, s1;
	s8 =	simm.s32 @!p0 $0x1BF5;
	p2 =	por !p2, p0  }
0x20: {  	[sflag:s8] =	ssyncset.s32 @!p0 $0xFFFFF086;
	s6 =	sadd.s32 @!p0 s3, s7;
	s7 =	simm.s32 @!p0 $0x108  }
0x21: {  	s3 =	sadd.s32 s3, s9;
	s6 =	sadd.s32 @!p0 $0x88, s6;
	s7 =	simm.s32 @p2 $0x1082  }
0x22: {  	[simem:s7], [sflag:s8] =	dma.local @!p0 [hbm:s6], $0xF7A  }
0x23: {  	s9 =	sor.u32 $0xD0000000, s2;
	s6 =	simm.s32 $0x108;
	_ =	swait.ge @!p0 [sflag:s8], $0x0  }
0x24: {  	s3 =	sadd.s32 $0x88, s3;
	s6 =	simm.s32 @!p1 $0x1082;
	[sflag:s4] =	ssyncset.s32 $0xFFFFF086  }
0x25: {  	[simem:s6], [sflag:s4] =	dma.local [hbm:s3], $0xF7A  }
0x26: {  	[smem:$0x3F97] =	sst s1;
	(tag) =	ssettag s2;
	_ =	strace s9  }
0x27: {  	s1 =	sld [smem:$0x3FA7]  }
0x28: {  	s2 =	sld [smem:$0x3FA8]  }
0x29: {  	s4 =	sld [smem:$0x3FAA]  }
0x2a: {  	p0 =	seq.s32 s5, $0x0;
	s5 =	sld [smem:$0x3FAB]  }
0x2b: {  	s6 =	sld [smem:$0x3FAC]  }
0x2c: {  	s7 =	sld [smem:$0x3FAD]  }
0x2d: {  	s3 =	simm.s32 $0x108;
	s8 =	sld [smem:$0x3FAE]  }
0x2e: {  	s3 =	simm.s32 @!p0 $0x1082;
	s9 =	sld [smem:$0x3FAF]  }
0x2f: {  	lr =	sadd.s32 s0, s3;
	s0 =	sld [smem:$0x3FA6]  }
0x30: {  	s3 =	sld [smem:$0x3FA9]  }
0x31: {  	[smem:$0x3FB2] =	sst s10  }
0x32: {  	s10 =	sld [smem:$0x3FB0];
	_ =	sdelay $0x3  }
0x33: {  	p0 =	seq.s32 s10, $0x1;
	s10 =	sld [smem:$0x3FB2];
	_ =	sdelay $0x3  }
0x34: {  	[smem:$0x3FB2] =	sst s10  }
0x35: {  	s10 =	sld [smem:$0x3FB1];
	_ =	sdelay $0x3  }
0x36: {  	p1 =	seq.s32 s10, $0x1;
	s10 =	sld [smem:$0x3FB2];
	_ =	sdelay $0x3  }
0x37: {  	[smem:$0x3FB2] =	sst s10  }
0x38: {  	s10 =	sld [smem:$0x3FB3]  }
0x39: {  	_ = 	snop;
	(pc) =	sbr.ind lr, $3  }
0x3a: {  	_ = 	snop  }
0x3b: {  	_ = 	snop  }
0x3c: {  	p2 =	seq.s32 s10, $0x1;
	s10 =	sld [smem:$0x3FB2]  }
0x3d: {  	_ =	shalt  }
0x3e: {  	_ =	shalt  }
0x3f: {  	_ =	shalt  }
0x40: {  	_ =	shalt  }
0x41: {  	_ =	shalt  }
0x42: {  	_ =	shalt  }
0x43: {  	_ =	shalt  }
0x44: {  	_ =	shalt  }
0x45: {  	_ =	shalt  }
0x46: {  	_ =	shalt  }
0x47: {  	_ =	shalt  }
0x48: {  	_ =	shalt  }
0x49: {  	_ =	shalt  }
0x4a: {  	_ =	shalt  }
0x4b: {  	_ =	shalt  }
0x4c: {  	_ =	shalt  }
0x4d: {  	_ =	shalt  }
0x4e: {  	_ =	shalt  }
0x4f: {  	_ =	shalt  }
0x50: {  	_ =	shalt  }
0x51: {  	_ =	shalt  }
0x52: {  	_ =	shalt  }
0x53: {  	_ =	shalt  }
0x54: {  	_ =	shalt  }
0x55: {  	_ =	shalt  }
0x56: {  	_ =	shalt  }
0x57: {  	_ =	shalt  }
0x58: {  	_ =	shalt  }
0x59: {  	_ =	shalt  }
0x5a: {  	_ =	shalt  }
0x5b: {  	_ =	shalt  }
0x5c: {  	_ =	shalt  }
0x5d: {  	_ =	shalt  }
0x5e: {  	_ =	shalt  }
0x5f: {  	_ =	shalt  }
0x60: {  	_ =	shalt  }
0x61: {  	_ =	shalt  }
0x62: {  	_ =	shalt  }
0x63: {  	_ =	shalt  }
0x64: {  	_ =	shalt  }
0x65: {  	_ =	shalt  }
0x66: {  	_ =	shalt  }
0x67: {  	_ =	shalt  }
0x68: {  	_ =	shalt  }
0x69: {  	_ =	shalt  }
0x6a: {  	_ =	shalt  }
0x6b: {  	_ =	shalt  }
0x6c: {  	_ =	shalt  }
0x6d: {  	_ =	shalt  }
0x6e: {  	_ =	shalt  }
0x6f: {  	_ =	shalt  }
0x70: {  	_ =	shalt  }
0x71: {  	_ =	shalt  }
0x72: {  	_ =	shalt  }
0x73: {  	_ =	shalt  }
0x74: {  	_ =	shalt  }
0x75: {  	_ =	shalt  }
0x76: {  	_ =	shalt  }
0x77: {  	_ =	shalt  }
0x78: {  	_ =	shalt  }
0x79: {  	_ =	shalt  }
0x7a: {  	_ =	shalt  }
0x7b: {  	_ =	shalt  }
0x7c: {  	_ =	shalt  }
0x7d: {  	_ =	shalt  }
0x7e: {  	_ =	shalt  }
0x7f: {  	_ =	shalt  }
0x80: {  	_ =	shalt  }
0x81: {  	_ =	shalt  }
0x82: {  	_ =	shalt  }
0x83: {  	_ =	shalt  }
0x84: {  	_ =	shalt  }
0x85: {  	_ =	shalt  }
0x86: {  	_ =	shalt  }
0x87: {  	_ =	shalt  }
.Lfunc_end0:
.L_simem_size_0:
called_computation_lowered:
.L_overlay_start_0:
0x88: {  	s2 =	sld [smem:$0x3FD9]  }
0x89: {  	s3 =	sld [smem:$0x3FFE];
	_ =	sdelay $0x1  }
0x8a: {  	s1 =	srdreg.scid  }
0x8b: {  	s0 =	sand.u32 $0x1, s1  }
0x8c: {  	s17 =	sshll.u32 s0, $0xA;
	s2 =	sadd.s32 s3, s2  }
0x8d: {  	s2 =	sadd.s32 s2, s17  }
0x8e: {  	[smem:$0x3FBE] =	sst s2  }
0x8f: {  	_ = 	snop  }
0x90: {  	s2 =	sld [smem:$0x3FC9];
	(tm) =	ssettm $0x1  }
0x91: {  	s18 =	sld [smem:$0x3FFB];
	_ =	sdelay $0x3  }
0x92: {  	_ =	strace s18  }
0x93: {  	s3 =	sld [smem:$0x3FFC];
	_ =	sdelay $0x3  }
0x94: {  	_ =	strace s3  }
0x95: {  	s3 =	sld [smem:$0x3FFD];
	_ =	sdelay $0x3  }
0x96: {  	_ =	strace s3  }
0x97: {  	_ =	strace $0x8FFFFFFF  }
0x98: {  	s19 =	sld [smem:$0x3FDB];
	_ =	sdelay $0x1  }
0x99: {  	s4 =	simm.s32 $_scs_section_size  }
0x9a: {  	s5 =	simm.s32 $_size__tile_overlayer_lowered;
	s6 =	simm.s32 $_tile_overlayer_lowered  }
0x9b: {  	s22 =	simm.s32 $0x1BFF;
	s21 =	sshll.u32 s6, $0x1;
	s3 =	sadd.s32 s4, s19  }
0x9c: {  	s7 =	simm.s32 $0x0;
	s20 =	sshll.u32 s5, $0x1;
	s5 =	sadd.s32 s21, s3  }
0x9d: {  	[timem:s7], [sflag:s22] =	dma.local [hbm:s5], s20  }
0x9e: {  	_ =	swait.ge [sflag:s22], s20  }
0x9f: {  	s4 =	ssub.s32 $0x0, s20;
	[sflag:s22] =	ssyncset.done $0x0  }
0xa0: {  	[sflag:s22] =	ssyncadd.s32 s4;
	_ =	sdelay $0x1  }
0xa1: {  	s23 =	simm.s32 $0x1B8B  }
0xa2: {  	_ =	swait.ge [sflag:s23], $0x1  }
0xa3: {  	[sflag:s23] =	ssyncset.done $0x0  }
0xa4: {  	s25 =	simm.s32 $0x1B8E;
	s24 =	sld [smem:$0x3FFE];
	[sflag:s23] =	ssyncadd.s32 $0xFFFFFFFF  }
0xa5: {  	s26 =	simm.s32 $execute0_lowered;
	[smem:$0x3FD2] =	sst s25  }
0xa6: {  	s5 =	sshll.u32 s26, $0x1;
	_ =	strace $0x80000046;
	[dreg:$0x1] =	wrdreg $0xFFFFFFFF  }
0xa7: {  	s28 =	simm.s32 $_size_execute0_lowered;
	s3 =	sadd.s32 s3, s5;
	[dreg:$0x0] =	wrdreg $0x0  }
0xa8: {  	s5 =	sshll.u32 s28, $0x1;
	[dreg:$0x2] =	wrdreg s3  }
0xa9: {  	[dreg:$0x3] =	wrdreg s5  }
0xaa: {  	[dreg:$0x4] =	wrdreg $0xC0  }
0xab: {  	_ =	task [dreg:s7], $0x5FFFF  }
0xac: {  	[dreg:$0x1] =	wrdreg $0xFFFFFFFF  }
0xad: {  	[dreg:$0x0] =	wrdreg $0x60  }
0xae: {  	[dreg:$0x2] =	wrdreg s2  }
0xaf: {  	[dreg:$0x3] =	wrdreg s24  }
0xb0: {  	[dreg:$0x4] =	wrdreg $0x52000  }
0xb1: {  	[dreg:$0x5] =	wrdreg $0x11E000  }
0xb2: {  	[dreg:$0x6] =	wrdreg $0x9  }
0xb3: {  	_ =	task.clear_ibuf [dreg:s7], $0x7FFFF;
	_ =	strace $0x90000046  }
0xb4: {  	s29 =	simm.s32 $0x9;
	_ =	strace $0x80000048  }
0xb5: {  	_ =	swait.ge [sflag:s29], $0x1  }
0xb6: {  	[sflag:s29] =	ssyncadd.s32 $0xFFFFFFFF  }
0xb7: {  	_ =	strace $0x90000048  }
0xb8: {  	_ =	sfence  }
0xb9: {  	s30 =	sld [smem:$0x0];
	_ =	sdelay $0x2  }
0xba: {  	s31 =	sshll.u32 s1, $0xD;
	s1 =	sshrl.u32 s1, $0x2  }
0xbb: {  	s3 =	sand.u32 $0x4000, s31;
	s1 =	sadd.s32 s1, s30  }
0xbc: {  	s0 =	sor.u32 s3, s0;
	s1 =	sshll.u32 s1, $0x11  }
0xbd: {  	s0 =	sor.u32 s1, s0  }
0xbe: {  	s0 =	sadd.s32 $0x8F2B, s0  }
0xbf: {  	[sflag:s0] =	ssyncadd.remote.s32 $0x1  }
0xc0: {  	_ =	sfence.sel $0xFFFF  }
0xc1: {  	[dreg:$0x0] =	wrdreg $0xFFFFFFFF;
	(pc) =	sbr.abs _section_cstart, $3  }
0xc2: {  	[dreg:$0x1] =	wrdreg $0xFFFFFFFF  }
0xc3: {  	_ =	task.clear_ibuf [dreg:s7], $0x2FFFF;
	_ =	strace $0x9FFFFFFF  }
0xc4: {  	(tm) =	ssettm $0x7FFFFFFF  }
0xc5: {  	_ =	shalt  }
tec
execute0_lowered:
.L_overlay_start_1:
0x0: {  	(tag) =	ssettag $0x1  }
0x1: {  	s1 =	rddreg [dreg:$0x0]  }
0x2: {  	s0 =	rddreg [dreg:$0x1]  }
0x3: {  	s2 =	rddreg [dreg:$0x2]  }
0x4: {  	s3 =	rddreg [dreg:$0x3];
	s4 =	simm.s32 $0x0  }
0x5: {  	s5 =	srdreg.scid;
	s14 =	stileid.u32;
	s28 =	simm.s32 $0x100  }
0x6: {  	s29 =	simm.s32 $0x3;
	s30 =	simm.s32 $0x80;
	s9 =	smul.u32 $0xA400, s14  }
0x7: {  	s31 =	simm.s32 $0x50;
	[smem:$0x7FF] =	sst s4;
	s16 =	smul.u32 $0x4E20, s14  }
0x8: {  	s5 =	sand.u32 $0x1, s5;
	s7 =	sadd.s32 $0xC400, s0;
	s24 =	smul.u32 $0x9C4, s14  }
0x9: {  	s10 =	sadd.s32 $0x2600, s0;
	s26 =	smul.u32 $0x1400, s14;
	s8 =	ssub.s32 $0x2, s5  }
0xa: {  	_ =	strace $0x80000047;
	s6 =	smul.u32 $0x14000, s5;
	s15 =	sshrl.u32 s8, $0x1  }
0xb: {  	s11 =	sadd.s32 s9, s2;
	s17 =	sadd.s32 s9, s3;
	s18 =	sadd.s32 $0x2800, s9  }
0xc: {  	s12 =	sadd.s32 $0x5000, s9;
	s0 =	sadd.s32 s6, s0;
	[dreg:$0x5] =	wrdreg s11  }
0xd: {  	s6 =	ssub.s32 s8, s15;
	[dreg:$0x6] =	wrdreg s17;
	s13 =	sadd.s32 s18, s2  }
0xe: {  	s11 =	sadd.s32 s18, s3;
	s19 =	sadd.s32 s12, s2;
	[dreg:$0x7] =	wrdreg s13  }
0xf: {  	s20 =	sadd.s32 s12, s3;
	s8 =	sshrl.u32 s16, $0x3;
	[dreg:$0x8] =	wrdreg s11  }
0x10: {  	s16 =	sadd.s32 s24, s10;
	s17 =	sadd.s32 s24, s7;
	[dreg:$0x9] =	wrdreg s19  }
0x11: {  	[dreg:$0xa] =	wrdreg s20;
	s11 =	sadd.s32 $0x7800, s9;
	s9 =	sadd.s32 $0xA000, s9  }
0x12: {  	s21 =	sadd.s32 s7, s8;
	s22 =	sadd.s32 $0x9BA, s8;
	s8 =	sadd.s32 s10, s8  }
0x13: {  	s25 =	sadd.s32 $0x16200, s0;
	s0 =	sadd.s32 $0x3E200, s0;
	[dreg:$0xb] =	wrdreg s21  }
0x14: {  	s24 =	smax.u32 s6, $0x1;
	s6 =	simm.s32 $0x2A00;
	[dreg:$0xc] =	wrdreg s8  }
0x15: {  	s23 =	sadd.s32 s7, s22;
	s15 =	sadd.s32 s10, s22;
	s10 =	smul.u32 $0xA000, s14  }
0x16: {  	s18 =	sadd.s32 s26, s25;
	s19 =	sadd.s32 s26, s0;
	s20 =	sadd.s32 s11, s2  }
0x17: {  	s21 =	sadd.s32 s11, s3;
	s22 =	sadd.s32 s9, s2;
	s14 =	smul.u32 $0x1400, s5  }
0x18: {  	s0 =	simm.s32 $0x2900;
	s5 =	simm.s32 $0x2980;
	s7 =	simm.s32 $0x1  }
0x19: {  	s8 =	simm.s32 $0xF600;
	[dreg:$0xd] =	wrdreg s23;
	s23 =	sadd.s32 s9, s3  }
0x1a: {  	s9 =	simm.s32 $0x2;
	s25 =	sadd.s32 s10, s2;
	s26 =	sadd.s32 s10, s3  }
0x1b: {  	v1 =	vimm.f32 $0.0e+00;
	v2 =	vimm.f32 $1.000000000e+00;
	v0 =	vmov s14;
	s10 =	simm.s32 $0x0;
	s25 =	sshrl.u32 s25, $0x3;
	s26 =	sshrl.u32 s26, $0x3  }
.LBB2_1:
0x1c: {  	s11 =	simm.s32 $0x70;
	s12 =	simm.s32 $0x3C0  }
.LBB2_2:
0x1d: {  	p0 =	sne.s32 s12, $0x9FC0;
	[tilespmem:s11+$0x100] =	vst v1  }
0x1e: {  	[tilespmem:s11+$0x90] =	vst v1  }
0x1f: {  	[tilespmem:s11+$0xA0] =	vst v1  }
.Ltmp0:
0x20: {  	[tilespmem:s11+$0xB0] =	vst v1;
	(pc) =	sbr.rel @p0 .LBB2_2-.Ltmp0, $4  }
0x21: {  	[tilespmem:s11+$0xC0] =	vst v1  }
0x22: {  	[tilespmem:s11+$0xD0] =	vst v1  }
0x23: {  	[tilespmem:s11+$0xE0] =	vst v1  }
0x24: {  	[tilespmem:s11+$0xF0] =	vst v1;
	s11 =	sshra.s32 s12, $0x2;
	s12 =	sadd.s32 $0x200, s12  }
0x25: {  	[tilespmem:s11+$0x100] =	vst v1  }
0x26: {  	[tilespmem:s11+$0x90] =	vst v1  }
0x27: {  	[tilespmem:s11+$0xA0] =	vst v1  }
0x28: {  	[tilespmem:s11+$0xB0] =	vst v1  }
0x29: {  	[tilespmem:s11+$0xC0] =	vst v1  }
0x2a: {  	[tilespmem:s11+$0xD0] =	vst v1  }
0x2b: {  	[tilespmem:s11+$0xE0] =	vst v1  }
0x2c: {  	[tilespmem:s11+$0xF0] =	vst v1;
	s12 =	rddreg [dreg:$0x5]  }
0x2d: {  	[spmem:s12] =	stream.linear.scatter [tilespmem:s28], [sflag:$0x3], $0x2800, $0x38;
	[tilespmem:$0x1C200] =	vst v63  }
0x2e: {  	_ =	swait.ge [sflag:s29], $0x2800  }
0x2f: {  	[sflag:s29] =	ssyncset.done $0x0  }
0x30: {  	s13 =	rddreg [dreg:$0x6];
	[sflag:s29] =	ssyncadd.s32 $0xFFFFD800  }
0x31: {  	[spmem:s13] =	stream.linear.scatter [tilespmem:s28], [sflag:$0x3], $0x2800, $0x38;
	[tilespmem:$0x1C200] =	vst v63  }
0x32: {  	_ =	swait.ge [sflag:s29], $0x2800  }
0x33: {  	[sflag:s29] =	ssyncset.done $0x0  }
0x34: {  	s14 =	rddreg [dreg:$0x7];
	[sflag:s29] =	ssyncadd.s32 $0xFFFFD800  }
0x35: {  	[spmem:s14] =	stream.linear.scatter [tilespmem:s28], [sflag:$0x3], $0x2800, $0x38;
	[tilespmem:$0x1C200] =	vst v63  }
0x36: {  	_ =	swait.ge [sflag:s29], $0x2800  }
0x37: {  	[sflag:s29] =	ssyncset.done $0x0  }
0x38: {  	s12 =	rddreg [dreg:$0x8];
	[sflag:s29] =	ssyncadd.s32 $0xFFFFD800  }
0x39: {  	[spmem:s12] =	stream.linear.scatter [tilespmem:s28], [sflag:$0x3], $0x2800, $0x38;
	[tilespmem:$0x1C200] =	vst v63  }
0x3a: {  	_ =	swait.ge [sflag:s29], $0x2800  }
0x3b: {  	[sflag:s29] =	ssyncset.done $0x0  }
0x3c: {  	s13 =	rddreg [dreg:$0x9];
	[sflag:s29] =	ssyncadd.s32 $0xFFFFD800  }
0x3d: {  	[spmem:s13] =	stream.linear.scatter [tilespmem:s28], [sflag:$0x3], $0x2800, $0x38;
	[tilespmem:$0x1C200] =	vst v63  }
0x3e: {  	_ =	swait.ge [sflag:s29], $0x2800  }
0x3f: {  	[sflag:s29] =	ssyncset.done $0x0  }
0x40: {  	s14 =	rddreg [dreg:$0xa];
	[sflag:s29] =	ssyncadd.s32 $0xFFFFD800  }
0x41: {  	[spmem:s14] =	stream.linear.scatter [tilespmem:s28], [sflag:$0x3], $0x2800, $0x38;
	[tilespmem:$0x1C200] =	vst v63  }
0x42: {  	_ =	swait.ge [sflag:s29], $0x2800  }
0x43: {  	[sflag:s29] =	ssyncset.done $0x0  }
0x44: {  	[sflag:s29] =	ssyncadd.s32 $0xFFFFD800  }
0x45: {  	[spmem:s20] =	stream.linear.scatter [tilespmem:s28], [sflag:$0x3], $0x2800, $0x38;
	[tilespmem:$0x1C200] =	vst v63  }
0x46: {  	_ =	swait.ge [sflag:s29], $0x2800  }
0x47: {  	[sflag:s29] =	ssyncset.done $0x0  }
0x48: {  	[sflag:s29] =	ssyncadd.s32 $0xFFFFD800  }
0x49: {  	[spmem:s21] =	stream.linear.scatter [tilespmem:s28], [sflag:$0x3], $0x2800, $0x38;
	[tilespmem:$0x1C200] =	vst v63  }
0x4a: {  	_ =	swait.ge [sflag:s29], $0x2800  }
0x4b: {  	[sflag:s29] =	ssyncset.done $0x0  }
0x4c: {  	[sflag:s29] =	ssyncadd.s32 $0xFFFFD800  }
0x4d: {  	[spmem:s22] =	stream.linear.scatter [tilespmem:s28], [sflag:$0x3], $0x400, $0x38;
	[tilespmem:$0x1C200] =	vst v63  }
0x4e: {  	_ =	swait.ge [sflag:s29], $0x400  }
0x4f: {  	[sflag:s29] =	ssyncset.done $0x0  }
0x50: {  	[sflag:s29] =	ssyncadd.s32 $0xFFFFFC00  }
0x51: {  	[spmem:s23] =	stream.linear.scatter [tilespmem:s28], [sflag:$0x3], $0x400, $0x38;
	[tilespmem:$0x1C200] =	vst v63  }
0x52: {  	_ =	swait.ge [sflag:s29], $0x400  }
0x53: {  	[sflag:s29] =	ssyncset.done $0x0  }
0x54: {  	s11 =	simm.s32 $0x70;
	s12 =	simm.s32 $0x3C0;
	[sflag:s29] =	ssyncadd.s32 $0xFFFFFC00  }
.LBB2_4:
0x55: {  	p0 =	sne.s32 s12, $0x9FC0;
	[tilespmem:s11+$0xF600] =	vst v2  }
0x56: {  	[tilespmem:s11+$0xF590] =	vst v2  }
0x57: {  	[tilespmem:s11+$0xF5A0] =	vst v2  }
.Ltmp1:
0x58: {  	[tilespmem:s11+$0xF5B0] =	vst v2;
	(pc) =	sbr.rel @p0 .LBB2_4-.Ltmp1, $4  }
0x59: {  	[tilespmem:s11+$0xF5C0] =	vst v2  }
0x5a: {  	[tilespmem:s11+$0xF5D0] =	vst v2  }
0x5b: {  	[tilespmem:s11+$0xF5E0] =	vst v2  }
0x5c: {  	[tilespmem:s11+$0xF5F0] =	vst v2;
	s11 =	sshra.s32 s12, $0x2;
	s12 =	sadd.s32 $0x200, s12  }
0x5d: {  	[tilespmem:s11+$0xF600] =	vst v2  }
0x5e: {  	[tilespmem:s11+$0xF590] =	vst v2  }
0x5f: {  	[tilespmem:s11+$0xF5A0] =	vst v2  }
0x60: {  	[tilespmem:s11+$0xF5B0] =	vst v2  }
0x61: {  	[tilespmem:s11+$0xF5C0] =	vst v2  }
0x62: {  	[tilespmem:s11+$0xF5D0] =	vst v2  }
0x63: {  	[tilespmem:s11+$0xF5E0] =	vst v2  }
0x64: {  	[tilespmem:s11+$0xF5F0] =	vst v2  }
0x65: {  	[bflag:$0x0] =	sbarrier.arrive $0xFFFF  }
0x66: {  	s12 =	rddreg [dreg:$0xb]  }
0x67: {  	[tilespmem:s4], [sflag:$0x3] =	stream.linear.gather [hbm4b:s12+s4], $0x50, $0x38;
	[tilespmem:$0x1C200] =	vst v63  }
0x68: {  	_ =	swait.ge [sflag:s29], $0x50  }
0x69: {  	[sflag:s29] =	ssyncset.done $0x0  }
0x6a: {  	s13 =	rddreg [dreg:$0xc];
	[sflag:s29] =	ssyncadd.s32 $0xFFFFFFB0  }
0x6b: {  	[tilespmem:s30], [sflag:$0x3] =	stream.linear.gather [hbm4b:s13+s4], $0x50, $0x38;
	[tilespmem:$0x1C200] =	vst v63  }
0x6c: {  	_ =	swait.ge [sflag:s29], $0x50  }
0x6d: {  	[sflag:s29] =	ssyncset.done $0x0  }
0x6e: {  	[sflag:s29] =	ssyncadd.s32 $0xFFFFFFB0  }
0x6f: {  	v3 =	vld [tilespmem:$0x80]  }
0x70: {  	v4 =	vld [tilespmem:$0x90]  }
0x71: {  	v5 =	vld [tilespmem:$0xA0]  }
0x72: {  	v6 =	vld [tilespmem:$0xB0]  }
0x73: {  	v7 =	vld [tilespmem:$0xC0]  }
0x74: {  	v3 =	vsub.s32 v3, v0  }
0x75: {  	v4 =	vsub.s32 v4, v0;
	v3 =	vmin.u32 v3, $0x1400  }
0x76: {  	v48 =	vsub.s32 v5, v0;
	[tilespmem:$0x80] =	vst v3;
	v3 =	vmin.u32 v4, $0x1400  }
0x77: {  	v49 =	vsub.s32 v6, v0;
	[tilespmem:$0x90] =	vst v3;
	v3 =	vmin.u32 v48, $0x1400  }
0x78: {  	v50 =	vsub.s32 v7, v0;
	[tilespmem:$0xA0] =	vst v3;
	v3 =	vmin.u32 v49, $0x1400  }
0x79: {  	[tilespmem:$0xB0] =	vst v3;
	v3 =	vmin.u32 v50, $0x1400  }
0x7a: {  	s11 =	sadd.s32 $0xFFFFF650, s17;
	[tilespmem:$0xC0] =	vst v3  }
0x7b: {  	[tilespmem:s28], [sflag:$0x1] =	stream.indirect.gather [hbm4b:s1+s31], $0x80, s4, s31, $0xb8;
	[tilespmem:$0x1C200] =	vst v63  }
0x7c: {  	s12 =	sadd.s32 $0x9BA, s11  }
0x7d: {  	[tilespmem:s0], [sflag:$0x3] =	stream.linear.gather [hbm4b:s12+s4], $0x50, $0x38;
	[tilespmem:$0x1C200] =	vst v63  }
0x7e: {  	_ =	swait.ge [sflag:s29], $0x50  }
0x7f: {  	s14 =	sadd.s32 $0xFFFFF650, s16;
	[sflag:s29] =	ssyncset.done $0x0  }
0x80: {  	s13 =	sadd.s32 $0x9BA, s14;
	[sflag:s29] =	ssyncadd.s32 $0xFFFFFFB0  }
0x81: {  	[tilespmem:s5], [sflag:$0x3] =	stream.linear.gather [hbm4b:s13+s4], $0x50, $0x38;
	[tilespmem:$0x1C200] =	vst v63  }
0x82: {  	_ =	swait.ge [sflag:s29], $0x50  }
0x83: {  	[sflag:s29] =	ssyncset.done $0x0  }
0x84: {  	[sflag:s29] =	ssyncadd.s32 $0xFFFFFFB0  }
0x85: {  	v3 =	vld [tilespmem:$0x29B0]  }
0x86: {  	v51 =	vld [tilespmem:$0x2990]  }
0x87: {  	v52 =	vld [tilespmem:$0x2980]  }
0x88: {  	v53 =	vld [tilespmem:$0x29A0]  }
0x89: {  	v54 =	vld [tilespmem:$0x29C0]  }
0x8a: {  	v3 =	vsub.s32 v3, v0  }
0x8b: {  	v4 =	vsub.s32 v51, v0;
	v3 =	vmin.u32 v3, $0x1400  }
0x8c: {  	v5 =	vsub.s32 v52, v0;
	v4 =	vmin.u32 v4, $0x1400;
	[tilespmem:$0x29B0] =	vst v3  }
0x8d: {  	v55 =	vsub.s32 v53, v0;
	v3 =	vmin.u32 v5, $0x1400;
	[tilespmem:$0x2990] =	vst v4  }
0x8e: {  	v56 =	vsub.s32 v54, v0;
	[tilespmem:$0x2980] =	vst v3;
	v3 =	vmin.u32 v55, $0x1400  }
0x8f: {  	[tilespmem:$0x29A0] =	vst v3;
	v3 =	vmin.u32 v56, $0x1400  }
0x90: {  	[tilespmem:$0x29C0] =	vst v3  }
0x91: {  	[tilespmem:s6], [sflag:$0x2] =	stream.indirect.gather [hbm4b:s1+s31], $0x80, s0, s31, $0xb8;
	[tilespmem:$0x1C200] =	vst v63  }
0x92: {  	_ =	swait.ge [sflag:s7], $0x2800  }
0x93: {  	[sflag:s7] =	ssyncset.done $0x0  }
0x94: {  	[sflag:s7] =	ssyncadd.s32 $0xFFFFD800  }
0x95: {  	[spmem:s2] =	stream.indirect.scatter.add.f32 [tilespmem:s28], [sflag:$0x3], $0x80, s30, s31, $0xb8;
	[tilespmem:$0x1C200] =	vst v63  }
0x96: {  	_ =	swait.ge [sflag:s29], $0x2800  }
0x97: {  	[sflag:s29] =	ssyncset.done $0x0  }
0x98: {  	[sflag:s29] =	ssyncadd.s32 $0xFFFFD800  }
0x99: {  	[spmem:s3] =	stream.indirect.scatter.add.f32 [tilespmem:s8], [sflag:$0x3], $0x80, s30, s31, $0xb8;
	[tilespmem:$0x1C200] =	vst v63  }
0x9a: {  	_ =	swait.ge [sflag:s29], $0x2800  }
0x9b: {  	[sflag:s29] =	ssyncset.done $0x0  }
0x9c: {  	s11 =	sadd.s32 $0x9C4, s11;
	[sflag:s29] =	ssyncadd.s32 $0xFFFFD800  }
0x9d: {  	[tilespmem:s4], [sflag:$0x3] =	stream.linear.gather [hbm4b:s11+s4], $0x50, $0x38;
	[tilespmem:$0x1C200] =	vst v63  }
0x9e: {  	_ =	swait.ge [sflag:s29], $0x50  }
0x9f: {  	[sflag:s29] =	ssyncset.done $0x0  }
0xa0: {  	s14 =	sadd.s32 $0x9C4, s14;
	[sflag:s29] =	ssyncadd.s32 $0xFFFFFFB0  }
0xa1: {  	[tilespmem:s30], [sflag:$0x3] =	stream.linear.gather [hbm4b:s14+s4], $0x50, $0x38;
	[tilespmem:$0x1C200] =	vst v63  }
0xa2: {  	_ =	swait.ge [sflag:s29], $0x50  }
0xa3: {  	[sflag:s29] =	ssyncset.done $0x0  }
0xa4: {  	[sflag:s29] =	ssyncadd.s32 $0xFFFFFFB0  }
0xa5: {  	v3 =	vld [tilespmem:$0x80]  }
0xa6: {  	v57 =	vld [tilespmem:$0xC0]  }
0xa7: {  	v59 =	vld [tilespmem:$0x90]  }
0xa8: {  	v58 =	vld [tilespmem:$0xB0]  }
0xa9: {  	v60 =	vld [tilespmem:$0xA0]  }
0xaa: {  	v3 =	vsub.s32 v3, v0  }
0xab: {  	v4 =	vsub.s32 v57, v0;
	v3 =	vmin.u32 v3, $0x1400  }
0xac: {  	v61 =	vsub.s32 v59, v0;
	v4 =	vmin.u32 v4, $0x1400;
	[tilespmem:$0x80] =	vst v3  }
0xad: {  	v62 =	vmin.u32 v61, $0x1400;
	v3 =	vsub.s32 v58, v0;
	[tilespmem:$0xC0] =	vst v4  }
0xae: {  	v63 =	vsub.s32 v60, v0;
	[tilespmem:$0x90] =	vst v62;
	v3 =	vmin.u32 v3, $0x1400  }
0xaf: {  	[tilespmem:$0xB0] =	vst v3;
	v3 =	vmin.u32 v63, $0x1400  }
0xb0: {  	[tilespmem:$0xA0] =	vst v3  }
0xb1: {  	[tilespmem:s28], [sflag:$0x1] =	stream.indirect.gather [hbm4b:s1+s31], $0x80, s4, s31, $0xb8;
	[tilespmem:$0x1C200] =	vst v63  }
0xb2: {  	s11 =	simm.s32 $0xFFFFF664;
	_ =	swait.ge [sflag:s9], $0x2800  }
.LBB2_6:
0xb3: {  	p0 =	sne.s32 s11, $0xFFFFFFEC  }
0xb4: {  	[sflag:s9] =	ssyncset.done $0x0;
	s13 =	smov.u32 s11;
	s11 =	sadd.s32 $0x14, s11  }
0xb5: {  	[sflag:s9] =	ssyncadd.s32 $0xFFFFD800  }
0xb6: {  	[spmem:s2] =	stream.indirect.scatter.add.f32 [tilespmem:s6], [sflag:$0x3], $0x80, s5, s31, $0xb8;
	[tilespmem:$0x1C200] =	vst v63  }
0xb7: {  	_ =	swait.ge [sflag:s29], $0x2800  }
0xb8: {  	[sflag:s29] =	ssyncset.done $0x0  }
0xb9: {  	[sflag:s29] =	ssyncadd.s32 $0xFFFFD800  }
0xba: {  	[spmem:s3] =	stream.indirect.scatter.add.f32 [tilespmem:s8], [sflag:$0x3], $0x80, s5, s31, $0xb8;
	[tilespmem:$0x1C200] =	vst v63  }
0xbb: {  	s12 =	sadd.s32 s13, s17;
	_ =	swait.ge [sflag:s29], $0x2800  }
0xbc: {  	s14 =	sadd.s32 $0x9BA, s12;
	[sflag:s29] =	ssyncset.done $0x0  }
0xbd: {  	[sflag:s29] =	ssyncadd.s32 $0xFFFFD800  }
0xbe: {  	[tilespmem:s0], [sflag:$0x3] =	stream.linear.gather [hbm4b:s14+s4], $0x50, $0x38;
	[tilespmem:$0x1C200] =	vst v63  }
0xbf: {  	_ =	swait.ge [sflag:s29], $0x50  }
0xc0: {  	s13 =	sadd.s32 s13, s16;
	[sflag:s29] =	ssyncset.done $0x0  }
0xc1: {  	s14 =	sadd.s32 $0x9BA, s13;
	[sflag:s29] =	ssyncadd.s32 $0xFFFFFFB0  }
0xc2: {  	[tilespmem:s5], [sflag:$0x3] =	stream.linear.gather [hbm4b:s14+s4], $0x50, $0x38;
	[tilespmem:$0x1C200] =	vst v63  }
0xc3: {  	_ =	swait.ge [sflag:s29], $0x50  }
0xc4: {  	[sflag:s29] =	ssyncset.done $0x0  }
0xc5: {  	[sflag:s29] =	ssyncadd.s32 $0xFFFFFFB0  }
0xc6: {  	v3 =	vld [tilespmem:$0x29B0]  }
0xc7: {  	v4 =	vld [tilespmem:$0x2990]  }
0xc8: {  	v5 =	vld [tilespmem:$0x2980]  }
0xc9: {  	v6 =	vld [tilespmem:$0x29A0]  }
0xca: {  	v7 =	vld [tilespmem:$0x29C0]  }
0xcb: {  	v3 =	vsub.s32 v3, v0  }
0xcc: {  	v4 =	vsub.s32 v4, v0;
	v3 =	vmin.u32 v3, $0x1400  }
0xcd: {  	v5 =	vsub.s32 v5, v0;
	v4 =	vmin.u32 v4, $0x1400;
	[tilespmem:$0x29B0] =	vst v3  }
0xce: {  	v3 =	vmin.u32 v5, $0x1400;
	[tilespmem:$0x2990] =	vst v4;
	v4 =	vsub.s32 v6, v0  }
0xcf: {  	[tilespmem:$0x2980] =	vst v3;
	v3 =	vmin.u32 v4, $0x1400;
	v4 =	vsub.s32 v7, v0  }
0xd0: {  	[tilespmem:$0x29A0] =	vst v3;
	v3 =	vmin.u32 v4, $0x1400  }
0xd1: {  	[tilespmem:$0x29C0] =	vst v3  }
0xd2: {  	[tilespmem:s6], [sflag:$0x2] =	stream.indirect.gather [hbm4b:s1+s31], $0x80, s0, s31, $0xb8;
	[tilespmem:$0x1C200] =	vst v63  }
0xd3: {  	_ =	swait.ge [sflag:s7], $0x2800  }
0xd4: {  	[sflag:s7] =	ssyncset.done $0x0  }
0xd5: {  	[sflag:s7] =	ssyncadd.s32 $0xFFFFD800  }
0xd6: {  	[spmem:s2] =	stream.indirect.scatter.add.f32 [tilespmem:s28], [sflag:$0x3], $0x80, s30, s31, $0xb8;
	[tilespmem:$0x1C200] =	vst v63  }
0xd7: {  	_ =	swait.ge [sflag:s29], $0x2800  }
0xd8: {  	[sflag:s29] =	ssyncset.done $0x0  }
0xd9: {  	[sflag:s29] =	ssyncadd.s32 $0xFFFFD800  }
0xda: {  	[spmem:s3] =	stream.indirect.scatter.add.f32 [tilespmem:s8], [sflag:$0x3], $0x80, s30, s31, $0xb8;
	[tilespmem:$0x1C200] =	vst v63  }
0xdb: {  	_ =	swait.ge [sflag:s29], $0x2800  }
0xdc: {  	[sflag:s29] =	ssyncset.done $0x0  }
0xdd: {  	s12 =	sadd.s32 $0x9C4, s12;
	[sflag:s29] =	ssyncadd.s32 $0xFFFFD800  }
0xde: {  	[tilespmem:s4], [sflag:$0x3] =	stream.linear.gather [hbm4b:s12+s4], $0x50, $0x38;
	[tilespmem:$0x1C200] =	vst v63  }
0xdf: {  	_ =	swait.ge [sflag:s29], $0x50  }
0xe0: {  	[sflag:s29] =	ssyncset.done $0x0  }
0xe1: {  	s12 =	sadd.s32 $0x9C4, s13;
	[sflag:s29] =	ssyncadd.s32 $0xFFFFFFB0  }
0xe2: {  	[tilespmem:s30], [sflag:$0x3] =	stream.linear.gather [hbm4b:s12+s4], $0x50, $0x38;
	[tilespmem:$0x1C200] =	vst v63  }
0xe3: {  	_ =	swait.ge [sflag:s29], $0x50  }
0xe4: {  	[sflag:s29] =	ssyncset.done $0x0  }
0xe5: {  	[sflag:s29] =	ssyncadd.s32 $0xFFFFFFB0  }
0xe6: {  	v3 =	vld [tilespmem:$0x80]  }
0xe7: {  	v4 =	vld [tilespmem:$0xC0]  }
0xe8: {  	v5 =	vld [tilespmem:$0xB0]  }
0xe9: {  	v6 =	vld [tilespmem:$0x90]  }
0xea: {  	v7 =	vld [tilespmem:$0xA0]  }
0xeb: {  	v3 =	vsub.s32 v3, v0  }
0xec: {  	v3 =	vmin.u32 v3, $0x1400;
	v4 =	vsub.s32 v4, v0  }
0xed: {  	[tilespmem:$0x80] =	vst v3;
	v3 =	vsub.s32 v5, v0;
	v4 =	vmin.u32 v4, $0x1400  }
0xee: {  	v5 =	vsub.s32 v6, v0;
	v3 =	vmin.u32 v3, $0x1400;
	[tilespmem:$0xC0] =	vst v4  }
.Ltmp2:
0xef: {  	v4 =	vmin.u32 v5, $0x1400;
	v5 =	vsub.s32 v7, v0;
	[tilespmem:$0xB0] =	vst v3;
	(pc) =	sbr.rel @p0 .LBB2_6-.Ltmp2, $4  }
0xf0: {  	[tilespmem:$0x90] =	vst v4;
	v3 =	vmin.u32 v5, $0x1400  }
0xf1: {  	[tilespmem:$0xA0] =	vst v3  }
0xf2: {  	[tilespmem:s28], [sflag:$0x1] =	stream.indirect.gather [hbm4b:s1+s31], $0x80, s4, s31, $0xb8;
	[tilespmem:$0x1C200] =	vst v63  }
0xf3: {  	_ =	swait.ge [sflag:s9], $0x2800  }
0xf4: {  	[sflag:s9] =	ssyncset.done $0x0  }
0xf5: {  	[sflag:s9] =	ssyncadd.s32 $0xFFFFD800  }
0xf6: {  	[spmem:s2] =	stream.indirect.scatter.add.f32 [tilespmem:s6], [sflag:$0x3], $0x80, s5, s31, $0xb8;
	[tilespmem:$0x1C200] =	vst v63  }
0xf7: {  	_ =	swait.ge [sflag:s29], $0x2800  }
0xf8: {  	[sflag:s29] =	ssyncset.done $0x0  }
0xf9: {  	[sflag:s29] =	ssyncadd.s32 $0xFFFFD800  }
0xfa: {  	[spmem:s3] =	stream.indirect.scatter.add.f32 [tilespmem:s8], [sflag:$0x3], $0x80, s5, s31, $0xb8;
	[tilespmem:$0x1C200] =	vst v63  }
0xfb: {  	_ =	swait.ge [sflag:s29], $0x2800  }
0xfc: {  	[sflag:s29] =	ssyncset.done $0x0  }
0xfd: {  	s11 =	rddreg [dreg:$0xd];
	[sflag:s29] =	ssyncadd.s32 $0xFFFFD800  }
0xfe: {  	[tilespmem:s0], [sflag:$0x3] =	stream.linear.gather [hbm4b:s11+s4], $0x50, $0x38;
	[tilespmem:$0x1C200] =	vst v63  }
0xff: {  	_ =	swait.ge [sflag:s29], $0x50  }
0x100: {  	[sflag:s29] =	ssyncset.done $0x0  }
0x101: {  	[sflag:s29] =	ssyncadd.s32 $0xFFFFFFB0  }
0x102: {  	[tilespmem:s5], [sflag:$0x3] =	stream.linear.gather [hbm4b:s15+s4], $0x50, $0x38;
	[tilespmem:$0x1C200] =	vst v63  }
0x103: {  	_ =	swait.ge [sflag:s29], $0x50  }
0x104: {  	[sflag:s29] =	ssyncset.done $0x0  }
0x105: {  	[sflag:s29] =	ssyncadd.s32 $0xFFFFFFB0  }
0x106: {  	v3 =	vld [tilespmem:$0x2980]  }
0x107: {  	v4 =	vld [tilespmem:$0x2990]  }
0x108: {  	v5 =	vld [tilespmem:$0x29A0]  }
0x109: {  	v6 =	vld [tilespmem:$0x29B0]  }
0x10a: {  	v7 =	vld [tilespmem:$0x29C0]  }
0x10b: {  	v3 =	vsub.s32 v3, v0  }
0x10c: {  	v4 =	vsub.s32 v4, v0;
	v3 =	vmin.u32 v3, $0x1400  }
0x10d: {  	v61 =	vsub.s32 v5, v0;
	[tilespmem:$0x2980] =	vst v3;
	v3 =	vmin.u32 v4, $0x1400  }
0x10e: {  	v62 =	vsub.s32 v6, v0;
	[tilespmem:$0x2990] =	vst v3;
	v3 =	vmin.u32 v61, $0x1400  }
0x10f: {  	v63 =	vsub.s32 v7, v0;
	[tilespmem:$0x29A0] =	vst v3;
	v3 =	vmin.u32 v62, $0x1400  }
0x110: {  	[tilespmem:$0x29B0] =	vst v3;
	v3 =	vmin.u32 v63, $0x1400  }
0x111: {  	[tilespmem:$0x29C0] =	vst v3  }
0x112: {  	[tilespmem:s6], [sflag:$0x2] =	stream.indirect.gather [hbm4b:s1+s31], $0x80, s0, s31, $0xb8;
	[tilespmem:$0x1C200] =	vst v63  }
0x113: {  	_ =	swait.ge [sflag:s7], $0x2800  }
0x114: {  	[sflag:s7] =	ssyncset.done $0x0  }
0x115: {  	[sflag:s7] =	ssyncadd.s32 $0xFFFFD800  }
0x116: {  	[spmem:s2] =	stream.indirect.scatter.add.f32 [tilespmem:s28], [sflag:$0x3], $0x80, s30, s31, $0xb8;
	[tilespmem:$0x1C200] =	vst v63  }
0x117: {  	_ =	swait.ge [sflag:s29], $0x2800  }
0x118: {  	[sflag:s29] =	ssyncset.done $0x0  }
0x119: {  	[sflag:s29] =	ssyncadd.s32 $0xFFFFD800  }
0x11a: {  	[spmem:s3] =	stream.indirect.scatter.add.f32 [tilespmem:s8], [sflag:$0x3], $0x80, s30, s31, $0xb8;
	[tilespmem:$0x1C200] =	vst v63  }
0x11b: {  	_ =	swait.ge [sflag:s29], $0x2800  }
0x11c: {  	[sflag:s29] =	ssyncset.done $0x0  }
0x11d: {  	[sflag:s29] =	ssyncadd.s32 $0xFFFFD800  }
0x11e: {  	_ =	swait.ge [sflag:s9], $0x2800  }
0x11f: {  	[sflag:s9] =	ssyncset.done $0x0  }
0x120: {  	[sflag:s9] =	ssyncadd.s32 $0xFFFFD800  }
0x121: {  	[spmem:s2] =	stream.indirect.scatter.add.f32 [tilespmem:s6], [sflag:$0x3], $0x80, s5, s31, $0xb8;
	[tilespmem:$0x1C200] =	vst v63  }
0x122: {  	_ =	swait.ge [sflag:s29], $0x2800  }
0x123: {  	[sflag:s29] =	ssyncset.done $0x0  }
0x124: {  	[sflag:s29] =	ssyncadd.s32 $0xFFFFD800  }
0x125: {  	[spmem:s3] =	stream.indirect.scatter.add.f32 [tilespmem:s8], [sflag:$0x3], $0x80, s5, s31, $0xb8;
	[tilespmem:$0x1C200] =	vst v63  }
0x126: {  	_ =	swait.ge [sflag:s29], $0x2800  }
0x127: {  	s14 =	stileid.u32;
	[sflag:s29] =	ssyncset.done $0x0  }
0x128: {  	s11 =	sshll.u32 s14, $0x6;
	[sflag:s29] =	ssyncadd.s32 $0xFFFFD800  }
0x129: {  	s11 =	sor.u32 $0x1C03, s11;
	[bflag:$0x0] =	sbarrier.arrive $0xFFFF  }
0x12a: {  	[hbm:s18], [sflag:s11] =	dma.local [spmem:s25], $0x1400  }
0x12b: {  	s10 =	sadd.s32 $0x1, s10;
	_ =	swait.ge [sflag:s29], $0x1400  }
0x12c: {  	p0 =	sne.s32 s10, s24;
	[sflag:s29] =	ssyncset.done $0x0  }
.Ltmp3:
0x12d: {  	[sflag:s29] =	ssyncadd.s32 $0xFFFFEC00;
	(pc) =	sbr.rel @p0 .LBB2_1-.Ltmp3, $4  }
0x12e: {  	[hbm:s19], [sflag:s11] =	dma.local [spmem:s26], $0x1400  }
0x12f: {  	_ =	swait.ge [sflag:s29], $0x1400  }
0x130: {  	[sflag:s29] =	ssyncset.done $0x0  }
0x131: {  	[sflag:s29] =	ssyncadd.s32 $0xFFFFEC00  }
0x132: {  	_ =	sfence.sel $0x180000  }
0x133: {  	[bflag:$0x0] =	sbarrier.arrive $0xFFFF  }
0x134: {  	_ =	strace $0x90000047  }
0x135: {  	s0 =	stileid.u32;
	[bflag:$0x2] =	sbarrier.arrive $0xFFFF  }
0x136: {  	p0 =	sne.s32 s0, $0x0;
	s0 =	rddreg [dreg:$0x4]  }
0x137: {  	s0 =	sadd.s32 @!p0 $0x100000, s0  }
0x138: {  	[sflag:s0] =	ssyncadd.tile.s32 @!p0 $0x1;
	_ =	shalt  }
.Lfunc_end2:
_tile_overlayer_lowered:
.L_overlay_start_2:
0x139: {  	(tag) =	ssettag $0x2  }
0x13a: {  	s0 =	rddreg [dreg:$0x0];
	s2 =	stileid.u32  }
0x13b: {  	s1 =	rddreg [dreg:$0x1];
	p0 =	sne.s32 s2, $0x0  }
0x13c: {  	s3 =	rddreg [dreg:$0x2];
	[bflag:$0x3] =	sbarrier.arrive $0xFFFF;
	s2 =	simm.s32 @!p0 $0x1C03  }
0x13d: {  	[timem:s3], [sflag:s2] =	dma.local @!p0 [hbm:s0], s1  }
0x13e: {  	s0 =	simm.s32 @!p0 $0x3  }
0x13f: {  	_ =	swait.ge @!p0 [sflag:s0], s1  }
0x140: {  	s1 =	ssub.s32 @!p0 $0x0, s1;
	[sflag:s0] =	ssyncset.done @!p0 $0x0  }
0x141: {  	[sflag:s0] =	ssyncadd.s32 @!p0 s1  }
0x142: {  	[bflag:$0x3] =	sbarrier.arrive $0xFFFF  }
0x143: {  	_ =	shalt  }

// kernel: kernel.9.cloned.1.call-start
scs
__scs_entry_jumppad:
0x0: {  	(pc) =	sbr.rel $0x88, $3  }
0x1: {  	(tag) =	ssettag $0x0;
	lr =	simm.s32 $0x1  }
0x2: {  	[smem:$0x3F97] =	sst lr;
	_ =	strace $0xD0000000  }
0x3: {  	_ = 	snop  }
0x4: {  	_ = 	snop  }
0x5: {  	_ = 	snop  }
0x6: {  	_ = 	snop  }
0x7: {  	_ = 	snop  }
__scs_overlays_trampoline_lowered:
0x8: {  	[smem:$0x3FA6] =	sst s0  }
0x9: {  	[smem:$0x3FA7] =	sst s1  }
0xa: {  	[smem:$0x3FA8] =	sst s2  }
0xb: {  	[smem:$0x3FA9] =	sst s3  }
0xc: {  	[smem:$0x3FAA] =	sst s4  }
0xd: {  	[smem:$0x3FAB] =	sst s5  }
0xe: {  	[smem:$0x3FAC] =	sst s6  }
0xf: {  	[smem:$0x3FAD] =	sst s7  }
0x10: {  	[smem:$0x3FAE] =	sst s8  }
0x11: {  	[smem:$0x3FAF] =	sst s9;
	s0 =	simm.s32 @!p0 $0x0  }
0x12: {  	s1 =	sld [smem:$0x3F95];
	s0 =	simm.s32 @p0 $0x1  }
0x13: {  	[smem:$0x3FB0] =	sst s0;
	s0 =	simm.s32 @!p1 $0x0  }
0x14: {  	s2 =	sld [smem:$0x3F94];
	s0 =	simm.s32 @p1 $0x1  }
0x15: {  	[smem:$0x3FB1] =	sst s0;
	s0 =	simm.s32 @!p2 $0x0  }
0x16: {  	s3 =	sld [smem:$0x3FDB];
	s0 =	simm.s32 @p2 $0x1  }
0x17: {  	s4 =	simm.s32 $0x1BF5;
	[smem:$0x3FB3] =	sst s0  }
0x18: {  	s0 =	sld [smem:$0x3F96];
	_ =	swait.ge [sflag:s4], $0x0  }
0x19: {  	s7 =	sld [smem:$0x3F97]  }
0x1a: {  	s8 =	sadd.s32 $0xFFFFE003, lr  }
0x1b: {  	s9 =	sadd.s32 $0xFFFFFEF7, lr;
	s5 =	simm.s32 $0xFFFFFFFF;
	p2 =	slt.u32 s8, $0xFFFFF086  }
0x1c: {  	p1 =	slt.u32 s9, $0xF7A;
	s5 =	simm.s32 @!p2 $0x0  }
0x1d: {  	s5 =	simm.s32 @p1 $0x1;
	p0 =	seq.s32 s7, s2  }
0x1e: {  	s7 =	smul.u32 @!p0 $0xF7A, s2;
	p2 =	seq.s32 @!p0 s5, $0x0  }
0x1f: {  	s9 =	smul.u32 $0xF7A, s1;
	s8 =	simm.s32 @!p0 $0x1BF5;
	p2 =	por !p2, p0  }
0x20: {  	[sflag:s8] =	ssyncset.s32 @!p0 $0xFFFFF086;
	s6 =	sadd.s32 @!p0 s3, s7;
	s7 =	simm.s32 @!p0 $0x108  }
0x21: {  	s3 =	sadd.s32 s3, s9;
	s6 =	sadd.s32 @!p0 $0x88, s6;
	s7 =	simm.s32 @p2 $0x1082  }
0x22: {  	[simem:s7], [sflag:s8] =	dma.local @!p0 [hbm:s6], $0xF7A  }
0x23: {  	s9 =	sor.u32 $0xD0000000, s2;
	s6 =	simm.s32 $0x108;
	_ =	swait.ge @!p0 [sflag:s8], $0x0  }
0x24: {  	s3 =	sadd.s32 $0x88, s3;
	s6 =	simm.s32 @!p1 $0x1082;
	[sflag:s4] =	ssyncset.s32 $0xFFFFF086  }
0x25: {  	[simem:s6], [sflag:s4] =	dma.local [hbm:s3], $0xF7A  }
0x26: {  	[smem:$0x3F97] =	sst s1;
	(tag) =	ssettag s2;
	_ =	strace s9  }
0x27: {  	s1 =	sld [smem:$0x3FA7]  }
0x28: {  	s2 =	sld [smem:$0x3FA8]  }
0x29: {  	s4 =	sld [smem:$0x3FAA]  }
0x2a: {  	p0 =	seq.s32 s5, $0x0;
	s5 =	sld [smem:$0x3FAB]  }
0x2b: {  	s6 =	sld [smem:$0x3FAC]  }
0x2c: {  	s7 =	sld [smem:$0x3FAD]  }
0x2d: {  	s3 =	simm.s32 $0x108;
	s8 =	sld [smem:$0x3FAE]  }
0x2e: {  	s3 =	simm.s32 @!p0 $0x1082;
	s9 =	sld [smem:$0x3FAF]  }
0x2f: {  	lr =	sadd.s32 s0, s3;
	s0 =	sld [smem:$0x3FA6]  }
0x30: {  	s3 =	sld [smem:$0x3FA9]  }
0x31: {  	[smem:$0x3FB2] =	sst s10  }
0x32: {  	s10 =	sld [smem:$0x3FB0];
	_ =	sdelay $0x3  }
0x33: {  	p0 =	seq.s32 s10, $0x1;
	s10 =	sld [smem:$0x3FB2];
	_ =	sdelay $0x3  }
0x34: {  	[smem:$0x3FB2] =	sst s10  }
0x35: {  	s10 =	sld [smem:$0x3FB1];
	_ =	sdelay $0x3  }
0x36: {  	p1 =	seq.s32 s10, $0x1;
	s10 =	sld [smem:$0x3FB2];
	_ =	sdelay $0x3  }
0x37: {  	[smem:$0x3FB2] =	sst s10  }
0x38: {  	s10 =	sld [smem:$0x3FB3]  }
0x39: {  	_ = 	snop;
	(pc) =	sbr.ind lr, $3  }
0x3a: {  	_ = 	snop  }
0x3b: {  	_ = 	snop  }
0x3c: {  	p2 =	seq.s32 s10, $0x1;
	s10 =	sld [smem:$0x3FB2]  }
0x3d: {  	_ =	shalt  }
0x3e: {  	_ =	shalt  }
0x3f: {  	_ =	shalt  }
0x40: {  	_ =	shalt  }
0x41: {  	_ =	shalt  }
0x42: {  	_ =	shalt  }
0x43: {  	_ =	shalt  }
0x44: {  	_ =	shalt  }
0x45: {  	_ =	shalt  }
0x46: {  	_ =	shalt  }
0x47: {  	_ =	shalt  }
0x48: {  	_ =	shalt  }
0x49: {  	_ =	shalt  }
0x4a: {  	_ =	shalt  }
0x4b: {  	_ =	shalt  }
0x4c: {  	_ =	shalt  }
0x4d: {  	_ =	shalt  }
0x4e: {  	_ =	shalt  }
0x4f: {  	_ =	shalt  }
0x50: {  	_ =	shalt  }
0x51: {  	_ =	shalt  }
0x52: {  	_ =	shalt  }
0x53: {  	_ =	shalt  }
0x54: {  	_ =	shalt  }
0x55: {  	_ =	shalt  }
0x56: {  	_ =	shalt  }
0x57: {  	_ =	shalt  }
0x58: {  	_ =	shalt  }
0x59: {  	_ =	shalt  }
0x5a: {  	_ =	shalt  }
0x5b: {  	_ =	shalt  }
0x5c: {  	_ =	shalt  }
0x5d: {  	_ =	shalt  }
0x5e: {  	_ =	shalt  }
0x5f: {  	_ =	shalt  }
0x60: {  	_ =	shalt  }
0x61: {  	_ =	shalt  }
0x62: {  	_ =	shalt  }
0x63: {  	_ =	shalt  }
0x64: {  	_ =	shalt  }
0x65: {  	_ =	shalt  }
0x66: {  	_ =	shalt  }
0x67: {  	_ =	shalt  }
0x68: {  	_ =	shalt  }
0x69: {  	_ =	shalt  }
0x6a: {  	_ =	shalt  }
0x6b: {  	_ =	shalt  }
0x6c: {  	_ =	shalt  }
0x6d: {  	_ =	shalt  }
0x6e: {  	_ =	shalt  }
0x6f: {  	_ =	shalt  }
0x70: {  	_ =	shalt  }
0x71: {  	_ =	shalt  }
0x72: {  	_ =	shalt  }
0x73: {  	_ =	shalt  }
0x74: {  	_ =	shalt  }
0x75: {  	_ =	shalt  }
0x76: {  	_ =	shalt  }
0x77: {  	_ =	shalt  }
0x78: {  	_ =	shalt  }
0x79: {  	_ =	shalt  }
0x7a: {  	_ =	shalt  }
0x7b: {  	_ =	shalt  }
0x7c: {  	_ =	shalt  }
0x7d: {  	_ =	shalt  }
0x7e: {  	_ =	shalt  }
0x7f: {  	_ =	shalt  }
0x80: {  	_ =	shalt  }
0x81: {  	_ =	shalt  }
0x82: {  	_ =	shalt  }
0x83: {  	_ =	shalt  }
0x84: {  	_ =	shalt  }
0x85: {  	_ =	shalt  }
0x86: {  	_ =	shalt  }
0x87: {  	_ =	shalt  }
.Lfunc_end0:
.L_simem_size_0:
called_computation.1_lowered:
.L_overlay_start_0:
0x88: {  	s2 =	sld [smem:$0x3FD9]  }
0x89: {  	s3 =	sld [smem:$0x3FFE];
	_ =	sdelay $0x1  }
0x8a: {  	s1 =	srdreg.scid  }
0x8b: {  	s0 =	sand.u32 $0x1, s1  }
0x8c: {  	s16 =	sshll.u32 s0, $0xA;
	s2 =	sadd.s32 s3, s2  }
0x8d: {  	s2 =	sadd.s32 s2, s16  }
0x8e: {  	[smem:$0x3FBE] =	sst s2  }
0x8f: {  	_ = 	snop  }
0x90: {  	(tm) =	ssettm $0x1  }
0x91: {  	s17 =	sld [smem:$0x3FFB];
	_ =	sdelay $0x3  }
0x92: {  	_ =	strace s17  }
0x93: {  	s2 =	sld [smem:$0x3FFC];
	_ =	sdelay $0x3  }
0x94: {  	_ =	strace s2  }
0x95: {  	s2 =	sld [smem:$0x3FFD];
	_ =	sdelay $0x3  }
0x96: {  	_ =	strace s2  }
0x97: {  	_ =	strace $0x8FFFFFFF  }
0x98: {  	s18 =	sld [smem:$0x3FDB];
	_ =	sdelay $0x1  }
0x99: {  	s19 =	simm.s32 $_scs_section_size  }
0x9a: {  	s4 =	simm.s32 $_size__tile_overlayer_lowered;
	s5 =	simm.s32 $_tile_overlayer_lowered  }
0x9b: {  	s22 =	simm.s32 $0x1BFF;
	s21 =	sshll.u32 s5, $0x1;
	s2 =	sadd.s32 s19, s18  }
0x9c: {  	s6 =	simm.s32 $0x0;
	s20 =	sshll.u32 s4, $0x1;
	s4 =	sadd.s32 s21, s2  }
0x9d: {  	[timem:s6], [sflag:s22] =	dma.local [hbm:s4], s20  }
0x9e: {  	_ =	swait.ge [sflag:s22], s20  }
0x9f: {  	s3 =	ssub.s32 $0x0, s20;
	[sflag:s22] =	ssyncset.done $0x0  }
0xa0: {  	[sflag:s22] =	ssyncadd.s32 s3;
	_ =	sdelay $0x1  }
0xa1: {  	s23 =	simm.s32 $0x1B8B  }
0xa2: {  	_ =	swait.ge [sflag:s23], $0x1  }
0xa3: {  	[sflag:s23] =	ssyncset.done $0x0  }
0xa4: {  	s25 =	simm.s32 $0x1B8E;
	s24 =	sld [smem:$0x3FFE];
	[sflag:s23] =	ssyncadd.s32 $0xFFFFFFFF  }
0xa5: {  	s26 =	simm.s32 $execute0_lowered;
	[smem:$0x3FD2] =	sst s25  }
0xa6: {  	s4 =	sshll.u32 s26, $0x1;
	_ =	strace $0x80000049;
	[dreg:$0x1] =	wrdreg $0xFFFFFFFF  }
0xa7: {  	s28 =	simm.s32 $_size_execute0_lowered;
	s2 =	sadd.s32 s2, s4;
	[dreg:$0x0] =	wrdreg $0x0  }
0xa8: {  	s4 =	sshll.u32 s28, $0x1;
	[dreg:$0x2] =	wrdreg s2  }
0xa9: {  	[dreg:$0x3] =	wrdreg s4  }
0xaa: {  	[dreg:$0x4] =	wrdreg $0xC0  }
0xab: {  	_ =	task [dreg:s6], $0x5FFFF  }
0xac: {  	[dreg:$0x1] =	wrdreg $0xFFFFFFFF  }
0xad: {  	[dreg:$0x0] =	wrdreg $0x60  }
0xae: {  	[dreg:$0x2] =	wrdreg s24  }
0xaf: {  	[dreg:$0x3] =	wrdreg $0x52000  }
0xb0: {  	[dreg:$0x4] =	wrdreg $0x9  }
0xb1: {  	_ =	task.clear_ibuf [dreg:s6], $0x5FFFF;
	_ =	strace $0x90000049  }
0xb2: {  	s29 =	simm.s32 $0x9;
	_ =	strace $0x8000004B  }
0xb3: {  	_ =	swait.ge [sflag:s29], $0x1  }
0xb4: {  	[sflag:s29] =	ssyncadd.s32 $0xFFFFFFFF  }
0xb5: {  	_ =	strace $0x9000004B  }
0xb6: {  	_ =	sfence  }
0xb7: {  	s30 =	sld [smem:$0x0];
	_ =	sdelay $0x2  }
0xb8: {  	s31 =	sshll.u32 s1, $0xD;
	s1 =	sshrl.u32 s1, $0x2  }
0xb9: {  	s3 =	sand.u32 $0x4000, s31;
	s1 =	sadd.s32 s1, s30  }
0xba: {  	s0 =	sor.u32 s3, s0;
	s1 =	sshll.u32 s1, $0x11  }
0xbb: {  	s0 =	sor.u32 s1, s0  }
0xbc: {  	s0 =	sadd.s32 $0x8F2B, s0  }
0xbd: {  	[sflag:s0] =	ssyncadd.remote.s32 $0x1  }
0xbe: {  	_ =	sfence.sel $0xFFFF  }
0xbf: {  	[dreg:$0x0] =	wrdreg $0xFFFFFFFF;
	(pc) =	sbr.abs _section_cstart, $3  }
0xc0: {  	[dreg:$0x1] =	wrdreg $0xFFFFFFFF  }
0xc1: {  	_ =	task.clear_ibuf [dreg:s6], $0x2FFFF;
	_ =	strace $0x9FFFFFFF  }
0xc2: {  	(tm) =	ssettm $0x7FFFFFFF  }
0xc3: {  	_ =	shalt  }
tec
execute0_lowered:
.L_overlay_start_1:
0x0: {  	(tag) =	ssettag $0x1  }
0x1: {  	s0 =	rddreg [dreg:$0x0]  }
0x2: {  	s1 =	rddreg [dreg:$0x1];
	s2 =	simm.s32 $0x0;
	s3 =	srdreg.scid  }
0x3: {  	s25 =	stileid.u32;
	s19 =	simm.s32 $0x80;
	s20 =	simm.s32 $0x50  }
0x4: {  	s21 =	simm.s32 $0x2900;
	s23 =	simm.s32 $0x2980;
	s6 =	smul.u32 $0x29000, s25  }
0x5: {  	s28 =	simm.s32 $0x2;
	s29 =	simm.s32 $0x0;
	s10 =	smul.u32 $0x4E20, s25  }
0x6: {  	[smem:$0x7FF] =	sst s2;
	s12 =	sand.u32 $0x1, s3;
	s17 =	smul.u32 $0x28000, s25  }
0x7: {  	s4 =	sadd.s32 $0x16200, s0;
	s16 =	sadd.s32 $0xC400, s0;
	s18 =	smul.u32 $0x9C4, s25  }
0x8: {  	s15 =	sadd.s32 $0x2600, s0;
	s22 =	smul.u32 $0x1400, s25;
	s25 =	simm.s32 $0x2A00  }
0x9: {  	s5 =	smul.u32 $0x14000, s12;
	_ =	strace $0x8000004A;
	s7 =	ssub.s32 $0x2, s12  }
0xa: {  	s26 =	smul.u32 $0x1400, s12;
	s30 =	sshrl.u32 s6, $0x2;
	s31 =	sshrl.u32 s7, $0x1  }
0xb: {  	s11 =	sshrl.u32 s10, $0x3;
	s17 =	sshrl.u32 s17, $0x2;
	s0 =	sadd.s32 s5, s0  }
0xc: {  	s5 =	sadd.s32 s30, s1;
	s14 =	ssub.s32 s7, s31;
	s10 =	sadd.s32 s16, s11  }
0xd: {  	s13 =	sadd.s32 $0x9BA, s11;
	s11 =	sadd.s32 s15, s11;
	s24 =	sadd.s32 s17, s1  }
0xe: {  	s17 =	simm.s32 $0x100;
	v0 =	vmov s26;
	s26 =	simm.s32 $0x1;
	s6 =	sadd.s32 $0x2800, s5  }
0xf: {  	s7 =	sadd.s32 $0x5000, s5;
	s8 =	sadd.s32 $0x7800, s5;
	s9 =	sadd.s32 $0xA000, s5  }
0x10: {  	s12 =	sadd.s32 s16, s13;
	s13 =	sadd.s32 s15, s13;
	s0 =	sadd.s32 $0x66200, s0  }
0x11: {  	s14 =	smax.u32 s14, $0x1;
	s15 =	sadd.s32 s18, s15;
	s16 =	sadd.s32 s18, s16  }
0x12: {  	v1 =	vimm.f32 $0.0e+00;
	s18 =	simm.s32 $0x3;
	s24 =	sshrl.u32 s24, $0x3;
	s22 =	sadd.s32 s22, s0  }
.LBB2_1:
0x13: {  	s0 =	simm.s32 $0x70;
	s30 =	simm.s32 $0x3C0  }
.LBB2_2:
0x14: {  	p0 =	sne.s32 s30, $0x9FC0;
	[tilespmem:s0+$0x100] =	vst v1  }
0x15: {  	[tilespmem:s0+$0x90] =	vst v1  }
0x16: {  	[tilespmem:s0+$0xA0] =	vst v1  }
.Ltmp0:
0x17: {  	[tilespmem:s0+$0xB0] =	vst v1;
	(pc) =	sbr.rel @p0 .LBB2_2-.Ltmp0, $4  }
0x18: {  	[tilespmem:s0+$0xC0] =	vst v1  }
0x19: {  	[tilespmem:s0+$0xD0] =	vst v1  }
0x1a: {  	[tilespmem:s0+$0xE0] =	vst v1  }
0x1b: {  	[tilespmem:s0+$0xF0] =	vst v1;
	s0 =	sshra.s32 s30, $0x2;
	s30 =	sadd.s32 $0x200, s30  }
0x1c: {  	[tilespmem:s0+$0x100] =	vst v1  }
0x1d: {  	[tilespmem:s0+$0x90] =	vst v1  }
0x1e: {  	[tilespmem:s0+$0xA0] =	vst v1  }
0x1f: {  	[tilespmem:s0+$0xB0] =	vst v1  }
0x20: {  	[tilespmem:s0+$0xC0] =	vst v1  }
0x21: {  	[tilespmem:s0+$0xD0] =	vst v1  }
0x22: {  	[tilespmem:s0+$0xE0] =	vst v1  }
0x23: {  	[tilespmem:s0+$0xF0] =	vst v1  }
0x24: {  	[spmem:s5] =	stream.linear.scatter [tilespmem:s17], [sflag:$0x3], $0x2800, $0x38;
	[tilespmem:$0xF600] =	vst v63  }
0x25: {  	_ =	swait.ge [sflag:s18], $0x2800  }
0x26: {  	[sflag:s18] =	ssyncset.done $0x0  }
0x27: {  	[sflag:s18] =	ssyncadd.s32 $0xFFFFD800  }
0x28: {  	[spmem:s6] =	stream.linear.scatter [tilespmem:s17], [sflag:$0x3], $0x2800, $0x38;
	[tilespmem:$0xF600] =	vst v63  }
0x29: {  	_ =	swait.ge [sflag:s18], $0x2800  }
0x2a: {  	[sflag:s18] =	ssyncset.done $0x0  }
0x2b: {  	[sflag:s18] =	ssyncadd.s32 $0xFFFFD800  }
0x2c: {  	[spmem:s7] =	stream.linear.scatter [tilespmem:s17], [sflag:$0x3], $0x2800, $0x38;
	[tilespmem:$0xF600] =	vst v63  }
0x2d: {  	_ =	swait.ge [sflag:s18], $0x2800  }
0x2e: {  	[sflag:s18] =	ssyncset.done $0x0  }
0x2f: {  	[sflag:s18] =	ssyncadd.s32 $0xFFFFD800  }
0x30: {  	[spmem:s8] =	stream.linear.scatter [tilespmem:s17], [sflag:$0x3], $0x2800, $0x38;
	[tilespmem:$0xF600] =	vst v63  }
0x31: {  	_ =	swait.ge [sflag:s18], $0x2800  }
0x32: {  	[sflag:s18] =	ssyncset.done $0x0  }
0x33: {  	[sflag:s18] =	ssyncadd.s32 $0xFFFFD800  }
0x34: {  	[spmem:s9] =	stream.linear.scatter [tilespmem:s17], [sflag:$0x3], $0x400, $0x38;
	[tilespmem:$0xF600] =	vst v63  }
0x35: {  	_ =	swait.ge [sflag:s18], $0x400  }
0x36: {  	[sflag:s18] =	ssyncset.done $0x0  }
0x37: {  	[sflag:s18] =	ssyncadd.s32 $0xFFFFFC00  }
0x38: {  	[bflag:$0x0] =	sbarrier.arrive $0xFFFF  }
0x39: {  	[tilespmem:s2], [sflag:$0x3] =	stream.linear.gather [hbm4b:s10+s2], $0x50, $0x38;
	[tilespmem:$0xF600] =	vst v63  }
0x3a: {  	_ =	swait.ge [sflag:s18], $0x50  }
0x3b: {  	[sflag:s18] =	ssyncset.done $0x0  }
0x3c: {  	[sflag:s18] =	ssyncadd.s32 $0xFFFFFFB0  }
0x3d: {  	[tilespmem:s19], [sflag:$0x3] =	stream.linear.gather [hbm4b:s11+s2], $0x50, $0x38;
	[tilespmem:$0xF600] =	vst v63  }
0x3e: {  	_ =	swait.ge [sflag:s18], $0x50  }
0x3f: {  	[sflag:s18] =	ssyncset.done $0x0  }
0x40: {  	[sflag:s18] =	ssyncadd.s32 $0xFFFFFFB0  }
0x41: {  	v2 =	vld [tilespmem:$0x80]  }
0x42: {  	v3 =	vld [tilespmem:$0x90]  }
0x43: {  	v4 =	vld [tilespmem:$0xA0]  }
0x44: {  	v5 =	vld [tilespmem:$0xB0]  }
0x45: {  	v6 =	vld [tilespmem:$0xC0]  }
0x46: {  	v2 =	vsub.s32 v2, v0  }
0x47: {  	v3 =	vsub.s32 v3, v0;
	v2 =	vmin.u32 v2, $0x1400  }
0x48: {  	[tilespmem:$0x80] =	vst v2;
	v2 =	vmin.u32 v3, $0x1400;
	v3 =	vsub.s32 v4, v0  }
0x49: {  	[tilespmem:$0x90] =	vst v2;
	v2 =	vmin.u32 v3, $0x1400;
	v3 =	vsub.s32 v5, v0  }
0x4a: {  	[tilespmem:$0xA0] =	vst v2;
	v2 =	vmin.u32 v3, $0x1400;
	v3 =	vsub.s32 v6, v0  }
0x4b: {  	[tilespmem:$0xB0] =	vst v2;
	v2 =	vmin.u32 v3, $0x1400  }
0x4c: {  	s3 =	sadd.s32 $0xFFFFF650, s16;
	[tilespmem:$0xC0] =	vst v2  }
0x4d: {  	[tilespmem:s17], [sflag:$0x1] =	stream.indirect.gather [hbm4b:s4+s20], $0x80, s2, s20, $0xb8;
	[tilespmem:$0xF600] =	vst v63  }
0x4e: {  	s30 =	sadd.s32 $0x9BA, s3  }
0x4f: {  	[tilespmem:s21], [sflag:$0x3] =	stream.linear.gather [hbm4b:s30+s2], $0x50, $0x38;
	[tilespmem:$0xF600] =	vst v63  }
0x50: {  	_ =	swait.ge [sflag:s18], $0x50  }
0x51: {  	s30 =	sadd.s32 $0xFFFFF650, s15;
	[sflag:s18] =	ssyncset.done $0x0  }
0x52: {  	s31 =	sadd.s32 $0x9BA, s30;
	[sflag:s18] =	ssyncadd.s32 $0xFFFFFFB0  }
0x53: {  	[tilespmem:s23], [sflag:$0x3] =	stream.linear.gather [hbm4b:s31+s2], $0x50, $0x38;
	[tilespmem:$0xF600] =	vst v63  }
0x54: {  	_ =	swait.ge [sflag:s18], $0x50  }
0x55: {  	[sflag:s18] =	ssyncset.done $0x0  }
0x56: {  	[sflag:s18] =	ssyncadd.s32 $0xFFFFFFB0  }
0x57: {  	v2 =	vld [tilespmem:$0x29B0]  }
0x58: {  	v3 =	vld [tilespmem:$0x2990]  }
0x59: {  	v4 =	vld [tilespmem:$0x2980]  }
0x5a: {  	v5 =	vld [tilespmem:$0x29A0]  }
0x5b: {  	v62 =	vld [tilespmem:$0x29C0]  }
0x5c: {  	v2 =	vsub.s32 v2, v0  }
0x5d: {  	v3 =	vsub.s32 v3, v0;
	v2 =	vmin.u32 v2, $0x1400  }
0x5e: {  	v4 =	vsub.s32 v4, v0;
	v3 =	vmin.u32 v3, $0x1400;
	[tilespmem:$0x29B0] =	vst v2  }
0x5f: {  	v2 =	vmin.u32 v4, $0x1400;
	[tilespmem:$0x2990] =	vst v3;
	v3 =	vsub.s32 v5, v0  }
0x60: {  	[tilespmem:$0x2980] =	vst v2;
	v2 =	vmin.u32 v3, $0x1400;
	v3 =	vsub.s32 v62, v0  }
0x61: {  	[tilespmem:$0x29A0] =	vst v2;
	v2 =	vmin.u32 v3, $0x1400  }
0x62: {  	[tilespmem:$0x29C0] =	vst v2  }
0x63: {  	[tilespmem:s25], [sflag:$0x2] =	stream.indirect.gather [hbm4b:s4+s20], $0x80, s21, s20, $0xb8;
	[tilespmem:$0xF600] =	vst v63  }
0x64: {  	_ =	swait.ge [sflag:s26], $0x2800  }
0x65: {  	[sflag:s26] =	ssyncset.done $0x0  }
0x66: {  	[sflag:s26] =	ssyncadd.s32 $0xFFFFD800  }
0x67: {  	[spmem:s1] =	stream.indirect.scatter.add.f32 [tilespmem:s17], [sflag:$0x3], $0x80, s19, s20, $0xb8;
	[tilespmem:$0xF600] =	vst v63  }
0x68: {  	_ =	swait.ge [sflag:s18], $0x2800  }
0x69: {  	[sflag:s18] =	ssyncset.done $0x0  }
0x6a: {  	s0 =	sadd.s32 $0x9C4, s3;
	[sflag:s18] =	ssyncadd.s32 $0xFFFFD800  }
0x6b: {  	[tilespmem:s2], [sflag:$0x3] =	stream.linear.gather [hbm4b:s0+s2], $0x50, $0x38;
	[tilespmem:$0xF600] =	vst v63  }
0x6c: {  	_ =	swait.ge [sflag:s18], $0x50  }
0x6d: {  	[sflag:s18] =	ssyncset.done $0x0  }
0x6e: {  	s31 =	sadd.s32 $0x9C4, s30;
	[sflag:s18] =	ssyncadd.s32 $0xFFFFFFB0  }
0x6f: {  	[tilespmem:s19], [sflag:$0x3] =	stream.linear.gather [hbm4b:s31+s2], $0x50, $0x38;
	[tilespmem:$0xF600] =	vst v63  }
0x70: {  	_ =	swait.ge [sflag:s18], $0x50  }
0x71: {  	[sflag:s18] =	ssyncset.done $0x0  }
0x72: {  	[sflag:s18] =	ssyncadd.s32 $0xFFFFFFB0  }
0x73: {  	v2 =	vld [tilespmem:$0x80]  }
0x74: {  	v3 =	vld [tilespmem:$0xC0]  }
0x75: {  	v4 =	vld [tilespmem:$0xB0]  }
0x76: {  	v5 =	vld [tilespmem:$0x90]  }
0x77: {  	v63 =	vld [tilespmem:$0xA0]  }
0x78: {  	v2 =	vsub.s32 v2, v0  }
0x79: {  	v3 =	vsub.s32 v3, v0;
	v2 =	vmin.u32 v2, $0x1400  }
0x7a: {  	v3 =	vmin.u32 v3, $0x1400;
	[tilespmem:$0x80] =	vst v2;
	v2 =	vsub.s32 v4, v0  }
0x7b: {  	v4 =	vsub.s32 v5, v0;
	[tilespmem:$0xC0] =	vst v3;
	v5 =	vmin.u32 v2, $0x1400  }
0x7c: {  	s30 =	simm.s32 $0xFFFFF664;
	v3 =	vsub.s32 v63, v0;
	v2 =	vmin.u32 v4, $0x1400;
	[tilespmem:$0xB0] =	vst v5  }
.LBB2_4:
0x7d: {  	p0 =	sne.s32 s30, $0xFFFFFFEC;
	[tilespmem:$0x90] =	vst v2;
	v2 =	vmin.u32 v3, $0x1400;
	s0 =	smov.u32 s30;
	s30 =	sadd.s32 $0x14, s30  }
0x7e: {  	[tilespmem:$0xA0] =	vst v2  }
0x7f: {  	[tilespmem:s17], [sflag:$0x1] =	stream.indirect.gather [hbm4b:s4+s20], $0x80, s2, s20, $0xb8;
	[tilespmem:$0xF600] =	vst v63  }
0x80: {  	_ =	swait.ge [sflag:s28], $0x2800  }
0x81: {  	[sflag:s28] =	ssyncset.done $0x0  }
0x82: {  	[sflag:s28] =	ssyncadd.s32 $0xFFFFD800  }
0x83: {  	[spmem:s1] =	stream.indirect.scatter.add.f32 [tilespmem:s25], [sflag:$0x3], $0x80, s23, s20, $0xb8;
	[tilespmem:$0xF600] =	vst v63  }
0x84: {  	s31 =	sadd.s32 s0, s16;
	_ =	swait.ge [sflag:s18], $0x2800  }
0x85: {  	s3 =	sadd.s32 $0x9BA, s31;
	[sflag:s18] =	ssyncset.done $0x0  }
0x86: {  	[sflag:s18] =	ssyncadd.s32 $0xFFFFD800  }
0x87: {  	[tilespmem:s21], [sflag:$0x3] =	stream.linear.gather [hbm4b:s3+s2], $0x50, $0x38;
	[tilespmem:$0xF600] =	vst v63  }
0x88: {  	_ =	swait.ge [sflag:s18], $0x50  }
0x89: {  	s0 =	sadd.s32 s0, s15;
	[sflag:s18] =	ssyncset.done $0x0  }
0x8a: {  	s3 =	sadd.s32 $0x9BA, s0;
	[sflag:s18] =	ssyncadd.s32 $0xFFFFFFB0  }
0x8b: {  	[tilespmem:s23], [sflag:$0x3] =	stream.linear.gather [hbm4b:s3+s2], $0x50, $0x38;
	[tilespmem:$0xF600] =	vst v63  }
0x8c: {  	_ =	swait.ge [sflag:s18], $0x50  }
0x8d: {  	[sflag:s18] =	ssyncset.done $0x0  }
0x8e: {  	[sflag:s18] =	ssyncadd.s32 $0xFFFFFFB0  }
0x8f: {  	v2 =	vld [tilespmem:$0x29B0]  }
0x90: {  	v3 =	vld [tilespmem:$0x2990]  }
0x91: {  	v4 =	vld [tilespmem:$0x2980]  }
0x92: {  	v5 =	vld [tilespmem:$0x29A0]  }
0x93: {  	v6 =	vld [tilespmem:$0x29C0]  }
0x94: {  	v2 =	vsub.s32 v2, v0  }
0x95: {  	v3 =	vsub.s32 v3, v0;
	v2 =	vmin.u32 v2, $0x1400  }
0x96: {  	v4 =	vsub.s32 v4, v0;
	v3 =	vmin.u32 v3, $0x1400;
	[tilespmem:$0x29B0] =	vst v2  }
0x97: {  	v2 =	vmin.u32 v4, $0x1400;
	[tilespmem:$0x2990] =	vst v3;
	v3 =	vsub.s32 v5, v0  }
0x98: {  	[tilespmem:$0x2980] =	vst v2;
	v2 =	vmin.u32 v3, $0x1400;
	v3 =	vsub.s32 v6, v0  }
0x99: {  	[tilespmem:$0x29A0] =	vst v2;
	v2 =	vmin.u32 v3, $0x1400  }
0x9a: {  	[tilespmem:$0x29C0] =	vst v2  }
0x9b: {  	[tilespmem:s25], [sflag:$0x2] =	stream.indirect.gather [hbm4b:s4+s20], $0x80, s21, s20, $0xb8;
	[tilespmem:$0xF600] =	vst v63  }
0x9c: {  	_ =	swait.ge [sflag:s26], $0x2800  }
0x9d: {  	[sflag:s26] =	ssyncset.done $0x0  }
0x9e: {  	[sflag:s26] =	ssyncadd.s32 $0xFFFFD800  }
0x9f: {  	[spmem:s1] =	stream.indirect.scatter.add.f32 [tilespmem:s17], [sflag:$0x3], $0x80, s19, s20, $0xb8;
	[tilespmem:$0xF600] =	vst v63  }
0xa0: {  	_ =	swait.ge [sflag:s18], $0x2800  }
0xa1: {  	[sflag:s18] =	ssyncset.done $0x0  }
0xa2: {  	s3 =	sadd.s32 $0x9C4, s31;
	[sflag:s18] =	ssyncadd.s32 $0xFFFFD800  }
0xa3: {  	[tilespmem:s2], [sflag:$0x3] =	stream.linear.gather [hbm4b:s3+s2], $0x50, $0x38;
	[tilespmem:$0xF600] =	vst v63  }
0xa4: {  	_ =	swait.ge [sflag:s18], $0x50  }
0xa5: {  	[sflag:s18] =	ssyncset.done $0x0  }
0xa6: {  	s0 =	sadd.s32 $0x9C4, s0;
	[sflag:s18] =	ssyncadd.s32 $0xFFFFFFB0  }
0xa7: {  	[tilespmem:s19], [sflag:$0x3] =	stream.linear.gather [hbm4b:s0+s2], $0x50, $0x38;
	[tilespmem:$0xF600] =	vst v63  }
0xa8: {  	_ =	swait.ge [sflag:s18], $0x50  }
0xa9: {  	[sflag:s18] =	ssyncset.done $0x0  }
0xaa: {  	[sflag:s18] =	ssyncadd.s32 $0xFFFFFFB0  }
0xab: {  	v2 =	vld [tilespmem:$0x80]  }
0xac: {  	v3 =	vld [tilespmem:$0xC0]  }
0xad: {  	v4 =	vld [tilespmem:$0xB0]  }
0xae: {  	v5 =	vld [tilespmem:$0x90]  }
0xaf: {  	v6 =	vld [tilespmem:$0xA0]  }
.Ltmp1:
0xb0: {  	v2 =	vsub.s32 v2, v0;
	(pc) =	sbr.rel @p0 .LBB2_4-.Ltmp1, $4  }
0xb1: {  	v2 =	vmin.u32 v2, $0x1400;
	v3 =	vsub.s32 v3, v0  }
0xb2: {  	[tilespmem:$0x80] =	vst v2;
	v2 =	vsub.s32 v4, v0;
	v3 =	vmin.u32 v3, $0x1400  }
0xb3: {  	v4 =	vsub.s32 v5, v0;
	v5 =	vmin.u32 v2, $0x1400;
	[tilespmem:$0xC0] =	vst v3  }
0xb4: {  	v2 =	vmin.u32 v4, $0x1400;
	v3 =	vsub.s32 v6, v0;
	[tilespmem:$0xB0] =	vst v5  }
0xb5: {  	[tilespmem:$0x90] =	vst v2;
	v2 =	vmin.u32 v3, $0x1400  }
0xb6: {  	[tilespmem:$0xA0] =	vst v2  }
0xb7: {  	[tilespmem:s17], [sflag:$0x1] =	stream.indirect.gather [hbm4b:s4+s20], $0x80, s2, s20, $0xb8;
	[tilespmem:$0xF600] =	vst v63  }
0xb8: {  	_ =	swait.ge [sflag:s28], $0x2800  }
0xb9: {  	[sflag:s28] =	ssyncset.done $0x0  }
0xba: {  	[sflag:s28] =	ssyncadd.s32 $0xFFFFD800  }
0xbb: {  	[spmem:s1] =	stream.indirect.scatter.add.f32 [tilespmem:s25], [sflag:$0x3], $0x80, s23, s20, $0xb8;
	[tilespmem:$0xF600] =	vst v63  }
0xbc: {  	_ =	swait.ge [sflag:s18], $0x2800  }
0xbd: {  	[sflag:s18] =	ssyncset.done $0x0  }
0xbe: {  	[sflag:s18] =	ssyncadd.s32 $0xFFFFD800  }
0xbf: {  	[tilespmem:s21], [sflag:$0x3] =	stream.linear.gather [hbm4b:s12+s2], $0x50, $0x38;
	[tilespmem:$0xF600] =	vst v63  }
0xc0: {  	_ =	swait.ge [sflag:s18], $0x50  }
0xc1: {  	[sflag:s18] =	ssyncset.done $0x0  }
0xc2: {  	[sflag:s18] =	ssyncadd.s32 $0xFFFFFFB0  }
0xc3: {  	[tilespmem:s23], [sflag:$0x3] =	stream.linear.gather [hbm4b:s13+s2], $0x50, $0x38;
	[tilespmem:$0xF600] =	vst v63  }
0xc4: {  	_ =	swait.ge [sflag:s18], $0x50  }
0xc5: {  	[sflag:s18] =	ssyncset.done $0x0  }
0xc6: {  	[sflag:s18] =	ssyncadd.s32 $0xFFFFFFB0  }
0xc7: {  	v2 =	vld [tilespmem:$0x2980]  }
0xc8: {  	v3 =	vld [tilespmem:$0x2990]  }
0xc9: {  	v4 =	vld [tilespmem:$0x29A0]  }
0xca: {  	v5 =	vld [tilespmem:$0x29B0]  }
0xcb: {  	v6 =	vld [tilespmem:$0x29C0]  }
0xcc: {  	v2 =	vsub.s32 v2, v0  }
0xcd: {  	v3 =	vsub.s32 v3, v0;
	v2 =	vmin.u32 v2, $0x1400  }
0xce: {  	[tilespmem:$0x2980] =	vst v2;
	v2 =	vmin.u32 v3, $0x1400;
	v3 =	vsub.s32 v4, v0  }
0xcf: {  	[tilespmem:$0x2990] =	vst v2;
	v2 =	vmin.u32 v3, $0x1400;
	v3 =	vsub.s32 v5, v0  }
0xd0: {  	[tilespmem:$0x29A0] =	vst v2;
	v2 =	vmin.u32 v3, $0x1400;
	v3 =	vsub.s32 v6, v0  }
0xd1: {  	[tilespmem:$0x29B0] =	vst v2;
	v2 =	vmin.u32 v3, $0x1400  }
0xd2: {  	[tilespmem:$0x29C0] =	vst v2  }
0xd3: {  	[tilespmem:s25], [sflag:$0x2] =	stream.indirect.gather [hbm4b:s4+s20], $0x80, s21, s20, $0xb8;
	[tilespmem:$0xF600] =	vst v63  }
0xd4: {  	_ =	swait.ge [sflag:s26], $0x2800  }
0xd5: {  	[sflag:s26] =	ssyncset.done $0x0  }
0xd6: {  	[sflag:s26] =	ssyncadd.s32 $0xFFFFD800  }
0xd7: {  	[spmem:s1] =	stream.indirect.scatter.add.f32 [tilespmem:s17], [sflag:$0x3], $0x80, s19, s20, $0xb8;
	[tilespmem:$0xF600] =	vst v63  }
0xd8: {  	_ =	swait.ge [sflag:s18], $0x2800  }
0xd9: {  	[sflag:s18] =	ssyncset.done $0x0  }
0xda: {  	[sflag:s18] =	ssyncadd.s32 $0xFFFFD800  }
0xdb: {  	_ =	swait.ge [sflag:s28], $0x2800  }
0xdc: {  	[sflag:s28] =	ssyncset.done $0x0  }
0xdd: {  	[sflag:s28] =	ssyncadd.s32 $0xFFFFD800  }
0xde: {  	[spmem:s1] =	stream.indirect.scatter.add.f32 [tilespmem:s25], [sflag:$0x3], $0x80, s23, s20, $0xb8;
	[tilespmem:$0xF600] =	vst v63  }
0xdf: {  	_ =	swait.ge [sflag:s18], $0x2800  }
0xe0: {  	s0 =	stileid.u32;
	s29 =	sadd.s32 $0x1, s29;
	[sflag:s18] =	ssyncset.done $0x0  }
0xe1: {  	s0 =	sshll.u32 s0, $0x6;
	p0 =	sne.s32 s29, s14;
	[sflag:s18] =	ssyncadd.s32 $0xFFFFD800  }
.Ltmp2:
0xe2: {  	s0 =	sor.u32 $0x1C03, s0;
	[bflag:$0x0] =	sbarrier.arrive $0xFFFF;
	(pc) =	sbr.rel @p0 .LBB2_1-.Ltmp2, $4  }
0xe3: {  	[hbm:s22], [sflag:s0] =	dma.local [spmem:s24], $0x1400  }
0xe4: {  	_ =	swait.ge [sflag:s18], $0x1400  }
0xe5: {  	[sflag:s18] =	ssyncset.done $0x0  }
0xe6: {  	[sflag:s18] =	ssyncadd.s32 $0xFFFFEC00  }
0xe7: {  	_ =	sfence.sel $0x180000  }
0xe8: {  	[bflag:$0x0] =	sbarrier.arrive $0xFFFF  }
0xe9: {  	_ =	strace $0x9000004A  }
0xea: {  	s0 =	stileid.u32;
	[bflag:$0x2] =	sbarrier.arrive $0xFFFF  }
0xeb: {  	p0 =	sne.s32 s0, $0x0;
	s0 =	rddreg [dreg:$0x2]  }
0xec: {  	s0 =	sadd.s32 @!p0 $0x100000, s0  }
0xed: {  	[sflag:s0] =	ssyncadd.tile.s32 @!p0 $0x1;
	_ =	shalt  }
.Lfunc_end2:
_tile_overlayer_lowered:
.L_overlay_start_2:
0xee: {  	(tag) =	ssettag $0x2  }
0xef: {  	s0 =	rddreg [dreg:$0x0];
	s2 =	stileid.u32  }
0xf0: {  	s1 =	rddreg [dreg:$0x1];
	p0 =	sne.s32 s2, $0x0  }
0xf1: {  	s3 =	rddreg [dreg:$0x2];
	[bflag:$0x3] =	sbarrier.arrive $0xFFFF;
	s2 =	simm.s32 @!p0 $0x1C03  }
0xf2: {  	[timem:s3], [sflag:s2] =	dma.local @!p0 [hbm:s0], s1  }
0xf3: {  	s0 =	simm.s32 @!p0 $0x3  }
0xf4: {  	_ =	swait.ge @!p0 [sflag:s0], s1  }
0xf5: {  	s1 =	ssub.s32 @!p0 $0x0, s1;
	[sflag:s0] =	ssyncset.done @!p0 $0x0  }
0xf6: {  	[sflag:s0] =	ssyncadd.s32 @!p0 s1  }
0xf7: {  	[bflag:$0x3] =	sbarrier.arrive $0xFFFF  }
0xf8: {  	_ =	shalt  }

</sc_bundles>
